<compile_context>
chip_gen: v7x
topology: tpu7x:2x2x1
jax: 0.10.2.dev20260603
libtpu: 0.0.44.dev20260713+nightly
codegen_flags: <defaults>
</compile_context>

<pallas_src>
import functools

import jax
import jax.numpy as jnp
from jax import lax
from jax.experimental import pallas as pl
from jax.experimental.pallas import tpu as pltpu
from jax.experimental.pallas import tpu_sc as plsc

D = 768
F = 768
E = 8
S = 2048
T = 64
SPAD = S + E * T
NB = SPAD // T
NC = 2
NS = 16
NW = NC * NS
RPW = SPAD // NW
CHUNK = 512



_M16 = -65536


def _router_kernel(x_ref, wr_ref, pos_ref, dst_ref, bexp_ref, xp_ref):
    x = x_ref[...]
    xb = lax.bitcast_convert_type(
        x.astype(jnp.bfloat16).astype(jnp.float32), jnp.int32)
    xp_ref[...] = ((xb[:, D // 2:] & _M16)
                   | lax.shift_right_logical(xb[:, :D // 2], 16))
    logits = jnp.dot(x, wr_ref[...],
                     preferred_element_type=jnp.float32)
    m = jnp.max(logits, axis=1, keepdims=True)
    ex = jnp.exp(logits - m)
    probs = ex / jnp.sum(ex, axis=1, keepdims=True)
    pm = jnp.max(probs, axis=1, keepdims=True)
    eidx = lax.broadcasted_iota(jnp.int32, (S, E), 1)
    ids2 = jnp.where(probs == pm, eidx, E)
    eid = jnp.min(ids2, axis=1)
    oh = (eid[:, None] == eidx).astype(jnp.float32)

    counts = jnp.round(jnp.sum(oh, axis=0)).astype(jnp.int32)
    padded = ((counts + T - 1) // T) * T
    lt = (lax.broadcasted_iota(jnp.int32, (E, E), 1)
          < lax.broadcasted_iota(jnp.int32, (E, E), 0))
    starts = jnp.sum(jnp.where(lt, padded[None, :], 0), axis=1)
    cum_incl = starts + padded

    r128 = lax.broadcasted_iota(jnp.int32, (T, T), 0)
    c128 = lax.broadcasted_iota(jnp.int32, (T, T), 1)
    tri = (c128 < r128).astype(jnp.bfloat16)
    base = jnp.zeros((1, E), jnp.float32)
    pos_parts = []
    startsf = starts.astype(jnp.float32)
    for k in range(S // T):
        ohk = oh[k * T:(k + 1) * T]
        rk = jnp.dot(tri, ohk.astype(jnp.bfloat16),
                     preferred_element_type=jnp.float32)
        full = rk + base + startsf[None, :]
        pos_parts.append(jnp.sum(full * ohk, axis=1))
        base = base + jnp.sum(ohk, axis=0, keepdims=True)
    pos = jnp.concatenate(pos_parts, axis=0)
    pos_ref[...] = jnp.round(pos)[None, :].astype(jnp.int32)

    ti = lax.broadcasted_iota(jnp.int32, (1, S), 1)
    tq = (ti // 16).astype(jnp.float32)
    tr = (ti % 16).astype(jnp.float32)
    ones = jnp.ones((1, S), jnp.float32)
    lhs = jnp.concatenate([tq, tr, ones], axis=0).astype(jnp.bfloat16)
    dst_parts = []
    for c in range(SPAD // CHUNK):
        cols = (c * CHUNK
                + lax.broadcasted_iota(jnp.int32, (1, CHUNK), 1)
                ).astype(jnp.float32)
        mm = (pos[:, None] == cols).astype(jnp.bfloat16)
        acc = jnp.dot(lhs, mm, preferred_element_type=jnp.float32)
        srcc = 16.0 * acc[0:1] + acc[1:2]
        dstc = srcc + (1.0 - acc[2:3]) * (float(S) + jnp.mod(cols, 8.0))
        dst_parts.append(dstc)
    dst = jnp.concatenate(dst_parts, axis=1)
    dst_ref[...] = jnp.round(dst).astype(jnp.int32)

    gt = lax.broadcasted_iota(jnp.int32, (1, NB), 1) * T
    ge = (gt[:, :, None] >= cum_incl[None, None, :]).astype(jnp.int32)
    bexp_ref[0:1, :] = jnp.minimum(jnp.sum(ge, axis=2), E - 1)
    bexp_ref[1:2, :] = (gt < cum_incl[E - 1]).astype(jnp.int32)


def _router_call(x2, wr):
    return pl.pallas_call(
        _router_kernel,
        out_shape=(
            jax.ShapeDtypeStruct((1, S), jnp.int32),
            jax.ShapeDtypeStruct((1, SPAD), jnp.int32),
            jax.ShapeDtypeStruct((2, NB), jnp.int32),
            jax.ShapeDtypeStruct((S, D // 2), jnp.int32),
        ),
    )(x2, wr)



D2 = D // 2
NCH = 5
CH = RPW // NCH
TPW = S // NW
NCG = 4
CG = TPW // NCG


@functools.cache
def _sc_kernels():
    mesh = plsc.VectorSubcoreMesh(core_axis_name="c", subcore_axis_name="s")

    @functools.partial(
        pl.kernel,
        mesh=mesh,
        out_type=jax.ShapeDtypeStruct((SPAD, D2), jnp.int32),
        scratch_types=[
            pltpu.VMEM((NCG, CG), jnp.int32),
            pltpu.VMEM((NCG, CG, D2), jnp.int32),
            pltpu.SemaphoreType.DMA,
            pltpu.SemaphoreType.DMA,
        ],
    )
    def _sc_gather(pos_hbm, x_hbm, out_hbm, idx_v, rows_v, rsem, wsem):
        wid = lax.axis_index("s") * NC + lax.axis_index("c")
        base = wid * TPW
        pltpu.sync_copy(pos_hbm.at[wid], idx_v)
        reads = []
        for c in range(NCG):
            reads.append(pltpu.async_copy(
                x_hbm.at[pl.ds(base + c * CG, CG)], rows_v.at[c], rsem))
        writes = []
        for c in range(NCG):
            reads[c].wait()
            writes.append(
                pltpu.async_copy(rows_v.at[c], out_hbm.at[idx_v.at[c]], wsem))
        for w in writes:
            w.wait()

    @functools.partial(
        pl.kernel,
        mesh=mesh,
        out_type=jax.ShapeDtypeStruct((S + 8, D2), jnp.int32),
        scratch_types=[
            pltpu.VMEM((NCH, CH), jnp.int32),
            pltpu.VMEM((NCH, CH, D2), jnp.int32),
            pltpu.SemaphoreType.DMA,
            pltpu.SemaphoreType.DMA,
        ],
    )
    def _sc_scatter(ys_hbm, dst_hbm, out_hbm, idx_v, rows_v, rsem, wsem):
        wid = lax.axis_index("s") * NC + lax.axis_index("c")
        base = wid * RPW
        pltpu.sync_copy(dst_hbm.at[wid], idx_v)
        reads = []
        for c in range(NCH):
            reads.append(pltpu.async_copy(
                ys_hbm.at[pl.ds(base + c * CH, CH)], rows_v.at[c], rsem))
        writes = []
        for c in range(NCH):
            reads[c].wait()
            writes.append(
                pltpu.async_copy(rows_v.at[c], out_hbm.at[idx_v.at[c]], wsem))
        for w in writes:
            w.wait()

    return _sc_gather, _sc_scatter



def _unpack_f32(pk):
    lo = lax.bitcast_convert_type(lax.shift_left(pk, 16), jnp.float32)
    hi = lax.bitcast_convert_type(pk & _M16, jnp.float32)
    return jnp.concatenate([lo, hi], axis=1)


def _pack_i32(y):
    yb = lax.bitcast_convert_type(
        y.astype(jnp.bfloat16).astype(jnp.float32), jnp.int32)
    return ((yb[:, D // 2:] & _M16)
            | lax.shift_right_logical(yb[:, :D // 2], 16))


def _gmm_kernel(bexp_ref, xs_ref, wg_ref, wu_ref, wd_ref, ys_ref):
    @pl.when(bexp_ref[1, pl.program_id(0)] == 1)
    def _():
        xb = _unpack_f32(xs_ref[...]).astype(jnp.bfloat16)
        g = jnp.dot(xb, wg_ref[0].astype(jnp.bfloat16),
                    preferred_element_type=jnp.float32)
        u = jnp.dot(xb, wu_ref[0].astype(jnp.bfloat16),
                    preferred_element_type=jnp.float32)
        h = (g * lax.logistic(g) * u).astype(jnp.bfloat16)
        y = jnp.dot(h, wd_ref[0].astype(jnp.bfloat16),
                    preferred_element_type=jnp.float32)
        ys_ref[...] = _pack_i32(y)


def _gmm_call(bexp, xs, wg, wu, wd):
    grid_spec = pltpu.PrefetchScalarGridSpec(
        num_scalar_prefetch=1,
        grid=(NB,),
        in_specs=[
            pl.BlockSpec((T, D // 2), lambda g, be: (g, 0)),
            pl.BlockSpec((1, D, F), lambda g, be: (be[0, g], 0, 0)),
            pl.BlockSpec((1, D, F), lambda g, be: (be[0, g], 0, 0)),
            pl.BlockSpec((1, F, D), lambda g, be: (be[0, g], 0, 0)),
        ],
        out_specs=pl.BlockSpec((T, D // 2), lambda g, be: (g, 0)),
    )
    return pl.pallas_call(
        _gmm_kernel,
        grid_spec=grid_spec,
        out_shape=jax.ShapeDtypeStruct((SPAD, D // 2), jnp.int32),
    )(bexp, xs, wg, wu, wd)



_TB = 256

def _shared_kernel(x_ref, wsg_ref, wsu_ref, wsd_ref, y_ref):
    xb = x_ref[...].astype(jnp.bfloat16)
    g = jnp.dot(xb, wsg_ref[...].astype(jnp.bfloat16),
                preferred_element_type=jnp.float32)
    u = jnp.dot(xb, wsu_ref[...].astype(jnp.bfloat16),
                preferred_element_type=jnp.float32)
    h = (g * lax.logistic(g) * u).astype(jnp.bfloat16)
    y_ref[...] = jnp.dot(h, wsd_ref[...].astype(jnp.bfloat16),
                         preferred_element_type=jnp.float32)


def _shared_call(x2, wsg, wsu, wsd):
    return pl.pallas_call(
        _shared_kernel,
        grid=(S // _TB,),
        in_specs=[
            pl.BlockSpec((_TB, D), lambda g: (g, 0)),
            pl.BlockSpec((D, F), lambda g: (0, 0)),
            pl.BlockSpec((D, F), lambda g: (0, 0)),
            pl.BlockSpec((F, D), lambda g: (0, 0)),
        ],
        out_specs=pl.BlockSpec((_TB, D), lambda g: (g, 0)),
        out_shape=jax.ShapeDtypeStruct((S, D), jnp.float32),
    )(x2, wsg, wsu, wsd)


def _add_kernel(ysh_ref, yb_ref, y_ref):
    y_ref[...] = ysh_ref[...] + _unpack_f32(yb_ref[...])


def _add_call(ysh, yb):
    return pl.pallas_call(
        _add_kernel,
        grid=(S // _TB,),
        in_specs=[
            pl.BlockSpec((_TB, D), lambda g: (g, 0)),
            pl.BlockSpec((_TB, D // 2), lambda g: (g, 0)),
        ],
        out_specs=pl.BlockSpec((_TB, D), lambda g: (g, 0)),
        out_shape=jax.ShapeDtypeStruct((S, D), jnp.float32),
    )(ysh, yb)



def kernel(x, Wr, Wg, Wu, Wd, Wsg, Wsu, Wsd):
    x2 = x.reshape(S, D)
    _sc_gather, _sc_scatter = _sc_kernels()
    pos, dst, bexp, xp = _router_call(x2, Wr)
    ysh = _shared_call(x2, Wsg, Wsu, Wsd)
    xs = _sc_gather(pos.reshape(NW, NCG, CG), xp)
    ys = _gmm_call(bexp, xs, Wg, Wu, Wd)
    ybuf = _sc_scatter(ys, dst.reshape(NW, NCH, CH))
    y = _add_call(ysh, ybuf[:S])
    return y.reshape(1, S, D)

# --- scband reference (transcript-rebuilt; emitter-appended) ---
"""Pipeline reference for scband-mixture-of-experts-83365315215461 (READ-ONLY COPY).

The authoritative reference and input builder live on the scoring server;
editing this copy changes nothing except your own understanding.
"""

import jax, jax.numpy as jnp
import numpy as np

D_MODEL = 768
D_FF = 768
NUM_EXPERTS = 8
TOP_K_TOTAL = 2
N_SHARED = 1
TOP_K_ROUTED = max(1, TOP_K_TOTAL - N_SHARED)  # = 1
B, S = 1, 2048


def setup_inputs(seed: int = 0) -> dict:
    key = jax.random.key(seed)
    ks = jax.random.split(key, 8)
    x = jax.random.normal(ks[0], (B, S, D_MODEL), dtype=jnp.float32)
    Wr = jax.random.normal(ks[1], (D_MODEL, NUM_EXPERTS), dtype=jnp.float32) * 0.02
    Wg = jax.random.normal(ks[2], (NUM_EXPERTS, D_MODEL, D_FF), dtype=jnp.float32) * 0.02
    Wu = jax.random.normal(ks[3], (NUM_EXPERTS, D_MODEL, D_FF), dtype=jnp.float32) * 0.02
    Wd = jax.random.normal(ks[4], (NUM_EXPERTS, D_FF, D_MODEL), dtype=jnp.float32) * 0.02
    Wsg = jax.random.normal(ks[5], (D_MODEL, D_FF), dtype=jnp.float32) * 0.02
    Wsu = jax.random.normal(ks[6], (D_MODEL, D_FF), dtype=jnp.float32) * 0.02
    Wsd = jax.random.normal(ks[7], (D_FF, D_MODEL), dtype=jnp.float32) * 0.02
    return {"x": x, "Wr": Wr, "Wg": Wg, "Wu": Wu, "Wd": Wd, "Wsg": Wsg, "Wsu": Wsu, "Wsd": Wsd}


def reference(x, Wr, Wg, Wu, Wd, Wsg, Wsu, Wsd):
    # Router: logits -> softmax -> top-k (routed slots) -> renormalize
    router_logits = jnp.einsum('bsd,de->bse', x, Wr)
    router_probs = jax.nn.softmax(router_logits, axis=-1)
    gates, indices = jax.lax.top_k(router_probs, TOP_K_ROUTED)
    gates = gates / jnp.sum(gates, axis=-1, keepdims=True)

    # Routed experts: out = sum_e expert_e(x) * g_e, where g_e = sum over slots of gate*(idx==e)
    routed_out = jnp.zeros_like(x)
    for e in range(NUM_EXPERTS):
        mask = (indices == e).astype(x.dtype)              # [B, S, top_k_routed]
        g = jnp.sum(gates * mask, axis=-1, keepdims=True)  # [B, S, 1]
        gate_h = jax.nn.silu(jnp.einsum('bsd,df->bsf', x, Wg[e]))
        up_h = jnp.einsum('bsd,df->bsf', x, Wu[e])
        xout = jnp.einsum('bsf,fd->bsd', gate_h * up_h, Wd[e])
        routed_out = routed_out + xout * g

    # Shared expert (applied to all tokens)
    shared_gate = jax.nn.silu(jnp.einsum('bsd,df->bsf', x, Wsg))
    shared_up = jnp.einsum('bsd,df->bsf', x, Wsu)
    shared_out = jnp.einsum('bsf,fd->bsd', shared_gate * shared_up, Wsd)

    # dropout = 0.0 (inference), aux loss only in training mode -> None
    y = routed_out + shared_out
    return y

if __name__ == "__main__":
    import jax
    _d = setup_inputs()
    print(jax.jit(kernel)(*tuple(_d.values())))

</pallas_src>

<mosaic_0001>
#map = affine_map<(d0, d1) -> (0, 0, 0)>
#map1 = affine_map<(d0, d1) -> (0, 0)>
module attributes {stable_mosaic.version = 14 : i64} {
  func.func @_sc_gather(%arg0: i32, %arg1: i32, %arg2: memref<32x4x16xi32, #tpu.memory_space<hbm>>, %arg3: memref<2048x384xi32, #tpu.memory_space<hbm>>, %arg4: memref<2560x384xi32, #tpu.memory_space<hbm>>, %arg5: memref<4x16xi32, #tpu.memory_space<vmem>>, %arg6: memref<4x16x384xi32, #tpu.memory_space<vmem>>, %arg7: memref<!tpu.dma_semaphore, #tpu.memory_space<semaphore_mem>>, %arg8: memref<!tpu.dma_semaphore, #tpu.memory_space<semaphore_mem>>) attributes {dimension_semantics = [#tpu.dimension_semantics<core_parallel>, #tpu.dimension_semantics<subcore_parallel>], iteration_bounds = array<i64: 2, 16>, scalar_prefetch = 0 : i64, scratch_operands = 4 : i64, tpu.core_type = #tpu.core_type<sc_vector_subcore>, window_params = [{transform_indices = #map}, {transform_indices = #map1}, {transform_indices = #map1}]} {
    %mul3A = arith.constant 2 : i32
    %mul3A_0 = arith.muli %arg1, %mul3A : i32
    %add3A = arith.addi %mul3A_0, %arg0 : i32
    %mul3A_1 = arith.constant 64 : i32
    %mul3A_2 = arith.muli %add3A, %mul3A_1 : i32
    "tpu.region"() ({
      %run_scoped3A = tpu.sem_alloc : memref<!tpu.dma_semaphore, #tpu.memory_space<semaphore_mem>>
      %dma_start3A_209 = arith.constant 0 : i32
      %dma_start3A_210 = arith.constant 0 : i32
      %dma_start3A_211 = tpu.memref_slice %arg2[%add3A, %dma_start3A_209, %dma_start3A_210] : memref<32x4x16xi32, #tpu.memory_space<hbm>> -> memref<1x4x16xi32, #tpu.memory_space<hbm>>
      %dma_start3A_212 = tpu.memref_squeeze %dma_start3A_211 : memref<1x4x16xi32, #tpu.memory_space<hbm>> -> memref<4x16xi32, #tpu.memory_space<hbm>>
      %dma_start3A_213 = arith.constant 0 : i32
      %dma_start3A_214 = arith.constant 0 : i32
      %dma_start3A_215 = tpu.memref_slice %arg2[%add3A, %dma_start3A_213, %dma_start3A_214] : memref<32x4x16xi32, #tpu.memory_space<hbm>> -> memref<1x4x16xi32, #tpu.memory_space<hbm>>
      %dma_start3A_216 = tpu.memref_squeeze %dma_start3A_215 : memref<1x4x16xi32, #tpu.memory_space<hbm>> -> memref<4x16xi32, #tpu.memory_space<hbm>>
      tpu.enqueue_dma source(%dma_start3A_216 : memref<4x16xi32, #tpu.memory_space<hbm>>) target(%arg5 : memref<4x16xi32, #tpu.memory_space<vmem>>) target_semaphore(%run_scoped3A : memref<!tpu.dma_semaphore, #tpu.memory_space<semaphore_mem>>)
      %dma_wait3A_217 = arith.constant 0 : i32
      %dma_wait3A_218 = arith.constant 0 : i32
      %dma_wait3A_219 = tpu.memref_slice %arg2[%add3A, %dma_wait3A_217, %dma_wait3A_218] : memref<32x4x16xi32, #tpu.memory_space<hbm>> -> memref<1x4x16xi32, #tpu.memory_space<hbm>>
      %dma_wait3A_220 = tpu.memref_squeeze %dma_wait3A_219 : memref<1x4x16xi32, #tpu.memory_space<hbm>> -> memref<4x16xi32, #tpu.memory_space<hbm>>
      %dma_wait3A_221 = arith.constant 0 : i32
      %dma_wait3A_222 = arith.constant 0 : i32
      %dma_wait3A_223 = tpu.memref_slice %arg2[%add3A, %dma_wait3A_221, %dma_wait3A_222] : memref<32x4x16xi32, #tpu.memory_space<hbm>> -> memref<1x4x16xi32, #tpu.memory_space<hbm>>
      %dma_wait3A_224 = tpu.memref_squeeze %dma_wait3A_223 : memref<1x4x16xi32, #tpu.memory_space<hbm>> -> memref<4x16xi32, #tpu.memory_space<hbm>>
      tpu.wait_dma2 semaphore(%run_scoped3A : memref<!tpu.dma_semaphore, #tpu.memory_space<semaphore_mem>>) src(%dma_wait3A_224 : memref<4x16xi32, #tpu.memory_space<hbm>>) dst(%arg5 : memref<4x16xi32, #tpu.memory_space<vmem>>)
      tpu.yield
    }) : () -> ()
    %add3A_3 = arith.constant 0 : i32
    %add3A_4 = arith.addi %mul3A_2, %add3A_3 : i32
    %dma_start3A = arith.constant 0 : i32
    %dma_start3A_5 = arith.constant 0 : i32
    %dma_start3A_6 = arith.constant 0 : i32
    %dma_start3A_7 = tpu.memref_slice %arg6[%dma_start3A, %dma_start3A_5, %dma_start3A_6] : memref<4x16x384xi32, #tpu.memory_space<vmem>> -> memref<1x16x384xi32, #tpu.memory_space<vmem>>
    %dma_start3A_8 = tpu.memref_squeeze %dma_start3A_7 : memref<1x16x384xi32, #tpu.memory_space<vmem>> -> memref<16x384xi32, #tpu.memory_space<vmem>>
    %dma_start3A_9 = arith.constant 0 : i32
    %dma_start3A_10 = tpu.memref_slice %arg3[%add3A_4, %dma_start3A_9] : memref<2048x384xi32, #tpu.memory_space<hbm>> -> memref<16x384xi32, #tpu.memory_space<hbm>>
    %dma_start3A_11 = arith.constant 0 : i32
    %dma_start3A_12 = arith.constant 0 : i32
    %dma_start3A_13 = tpu.memref_slice %arg6[%dma_start3A, %dma_start3A_11, %dma_start3A_12] : memref<4x16x384xi32, #tpu.memory_space<vmem>> -> memref<1x16x384xi32, #tpu.memory_space<vmem>>
    %dma_start3A_14 = tpu.memref_squeeze %dma_start3A_13 : memref<1x16x384xi32, #tpu.memory_space<vmem>> -> memref<16x384xi32, #tpu.memory_space<vmem>>
    %dma_start3A_15 = arith.constant 0 : i32
    %dma_start3A_16 = tpu.memref_slice %arg3[%add3A_4, %dma_start3A_15] : memref<2048x384xi32, #tpu.memory_space<hbm>> -> memref<16x384xi32, #tpu.memory_space<hbm>>
    tpu.enqueue_dma source(%dma_start3A_16 : memref<16x384xi32, #tpu.memory_space<hbm>>) target(%dma_start3A_14 : memref<16x384xi32, #tpu.memory_space<vmem>>) target_semaphore(%arg7 : memref<!tpu.dma_semaphore, #tpu.memory_space<semaphore_mem>>)
    %add3A_17 = arith.constant 16 : i32
    %add3A_18 = arith.addi %mul3A_2, %add3A_17 : i32
    %dma_start3A_19 = arith.constant 1 : i32
    %dma_start3A_20 = arith.constant 0 : i32
    %dma_start3A_21 = arith.constant 0 : i32
    %dma_start3A_22 = tpu.memref_slice %arg6[%dma_start3A_19, %dma_start3A_20, %dma_start3A_21] : memref<4x16x384xi32, #tpu.memory_space<vmem>> -> memref<1x16x384xi32, #tpu.memory_space<vmem>>
    %dma_start3A_23 = tpu.memref_squeeze %dma_start3A_22 : memref<1x16x384xi32, #tpu.memory_space<vmem>> -> memref<16x384xi32, #tpu.memory_space<vmem>>
    %dma_start3A_24 = arith.constant 0 : i32
    %dma_start3A_25 = tpu.memref_slice %arg3[%add3A_18, %dma_start3A_24] : memref<2048x384xi32, #tpu.memory_space<hbm>> -> memref<16x384xi32, #tpu.memory_space<hbm>>
    %dma_start3A_26 = arith.constant 0 : i32
    %dma_start3A_27 = arith.constant 0 : i32
    %dma_start3A_28 = tpu.memref_slice %arg6[%dma_start3A_19, %dma_start3A_26, %dma_start3A_27] : memref<4x16x384xi32, #tpu.memory_space<vmem>> -> memref<1x16x384xi32, #tpu.memory_space<vmem>>
    %dma_start3A_29 = tpu.memref_squeeze %dma_start3A_28 : memref<1x16x384xi32, #tpu.memory_space<vmem>> -> memref<16x384xi32, #tpu.memory_space<vmem>>
    %dma_start3A_30 = arith.constant 0 : i32
    %dma_start3A_31 = tpu.memref_slice %arg3[%add3A_18, %dma_start3A_30] : memref<2048x384xi32, #tpu.memory_space<hbm>> -> memref<16x384xi32, #tpu.memory_space<hbm>>
    tpu.enqueue_dma source(%dma_start3A_31 : memref<16x384xi32, #tpu.memory_space<hbm>>) target(%dma_start3A_29 : memref<16x384xi32, #tpu.memory_space<vmem>>) target_semaphore(%arg7 : memref<!tpu.dma_semaphore, #tpu.memory_space<semaphore_mem>>)
    %add3A_32 = arith.constant 32 : i32
    %add3A_33 = arith.addi %mul3A_2, %add3A_32 : i32
    %dma_start3A_34 = arith.constant 2 : i32
    %dma_start3A_35 = arith.constant 0 : i32
    %dma_start3A_36 = arith.constant 0 : i32
    %dma_start3A_37 = tpu.memref_slice %arg6[%dma_start3A_34, %dma_start3A_35, %dma_start3A_36] : memref<4x16x384xi32, #tpu.memory_space<vmem>> -> memref<1x16x384xi32, #tpu.memory_space<vmem>>
    %dma_start3A_38 = tpu.memref_squeeze %dma_start3A_37 : memref<1x16x384xi32, #tpu.memory_space<vmem>> -> memref<16x384xi32, #tpu.memory_space<vmem>>
    %dma_start3A_39 = arith.constant 0 : i32
    %dma_start3A_40 = tpu.memref_slice %arg3[%add3A_33, %dma_start3A_39] : memref<2048x384xi32, #tpu.memory_space<hbm>> -> memref<16x384xi32, #tpu.memory_space<hbm>>
    %dma_start3A_41 = arith.constant 0 : i32
    %dma_start3A_42 = arith.constant 0 : i32
    %dma_start3A_43 = tpu.memref_slice %arg6[%dma_start3A_34, %dma_start3A_41, %dma_start3A_42] : memref<4x16x384xi32, #tpu.memory_space<vmem>> -> memref<1x16x384xi32, #tpu.memory_space<vmem>>
    %dma_start3A_44 = tpu.memref_squeeze %dma_start3A_43 : memref<1x16x384xi32, #tpu.memory_space<vmem>> -> memref<16x384xi32, #tpu.memory_space<vmem>>
    %dma_start3A_45 = arith.constant 0 : i32
    %dma_start3A_46 = tpu.memref_slice %arg3[%add3A_33, %dma_start3A_45] : memref<2048x384xi32, #tpu.memory_space<hbm>> -> memref<16x384xi32, #tpu.memory_space<hbm>>
    tpu.enqueue_dma source(%dma_start3A_46 : memref<16x384xi32, #tpu.memory_space<hbm>>) target(%dma_start3A_44 : memref<16x384xi32, #tpu.memory_space<vmem>>) target_semaphore(%arg7 : memref<!tpu.dma_semaphore, #tpu.memory_space<semaphore_mem>>)
    %add3A_47 = arith.constant 48 : i32
    %add3A_48 = arith.addi %mul3A_2, %add3A_47 : i32
    %dma_start3A_49 = arith.constant 3 : i32
    %dma_start3A_50 = arith.constant 0 : i32
    %dma_start3A_51 = arith.constant 0 : i32
    %dma_start3A_52 = tpu.memref_slice %arg6[%dma_start3A_49, %dma_start3A_50, %dma_start3A_51] : memref<4x16x384xi32, #tpu.memory_space<vmem>> -> memref<1x16x384xi32, #tpu.memory_space<vmem>>
    %dma_start3A_53 = tpu.memref_squeeze %dma_start3A_52 : memref<1x16x384xi32, #tpu.memory_space<vmem>> -> memref<16x384xi32, #tpu.memory_space<vmem>>
    %dma_start3A_54 = arith.constant 0 : i32
    %dma_start3A_55 = tpu.memref_slice %arg3[%add3A_48, %dma_start3A_54] : memref<2048x384xi32, #tpu.memory_space<hbm>> -> memref<16x384xi32, #tpu.memory_space<hbm>>
    %dma_start3A_56 = arith.constant 0 : i32
    %dma_start3A_57 = arith.constant 0 : i32
    %dma_start3A_58 = tpu.memref_slice %arg6[%dma_start3A_49, %dma_start3A_56, %dma_start3A_57] : memref<4x16x384xi32, #tpu.memory_space<vmem>> -> memref<1x16x384xi32, #tpu.memory_space<vmem>>
    %dma_start3A_59 = tpu.memref_squeeze %dma_start3A_58 : memref<1x16x384xi32, #tpu.memory_space<vmem>> -> memref<16x384xi32, #tpu.memory_space<vmem>>
    %dma_start3A_60 = arith.constant 0 : i32
    %dma_start3A_61 = tpu.memref_slice %arg3[%add3A_48, %dma_start3A_60] : memref<2048x384xi32, #tpu.memory_space<hbm>> -> memref<16x384xi32, #tpu.memory_space<hbm>>
    tpu.enqueue_dma source(%dma_start3A_61 : memref<16x384xi32, #tpu.memory_space<hbm>>) target(%dma_start3A_59 : memref<16x384xi32, #tpu.memory_space<vmem>>) target_semaphore(%arg7 : memref<!tpu.dma_semaphore, #tpu.memory_space<semaphore_mem>>)
    %dma_wait3A = arith.constant 0 : i32
    %dma_wait3A_62 = arith.constant 0 : i32
    %dma_wait3A_63 = arith.constant 0 : i32
    %dma_wait3A_64 = tpu.memref_slice %arg6[%dma_wait3A, %dma_wait3A_62, %dma_wait3A_63] : memref<4x16x384xi32, #tpu.memory_space<vmem>> -> memref<1x16x384xi32, #tpu.memory_space<vmem>>
    %dma_wait3A_65 = tpu.memref_squeeze %dma_wait3A_64 : memref<1x16x384xi32, #tpu.memory_space<vmem>> -> memref<16x384xi32, #tpu.memory_space<vmem>>
    %dma_wait3A_66 = arith.constant 0 : i32
    %dma_wait3A_67 = tpu.memref_slice %arg3[%add3A_4, %dma_wait3A_66] : memref<2048x384xi32, #tpu.memory_space<hbm>> -> memref<16x384xi32, #tpu.memory_space<hbm>>
    %dma_wait3A_68 = arith.constant 0 : i32
    %dma_wait3A_69 = arith.constant 0 : i32
    %dma_wait3A_70 = tpu.memref_slice %arg6[%dma_wait3A, %dma_wait3A_68, %dma_wait3A_69] : memref<4x16x384xi32, #tpu.memory_space<vmem>> -> memref<1x16x384xi32, #tpu.memory_space<vmem>>
    %dma_wait3A_71 = tpu.memref_squeeze %dma_wait3A_70 : memref<1x16x384xi32, #tpu.memory_space<vmem>> -> memref<16x384xi32, #tpu.memory_space<vmem>>
    %dma_wait3A_72 = arith.constant 0 : i32
    %dma_wait3A_73 = tpu.memref_slice %arg3[%add3A_4, %dma_wait3A_72] : memref<2048x384xi32, #tpu.memory_space<hbm>> -> memref<16x384xi32, #tpu.memory_space<hbm>>
    tpu.wait_dma2 semaphore(%arg7 : memref<!tpu.dma_semaphore, #tpu.memory_space<semaphore_mem>>) src(%dma_wait3A_73 : memref<16x384xi32, #tpu.memory_space<hbm>>) dst(%dma_wait3A_71 : memref<16x384xi32, #tpu.memory_space<vmem>>)
    %dma_start3A_74 = arith.constant 0 : i32
    %dma_start3A_75 = arith.constant 0 : i32
    %dma_start3A_76 = arith.constant 0 : i32
    %dma_start3A_77 = arith.constant 0 : i32
    %dma_start3A_78 = tpu.memref_slice %arg6[%dma_start3A_74, %dma_start3A_76, %dma_start3A_77] : memref<4x16x384xi32, #tpu.memory_space<vmem>> -> memref<1x16x384xi32, #tpu.memory_space<vmem>>
    %dma_start3A_79 = tpu.memref_squeeze %dma_start3A_78 : memref<1x16x384xi32, #tpu.memory_space<vmem>> -> memref<16x384xi32, #tpu.memory_space<vmem>>
    %dma_start3A_80 = arith.constant 0 : i32
    %dma_start3A_81 = tpu.memref_slice %arg5[%dma_start3A_75, %dma_start3A_80] : memref<4x16xi32, #tpu.memory_space<vmem>> -> memref<1x16xi32, #tpu.memory_space<vmem>>
    %dma_start3A_82 = tpu.memref_squeeze %dma_start3A_81 : memref<1x16xi32, #tpu.memory_space<vmem>> -> memref<16xi32, #tpu.memory_space<vmem>>
    %dma_start3A_83 = arith.constant 0 : i32
    %dma_start3A_84 = arith.constant 0 : i32
    %dma_start3A_85 = tpu.memref_slice %arg4[%dma_start3A_83, %dma_start3A_84] : memref<2560x384xi32, #tpu.memory_space<hbm>> -> memref<2560x384xi32, #tpu.memory_space<hbm>>
    tpu.enqueue_indirect_dma source(%dma_start3A_79 : memref<16x384xi32, #tpu.memory_space<vmem>>) target(%dma_start3A_85 : memref<2560x384xi32, #tpu.memory_space<hbm>>) offsets(%dma_start3A_82 : memref<16xi32, #tpu.memory_space<vmem>>) semaphore(%arg8 : memref<!tpu.dma_semaphore, #tpu.memory_space<semaphore_mem>>)
    %dma_wait3A_86 = arith.constant 1 : i32
    %dma_wait3A_87 = arith.constant 0 : i32
    %dma_wait3A_88 = arith.constant 0 : i32
    %dma_wait3A_89 = tpu.memref_slice %arg6[%dma_wait3A_86, %dma_wait3A_87, %dma_wait3A_88] : memref<4x16x384xi32, #tpu.memory_space<vmem>> -> memref<1x16x384xi32, #tpu.memory_space<vmem>>
    %dma_wait3A_90 = tpu.memref_squeeze %dma_wait3A_89 : memref<1x16x384xi32, #tpu.memory_space<vmem>> -> memref<16x384xi32, #tpu.memory_space<vmem>>
    %dma_wait3A_91 = arith.constant 0 : i32
    %dma_wait3A_92 = tpu.memref_slice %arg3[%add3A_18, %dma_wait3A_91] : memref<2048x384xi32, #tpu.memory_space<hbm>> -> memref<16x384xi32, #tpu.memory_space<hbm>>
    %dma_wait3A_93 = arith.constant 0 : i32
    %dma_wait3A_94 = arith.constant 0 : i32
    %dma_wait3A_95 = tpu.memref_slice %arg6[%dma_wait3A_86, %dma_wait3A_93, %dma_wait3A_94] : memref<4x16x384xi32, #tpu.memory_space<vmem>> -> memref<1x16x384xi32, #tpu.memory_space<vmem>>
    %dma_wait3A_96 = tpu.memref_squeeze %dma_wait3A_95 : memref<1x16x384xi32, #tpu.memory_space<vmem>> -> memref<16x384xi32, #tpu.memory_space<vmem>>
    %dma_wait3A_97 = arith.constant 0 : i32
    %dma_wait3A_98 = tpu.memref_slice %arg3[%add3A_18, %dma_wait3A_97] : memref<2048x384xi32, #tpu.memory_space<hbm>> -> memref<16x384xi32, #tpu.memory_space<hbm>>
    tpu.wait_dma2 semaphore(%arg7 : memref<!tpu.dma_semaphore, #tpu.memory_space<semaphore_mem>>) src(%dma_wait3A_98 : memref<16x384xi32, #tpu.memory_space<hbm>>) dst(%dma_wait3A_96 : memref<16x384xi32, #tpu.memory_space<vmem>>)
    %dma_start3A_99 = arith.constant 1 : i32
    %dma_start3A_100 = arith.constant 1 : i32
    %dma_start3A_101 = arith.constant 0 : i32
    %dma_start3A_102 = arith.constant 0 : i32
    %dma_start3A_103 = tpu.memref_slice %arg6[%dma_start3A_99, %dma_start3A_101, %dma_start3A_102] : memref<4x16x384xi32, #tpu.memory_space<vmem>> -> memref<1x16x384xi32, #tpu.memory_space<vmem>>
    %dma_start3A_104 = tpu.memref_squeeze %dma_start3A_103 : memref<1x16x384xi32, #tpu.memory_space<vmem>> -> memref<16x384xi32, #tpu.memory_space<vmem>>
    %dma_start3A_105 = arith.constant 0 : i32
    %dma_start3A_106 = tpu.memref_slice %arg5[%dma_start3A_100, %dma_start3A_105] : memref<4x16xi32, #tpu.memory_space<vmem>> -> memref<1x16xi32, #tpu.memory_space<vmem>>
    %dma_start3A_107 = tpu.memref_squeeze %dma_start3A_106 : memref<1x16xi32, #tpu.memory_space<vmem>> -> memref<16xi32, #tpu.memory_space<vmem>>
    %dma_start3A_108 = arith.constant 0 : i32
    %dma_start3A_109 = arith.constant 0 : i32
    %dma_start3A_110 = tpu.memref_slice %arg4[%dma_start3A_108, %dma_start3A_109] : memref<2560x384xi32, #tpu.memory_space<hbm>> -> memref<2560x384xi32, #tpu.memory_space<hbm>>
    tpu.enqueue_indirect_dma source(%dma_start3A_104 : memref<16x384xi32, #tpu.memory_space<vmem>>) target(%dma_start3A_110 : memref<2560x384xi32, #tpu.memory_space<hbm>>) offsets(%dma_start3A_107 : memref<16xi32, #tpu.memory_space<vmem>>) semaphore(%arg8 : memref<!tpu.dma_semaphore, #tpu.memory_space<semaphore_mem>>)
    %dma_wait3A_111 = arith.constant 2 : i32
    %dma_wait3A_112 = arith.constant 0 : i32
    %dma_wait3A_113 = arith.constant 0 : i32
    %dma_wait3A_114 = tpu.memref_slice %arg6[%dma_wait3A_111, %dma_wait3A_112, %dma_wait3A_113] : memref<4x16x384xi32, #tpu.memory_space<vmem>> -> memref<1x16x384xi32, #tpu.memory_space<vmem>>
    %dma_wait3A_115 = tpu.memref_squeeze %dma_wait3A_114 : memref<1x16x384xi32, #tpu.memory_space<vmem>> -> memref<16x384xi32, #tpu.memory_space<vmem>>
    %dma_wait3A_116 = arith.constant 0 : i32
    %dma_wait3A_117 = tpu.memref_slice %arg3[%add3A_33, %dma_wait3A_116] : memref<2048x384xi32, #tpu.memory_space<hbm>> -> memref<16x384xi32, #tpu.memory_space<hbm>>
    %dma_wait3A_118 = arith.constant 0 : i32
    %dma_wait3A_119 = arith.constant 0 : i32
    %dma_wait3A_120 = tpu.memref_slice %arg6[%dma_wait3A_111, %dma_wait3A_118, %dma_wait3A_119] : memref<4x16x384xi32, #tpu.memory_space<vmem>> -> memref<1x16x384xi32, #tpu.memory_space<vmem>>
    %dma_wait3A_121 = tpu.memref_squeeze %dma_wait3A_120 : memref<1x16x384xi32, #tpu.memory_space<vmem>> -> memref<16x384xi32, #tpu.memory_space<vmem>>
    %dma_wait3A_122 = arith.constant 0 : i32
    %dma_wait3A_123 = tpu.memref_slice %arg3[%add3A_33, %dma_wait3A_122] : memref<2048x384xi32, #tpu.memory_space<hbm>> -> memref<16x384xi32, #tpu.memory_space<hbm>>
    tpu.wait_dma2 semaphore(%arg7 : memref<!tpu.dma_semaphore, #tpu.memory_space<semaphore_mem>>) src(%dma_wait3A_123 : memref<16x384xi32, #tpu.memory_space<hbm>>) dst(%dma_wait3A_121 : memref<16x384xi32, #tpu.memory_space<vmem>>)
    %dma_start3A_124 = arith.constant 2 : i32
    %dma_start3A_125 = arith.constant 2 : i32
    %dma_start3A_126 = arith.constant 0 : i32
    %dma_start3A_127 = arith.constant 0 : i32
    %dma_start3A_128 = tpu.memref_slice %arg6[%dma_start3A_124, %dma_start3A_126, %dma_start3A_127] : memref<4x16x384xi32, #tpu.memory_space<vmem>> -> memref<1x16x384xi32, #tpu.memory_space<vmem>>
    %dma_start3A_129 = tpu.memref_squeeze %dma_start3A_128 : memref<1x16x384xi32, #tpu.memory_space<vmem>> -> memref<16x384xi32, #tpu.memory_space<vmem>>
    %dma_start3A_130 = arith.constant 0 : i32
    %dma_start3A_131 = tpu.memref_slice %arg5[%dma_start3A_125, %dma_start3A_130] : memref<4x16xi32, #tpu.memory_space<vmem>> -> memref<1x16xi32, #tpu.memory_space<vmem>>
    %dma_start3A_132 = tpu.memref_squeeze %dma_start3A_131 : memref<1x16xi32, #tpu.memory_space<vmem>> -> memref<16xi32, #tpu.memory_space<vmem>>
    %dma_start3A_133 = arith.constant 0 : i32
    %dma_start3A_134 = arith.constant 0 : i32
    %dma_start3A_135 = tpu.memref_slice %arg4[%dma_start3A_133, %dma_start3A_134] : memref<2560x384xi32, #tpu.memory_space<hbm>> -> memref<2560x384xi32, #tpu.memory_space<hbm>>
    tpu.enqueue_indirect_dma source(%dma_start3A_129 : memref<16x384xi32, #tpu.memory_space<vmem>>) target(%dma_start3A_135 : memref<2560x384xi32, #tpu.memory_space<hbm>>) offsets(%dma_start3A_132 : memref<16xi32, #tpu.memory_space<vmem>>) semaphore(%arg8 : memref<!tpu.dma_semaphore, #tpu.memory_space<semaphore_mem>>)
    %dma_wait3A_136 = arith.constant 3 : i32
    %dma_wait3A_137 = arith.constant 0 : i32
    %dma_wait3A_138 = arith.constant 0 : i32
    %dma_wait3A_139 = tpu.memref_slice %arg6[%dma_wait3A_136, %dma_wait3A_137, %dma_wait3A_138] : memref<4x16x384xi32, #tpu.memory_space<vmem>> -> memref<1x16x384xi32, #tpu.memory_space<vmem>>
    %dma_wait3A_140 = tpu.memref_squeeze %dma_wait3A_139 : memref<1x16x384xi32, #tpu.memory_space<vmem>> -> memref<16x384xi32, #tpu.memory_space<vmem>>
    %dma_wait3A_141 = arith.constant 0 : i32
    %dma_wait3A_142 = tpu.memref_slice %arg3[%add3A_48, %dma_wait3A_141] : memref<2048x384xi32, #tpu.memory_space<hbm>> -> memref<16x384xi32, #tpu.memory_space<hbm>>
    %dma_wait3A_143 = arith.constant 0 : i32
    %dma_wait3A_144 = arith.constant 0 : i32
    %dma_wait3A_145 = tpu.memref_slice %arg6[%dma_wait3A_136, %dma_wait3A_143, %dma_wait3A_144] : memref<4x16x384xi32, #tpu.memory_space<vmem>> -> memref<1x16x384xi32, #tpu.memory_space<vmem>>
    %dma_wait3A_146 = tpu.memref_squeeze %dma_wait3A_145 : memref<1x16x384xi32, #tpu.memory_space<vmem>> -> memref<16x384xi32, #tpu.memory_space<vmem>>
    %dma_wait3A_147 = arith.constant 0 : i32
    %dma_wait3A_148 = tpu.memref_slice %arg3[%add3A_48, %dma_wait3A_147] : memref<2048x384xi32, #tpu.memory_space<hbm>> -> memref<16x384xi32, #tpu.memory_space<hbm>>
    tpu.wait_dma2 semaphore(%arg7 : memref<!tpu.dma_semaphore, #tpu.memory_space<semaphore_mem>>) src(%dma_wait3A_148 : memref<16x384xi32, #tpu.memory_space<hbm>>) dst(%dma_wait3A_146 : memref<16x384xi32, #tpu.memory_space<vmem>>)
    %dma_start3A_149 = arith.constant 3 : i32
    %dma_start3A_150 = arith.constant 3 : i32
    %dma_start3A_151 = arith.constant 0 : i32
    %dma_start3A_152 = arith.constant 0 : i32
    %dma_start3A_153 = tpu.memref_slice %arg6[%dma_start3A_149, %dma_start3A_151, %dma_start3A_152] : memref<4x16x384xi32, #tpu.memory_space<vmem>> -> memref<1x16x384xi32, #tpu.memory_space<vmem>>
    %dma_start3A_154 = tpu.memref_squeeze %dma_start3A_153 : memref<1x16x384xi32, #tpu.memory_space<vmem>> -> memref<16x384xi32, #tpu.memory_space<vmem>>
    %dma_start3A_155 = arith.constant 0 : i32
    %dma_start3A_156 = tpu.memref_slice %arg5[%dma_start3A_150, %dma_start3A_155] : memref<4x16xi32, #tpu.memory_space<vmem>> -> memref<1x16xi32, #tpu.memory_space<vmem>>
    %dma_start3A_157 = tpu.memref_squeeze %dma_start3A_156 : memref<1x16xi32, #tpu.memory_space<vmem>> -> memref<16xi32, #tpu.memory_space<vmem>>
    %dma_start3A_158 = arith.constant 0 : i32
    %dma_start3A_159 = arith.constant 0 : i32
    %dma_start3A_160 = tpu.memref_slice %arg4[%dma_start3A_158, %dma_start3A_159] : memref<2560x384xi32, #tpu.memory_space<hbm>> -> memref<2560x384xi32, #tpu.memory_space<hbm>>
    tpu.enqueue_indirect_dma source(%dma_start3A_154 : memref<16x384xi32, #tpu.memory_space<vmem>>) target(%dma_start3A_160 : memref<2560x384xi32, #tpu.memory_space<hbm>>) offsets(%dma_start3A_157 : memref<16xi32, #tpu.memory_space<vmem>>) semaphore(%arg8 : memref<!tpu.dma_semaphore, #tpu.memory_space<semaphore_mem>>)
    %dma_wait3A_161 = arith.constant 0 : i32
    %dma_wait3A_162 = arith.constant 0 : i32
    %dma_wait3A_163 = arith.constant 0 : i32
    %dma_wait3A_164 = arith.constant 0 : i32
    %dma_wait3A_165 = tpu.memref_slice %arg6[%dma_wait3A_161, %dma_wait3A_163, %dma_wait3A_164] : memref<4x16x384xi32, #tpu.memory_space<vmem>> -> memref<1x16x384xi32, #tpu.memory_space<vmem>>
    %dma_wait3A_166 = tpu.memref_squeeze %dma_wait3A_165 : memref<1x16x384xi32, #tpu.memory_space<vmem>> -> memref<16x384xi32, #tpu.memory_space<vmem>>
    %dma_wait3A_167 = arith.constant 0 : i32
    %dma_wait3A_168 = tpu.memref_slice %arg5[%dma_wait3A_162, %dma_wait3A_167] : memref<4x16xi32, #tpu.memory_space<vmem>> -> memref<1x16xi32, #tpu.memory_space<vmem>>
    %dma_wait3A_169 = tpu.memref_squeeze %dma_wait3A_168 : memref<1x16xi32, #tpu.memory_space<vmem>> -> memref<16xi32, #tpu.memory_space<vmem>>
    %dma_wait3A_170 = arith.constant 0 : i32
    %dma_wait3A_171 = arith.constant 0 : i32
    %dma_wait3A_172 = tpu.memref_slice %arg4[%dma_wait3A_170, %dma_wait3A_171] : memref<2560x384xi32, #tpu.memory_space<hbm>> -> memref<2560x384xi32, #tpu.memory_space<hbm>>
    tpu.wait_indirect_dma semaphore(%arg8 : memref<!tpu.dma_semaphore, #tpu.memory_space<semaphore_mem>>) src(%dma_wait3A_166 : memref<16x384xi32, #tpu.memory_space<vmem>>) dst(%dma_wait3A_172 : memref<2560x384xi32, #tpu.memory_space<hbm>>)
    %dma_wait3A_173 = arith.constant 1 : i32
    %dma_wait3A_174 = arith.constant 1 : i32
    %dma_wait3A_175 = arith.constant 0 : i32
    %dma_wait3A_176 = arith.constant 0 : i32
    %dma_wait3A_177 = tpu.memref_slice %arg6[%dma_wait3A_173, %dma_wait3A_175, %dma_wait3A_176] : memref<4x16x384xi32, #tpu.memory_space<vmem>> -> memref<1x16x384xi32, #tpu.memory_space<vmem>>
    %dma_wait3A_178 = tpu.memref_squeeze %dma_wait3A_177 : memref<1x16x384xi32, #tpu.memory_space<vmem>> -> memref<16x384xi32, #tpu.memory_space<vmem>>
    %dma_wait3A_179 = arith.constant 0 : i32
    %dma_wait3A_180 = tpu.memref_slice %arg5[%dma_wait3A_174, %dma_wait3A_179] : memref<4x16xi32, #tpu.memory_space<vmem>> -> memref<1x16xi32, #tpu.memory_space<vmem>>
    %dma_wait3A_181 = tpu.memref_squeeze %dma_wait3A_180 : memref<1x16xi32, #tpu.memory_space<vmem>> -> memref<16xi32, #tpu.memory_space<vmem>>
    %dma_wait3A_182 = arith.constant 0 : i32
    %dma_wait3A_183 = arith.constant 0 : i32
    %dma_wait3A_184 = tpu.memref_slice %arg4[%dma_wait3A_182, %dma_wait3A_183] : memref<2560x384xi32, #tpu.memory_space<hbm>> -> memref<2560x384xi32, #tpu.memory_space<hbm>>
    tpu.wait_indirect_dma semaphore(%arg8 : memref<!tpu.dma_semaphore, #tpu.memory_space<semaphore_mem>>) src(%dma_wait3A_178 : memref<16x384xi32, #tpu.memory_space<vmem>>) dst(%dma_wait3A_184 : memref<2560x384xi32, #tpu.memory_space<hbm>>)
    %dma_wait3A_185 = arith.constant 2 : i32
    %dma_wait3A_186 = arith.constant 2 : i32
    %dma_wait3A_187 = arith.constant 0 : i32
    %dma_wait3A_188 = arith.constant 0 : i32
    %dma_wait3A_189 = tpu.memref_slice %arg6[%dma_wait3A_185, %dma_wait3A_187, %dma_wait3A_188] : memref<4x16x384xi32, #tpu.memory_space<vmem>> -> memref<1x16x384xi32, #tpu.memory_space<vmem>>
    %dma_wait3A_190 = tpu.memref_squeeze %dma_wait3A_189 : memref<1x16x384xi32, #tpu.memory_space<vmem>> -> memref<16x384xi32, #tpu.memory_space<vmem>>
    %dma_wait3A_191 = arith.constant 0 : i32
    %dma_wait3A_192 = tpu.memref_slice %arg5[%dma_wait3A_186, %dma_wait3A_191] : memref<4x16xi32, #tpu.memory_space<vmem>> -> memref<1x16xi32, #tpu.memory_space<vmem>>
    %dma_wait3A_193 = tpu.memref_squeeze %dma_wait3A_192 : memref<1x16xi32, #tpu.memory_space<vmem>> -> memref<16xi32, #tpu.memory_space<vmem>>
    %dma_wait3A_194 = arith.constant 0 : i32
    %dma_wait3A_195 = arith.constant 0 : i32
    %dma_wait3A_196 = tpu.memref_slice %arg4[%dma_wait3A_194, %dma_wait3A_195] : memref<2560x384xi32, #tpu.memory_space<hbm>> -> memref<2560x384xi32, #tpu.memory_space<hbm>>
    tpu.wait_indirect_dma semaphore(%arg8 : memref<!tpu.dma_semaphore, #tpu.memory_space<semaphore_mem>>) src(%dma_wait3A_190 : memref<16x384xi32, #tpu.memory_space<vmem>>) dst(%dma_wait3A_196 : memref<2560x384xi32, #tpu.memory_space<hbm>>)
    %dma_wait3A_197 = arith.constant 3 : i32
    %dma_wait3A_198 = arith.constant 3 : i32
    %dma_wait3A_199 = arith.constant 0 : i32
    %dma_wait3A_200 = arith.constant 0 : i32
    %dma_wait3A_201 = tpu.memref_slice %arg6[%dma_wait3A_197, %dma_wait3A_199, %dma_wait3A_200] : memref<4x16x384xi32, #tpu.memory_space<vmem>> -> memref<1x16x384xi32, #tpu.memory_space<vmem>>
    %dma_wait3A_202 = tpu.memref_squeeze %dma_wait3A_201 : memref<1x16x384xi32, #tpu.memory_space<vmem>> -> memref<16x384xi32, #tpu.memory_space<vmem>>
    %dma_wait3A_203 = arith.constant 0 : i32
    %dma_wait3A_204 = tpu.memref_slice %arg5[%dma_wait3A_198, %dma_wait3A_203] : memref<4x16xi32, #tpu.memory_space<vmem>> -> memref<1x16xi32, #tpu.memory_space<vmem>>
    %dma_wait3A_205 = tpu.memref_squeeze %dma_wait3A_204 : memref<1x16xi32, #tpu.memory_space<vmem>> -> memref<16xi32, #tpu.memory_space<vmem>>
    %dma_wait3A_206 = arith.constant 0 : i32
    %dma_wait3A_207 = arith.constant 0 : i32
    %dma_wait3A_208 = tpu.memref_slice %arg4[%dma_wait3A_206, %dma_wait3A_207] : memref<2560x384xi32, #tpu.memory_space<hbm>> -> memref<2560x384xi32, #tpu.memory_space<hbm>>
    tpu.wait_indirect_dma semaphore(%arg8 : memref<!tpu.dma_semaphore, #tpu.memory_space<semaphore_mem>>) src(%dma_wait3A_202 : memref<16x384xi32, #tpu.memory_space<vmem>>) dst(%dma_wait3A_208 : memref<2560x384xi32, #tpu.memory_space<hbm>>)
    return
  }
}

#map = affine_map<(d0, d1) -> (0, 0)>
#map1 = affine_map<(d0, d1) -> (0, 0, 0)>
module attributes {stable_mosaic.version = 14 : i64} {
  func.func @_sc_scatter(%arg0: i32, %arg1: i32, %arg2: memref<2560x384xi32, #tpu.memory_space<hbm>>, %arg3: memref<32x5x16xi32, #tpu.memory_space<hbm>>, %arg4: memref<2056x384xi32, #tpu.memory_space<hbm>>, %arg5: memref<5x16xi32, #tpu.memory_space<vmem>>, %arg6: memref<5x16x384xi32, #tpu.memory_space<vmem>>, %arg7: memref<!tpu.dma_semaphore, #tpu.memory_space<semaphore_mem>>, %arg8: memref<!tpu.dma_semaphore, #tpu.memory_space<semaphore_mem>>) attributes {dimension_semantics = [#tpu.dimension_semantics<core_parallel>, #tpu.dimension_semantics<subcore_parallel>], iteration_bounds = array<i64: 2, 16>, scalar_prefetch = 0 : i64, scratch_operands = 4 : i64, tpu.core_type = #tpu.core_type<sc_vector_subcore>, window_params = [{transform_indices = #map}, {transform_indices = #map1}, {transform_indices = #map}]} {
    %mul3A = arith.constant 2 : i32
    %mul3A_0 = arith.muli %arg1, %mul3A : i32
    %add3A = arith.addi %mul3A_0, %arg0 : i32
    %mul3A_1 = arith.constant 80 : i32
    %mul3A_2 = arith.muli %add3A, %mul3A_1 : i32
    "tpu.region"() ({
      %run_scoped3A = tpu.sem_alloc : memref<!tpu.dma_semaphore, #tpu.memory_space<semaphore_mem>>
      %dma_start3A_261 = arith.constant 0 : i32
      %dma_start3A_262 = arith.constant 0 : i32
      %dma_start3A_263 = tpu.memref_slice %arg3[%add3A, %dma_start3A_261, %dma_start3A_262] : memref<32x5x16xi32, #tpu.memory_space<hbm>> -> memref<1x5x16xi32, #tpu.memory_space<hbm>>
      %dma_start3A_264 = tpu.memref_squeeze %dma_start3A_263 : memref<1x5x16xi32, #tpu.memory_space<hbm>> -> memref<5x16xi32, #tpu.memory_space<hbm>>
      %dma_start3A_265 = arith.constant 0 : i32
      %dma_start3A_266 = arith.constant 0 : i32
      %dma_start3A_267 = tpu.memref_slice %arg3[%add3A, %dma_start3A_265, %dma_start3A_266] : memref<32x5x16xi32, #tpu.memory_space<hbm>> -> memref<1x5x16xi32, #tpu.memory_space<hbm>>
      %dma_start3A_268 = tpu.memref_squeeze %dma_start3A_267 : memref<1x5x16xi32, #tpu.memory_space<hbm>> -> memref<5x16xi32, #tpu.memory_space<hbm>>
      tpu.enqueue_dma source(%dma_start3A_268 : memref<5x16xi32, #tpu.memory_space<hbm>>) target(%arg5 : memref<5x16xi32, #tpu.memory_space<vmem>>) target_semaphore(%run_scoped3A : memref<!tpu.dma_semaphore, #tpu.memory_space<semaphore_mem>>)
      %dma_wait3A_269 = arith.constant 0 : i32
      %dma_wait3A_270 = arith.constant 0 : i32
      %dma_wait3A_271 = tpu.memref_slice %arg3[%add3A, %dma_wait3A_269, %dma_wait3A_270] : memref<32x5x16xi32, #tpu.memory_space<hbm>> -> memref<1x5x16xi32, #tpu.memory_space<hbm>>
      %dma_wait3A_272 = tpu.memref_squeeze %dma_wait3A_271 : memref<1x5x16xi32, #tpu.memory_space<hbm>> -> memref<5x16xi32, #tpu.memory_space<hbm>>
      %dma_wait3A_273 = arith.constant 0 : i32
      %dma_wait3A_274 = arith.constant 0 : i32
      %dma_wait3A_275 = tpu.memref_slice %arg3[%add3A, %dma_wait3A_273, %dma_wait3A_274] : memref<32x5x16xi32, #tpu.memory_space<hbm>> -> memref<1x5x16xi32, #tpu.memory_space<hbm>>
      %dma_wait3A_276 = tpu.memref_squeeze %dma_wait3A_275 : memref<1x5x16xi32, #tpu.memory_space<hbm>> -> memref<5x16xi32, #tpu.memory_space<hbm>>
      tpu.wait_dma2 semaphore(%run_scoped3A : memref<!tpu.dma_semaphore, #tpu.memory_space<semaphore_mem>>) src(%dma_wait3A_276 : memref<5x16xi32, #tpu.memory_space<hbm>>) dst(%arg5 : memref<5x16xi32, #tpu.memory_space<vmem>>)
      tpu.yield
    }) : () -> ()
    %add3A_3 = arith.constant 0 : i32
    %add3A_4 = arith.addi %mul3A_2, %add3A_3 : i32
    %dma_start3A = arith.constant 0 : i32
    %dma_start3A_5 = arith.constant 0 : i32
    %dma_start3A_6 = arith.constant 0 : i32
    %dma_start3A_7 = tpu.memref_slice %arg6[%dma_start3A, %dma_start3A_5, %dma_start3A_6] : memref<5x16x384xi32, #tpu.memory_space<vmem>> -> memref<1x16x384xi32, #tpu.memory_space<vmem>>
    %dma_start3A_8 = tpu.memref_squeeze %dma_start3A_7 : memref<1x16x384xi32, #tpu.memory_space<vmem>> -> memref<16x384xi32, #tpu.memory_space<vmem>>
    %dma_start3A_9 = arith.constant 0 : i32
    %dma_start3A_10 = tpu.memref_slice %arg2[%add3A_4, %dma_start3A_9] : memref<2560x384xi32, #tpu.memory_space<hbm>> -> memref<16x384xi32, #tpu.memory_space<hbm>>
    %dma_start3A_11 = arith.constant 0 : i32
    %dma_start3A_12 = arith.constant 0 : i32
    %dma_start3A_13 = tpu.memref_slice %arg6[%dma_start3A, %dma_start3A_11, %dma_start3A_12] : memref<5x16x384xi32, #tpu.memory_space<vmem>> -> memref<1x16x384xi32, #tpu.memory_space<vmem>>
    %dma_start3A_14 = tpu.memref_squeeze %dma_start3A_13 : memref<1x16x384xi32, #tpu.memory_space<vmem>> -> memref<16x384xi32, #tpu.memory_space<vmem>>
    %dma_start3A_15 = arith.constant 0 : i32
    %dma_start3A_16 = tpu.memref_slice %arg2[%add3A_4, %dma_start3A_15] : memref<2560x384xi32, #tpu.memory_space<hbm>> -> memref<16x384xi32, #tpu.memory_space<hbm>>
    tpu.enqueue_dma source(%dma_start3A_16 : memref<16x384xi32, #tpu.memory_space<hbm>>) target(%dma_start3A_14 : memref<16x384xi32, #tpu.memory_space<vmem>>) target_semaphore(%arg7 : memref<!tpu.dma_semaphore, #tpu.memory_space<semaphore_mem>>)
    %add3A_17 = arith.constant 16 : i32
    %add3A_18 = arith.addi %mul3A_2, %add3A_17 : i32
    %dma_start3A_19 = arith.constant 1 : i32
    %dma_start3A_20 = arith.constant 0 : i32
    %dma_start3A_21 = arith.constant 0 : i32
    %dma_start3A_22 = tpu.memref_slice %arg6[%dma_start3A_19, %dma_start3A_20, %dma_start3A_21] : memref<5x16x384xi32, #tpu.memory_space<vmem>> -> memref<1x16x384xi32, #tpu.memory_space<vmem>>
    %dma_start3A_23 = tpu.memref_squeeze %dma_start3A_22 : memref<1x16x384xi32, #tpu.memory_space<vmem>> -> memref<16x384xi32, #tpu.memory_space<vmem>>
    %dma_start3A_24 = arith.constant 0 : i32
    %dma_start3A_25 = tpu.memref_slice %arg2[%add3A_18, %dma_start3A_24] : memref<2560x384xi32, #tpu.memory_space<hbm>> -> memref<16x384xi32, #tpu.memory_space<hbm>>
    %dma_start3A_26 = arith.constant 0 : i32
    %dma_start3A_27 = arith.constant 0 : i32
    %dma_start3A_28 = tpu.memref_slice %arg6[%dma_start3A_19, %dma_start3A_26, %dma_start3A_27] : memref<5x16x384xi32, #tpu.memory_space<vmem>> -> memref<1x16x384xi32, #tpu.memory_space<vmem>>
    %dma_start3A_29 = tpu.memref_squeeze %dma_start3A_28 : memref<1x16x384xi32, #tpu.memory_space<vmem>> -> memref<16x384xi32, #tpu.memory_space<vmem>>
    %dma_start3A_30 = arith.constant 0 : i32
    %dma_start3A_31 = tpu.memref_slice %arg2[%add3A_18, %dma_start3A_30] : memref<2560x384xi32, #tpu.memory_space<hbm>> -> memref<16x384xi32, #tpu.memory_space<hbm>>
    tpu.enqueue_dma source(%dma_start3A_31 : memref<16x384xi32, #tpu.memory_space<hbm>>) target(%dma_start3A_29 : memref<16x384xi32, #tpu.memory_space<vmem>>) target_semaphore(%arg7 : memref<!tpu.dma_semaphore, #tpu.memory_space<semaphore_mem>>)
    %add3A_32 = arith.constant 32 : i32
    %add3A_33 = arith.addi %mul3A_2, %add3A_32 : i32
    %dma_start3A_34 = arith.constant 2 : i32
    %dma_start3A_35 = arith.constant 0 : i32
    %dma_start3A_36 = arith.constant 0 : i32
    %dma_start3A_37 = tpu.memref_slice %arg6[%dma_start3A_34, %dma_start3A_35, %dma_start3A_36] : memref<5x16x384xi32, #tpu.memory_space<vmem>> -> memref<1x16x384xi32, #tpu.memory_space<vmem>>
    %dma_start3A_38 = tpu.memref_squeeze %dma_start3A_37 : memref<1x16x384xi32, #tpu.memory_space<vmem>> -> memref<16x384xi32, #tpu.memory_space<vmem>>
    %dma_start3A_39 = arith.constant 0 : i32
    %dma_start3A_40 = tpu.memref_slice %arg2[%add3A_33, %dma_start3A_39] : memref<2560x384xi32, #tpu.memory_space<hbm>> -> memref<16x384xi32, #tpu.memory_space<hbm>>
    %dma_start3A_41 = arith.constant 0 : i32
    %dma_start3A_42 = arith.constant 0 : i32
    %dma_start3A_43 = tpu.memref_slice %arg6[%dma_start3A_34, %dma_start3A_41, %dma_start3A_42] : memref<5x16x384xi32, #tpu.memory_space<vmem>> -> memref<1x16x384xi32, #tpu.memory_space<vmem>>
    %dma_start3A_44 = tpu.memref_squeeze %dma_start3A_43 : memref<1x16x384xi32, #tpu.memory_space<vmem>> -> memref<16x384xi32, #tpu.memory_space<vmem>>
    %dma_start3A_45 = arith.constant 0 : i32
    %dma_start3A_46 = tpu.memref_slice %arg2[%add3A_33, %dma_start3A_45] : memref<2560x384xi32, #tpu.memory_space<hbm>> -> memref<16x384xi32, #tpu.memory_space<hbm>>
    tpu.enqueue_dma source(%dma_start3A_46 : memref<16x384xi32, #tpu.memory_space<hbm>>) target(%dma_start3A_44 : memref<16x384xi32, #tpu.memory_space<vmem>>) target_semaphore(%arg7 : memref<!tpu.dma_semaphore, #tpu.memory_space<semaphore_mem>>)
    %add3A_47 = arith.constant 48 : i32
    %add3A_48 = arith.addi %mul3A_2, %add3A_47 : i32
    %dma_start3A_49 = arith.constant 3 : i32
    %dma_start3A_50 = arith.constant 0 : i32
    %dma_start3A_51 = arith.constant 0 : i32
    %dma_start3A_52 = tpu.memref_slice %arg6[%dma_start3A_49, %dma_start3A_50, %dma_start3A_51] : memref<5x16x384xi32, #tpu.memory_space<vmem>> -> memref<1x16x384xi32, #tpu.memory_space<vmem>>
    %dma_start3A_53 = tpu.memref_squeeze %dma_start3A_52 : memref<1x16x384xi32, #tpu.memory_space<vmem>> -> memref<16x384xi32, #tpu.memory_space<vmem>>
    %dma_start3A_54 = arith.constant 0 : i32
    %dma_start3A_55 = tpu.memref_slice %arg2[%add3A_48, %dma_start3A_54] : memref<2560x384xi32, #tpu.memory_space<hbm>> -> memref<16x384xi32, #tpu.memory_space<hbm>>
    %dma_start3A_56 = arith.constant 0 : i32
    %dma_start3A_57 = arith.constant 0 : i32
    %dma_start3A_58 = tpu.memref_slice %arg6[%dma_start3A_49, %dma_start3A_56, %dma_start3A_57] : memref<5x16x384xi32, #tpu.memory_space<vmem>> -> memref<1x16x384xi32, #tpu.memory_space<vmem>>
    %dma_start3A_59 = tpu.memref_squeeze %dma_start3A_58 : memref<1x16x384xi32, #tpu.memory_space<vmem>> -> memref<16x384xi32, #tpu.memory_space<vmem>>
    %dma_start3A_60 = arith.constant 0 : i32
    %dma_start3A_61 = tpu.memref_slice %arg2[%add3A_48, %dma_start3A_60] : memref<2560x384xi32, #tpu.memory_space<hbm>> -> memref<16x384xi32, #tpu.memory_space<hbm>>
    tpu.enqueue_dma source(%dma_start3A_61 : memref<16x384xi32, #tpu.memory_space<hbm>>) target(%dma_start3A_59 : memref<16x384xi32, #tpu.memory_space<vmem>>) target_semaphore(%arg7 : memref<!tpu.dma_semaphore, #tpu.memory_space<semaphore_mem>>)
    %add3A_62 = arith.constant 64 : i32
    %add3A_63 = arith.addi %mul3A_2, %add3A_62 : i32
    %dma_start3A_64 = arith.constant 4 : i32
    %dma_start3A_65 = arith.constant 0 : i32
    %dma_start3A_66 = arith.constant 0 : i32
    %dma_start3A_67 = tpu.memref_slice %arg6[%dma_start3A_64, %dma_start3A_65, %dma_start3A_66] : memref<5x16x384xi32, #tpu.memory_space<vmem>> -> memref<1x16x384xi32, #tpu.memory_space<vmem>>
    %dma_start3A_68 = tpu.memref_squeeze %dma_start3A_67 : memref<1x16x384xi32, #tpu.memory_space<vmem>> -> memref<16x384xi32, #tpu.memory_space<vmem>>
    %dma_start3A_69 = arith.constant 0 : i32
    %dma_start3A_70 = tpu.memref_slice %arg2[%add3A_63, %dma_start3A_69] : memref<2560x384xi32, #tpu.memory_space<hbm>> -> memref<16x384xi32, #tpu.memory_space<hbm>>
    %dma_start3A_71 = arith.constant 0 : i32
    %dma_start3A_72 = arith.constant 0 : i32
    %dma_start3A_73 = tpu.memref_slice %arg6[%dma_start3A_64, %dma_start3A_71, %dma_start3A_72] : memref<5x16x384xi32, #tpu.memory_space<vmem>> -> memref<1x16x384xi32, #tpu.memory_space<vmem>>
    %dma_start3A_74 = tpu.memref_squeeze %dma_start3A_73 : memref<1x16x384xi32, #tpu.memory_space<vmem>> -> memref<16x384xi32, #tpu.memory_space<vmem>>
    %dma_start3A_75 = arith.constant 0 : i32
    %dma_start3A_76 = tpu.memref_slice %arg2[%add3A_63, %dma_start3A_75] : memref<2560x384xi32, #tpu.memory_space<hbm>> -> memref<16x384xi32, #tpu.memory_space<hbm>>
    tpu.enqueue_dma source(%dma_start3A_76 : memref<16x384xi32, #tpu.memory_space<hbm>>) target(%dma_start3A_74 : memref<16x384xi32, #tpu.memory_space<vmem>>) target_semaphore(%arg7 : memref<!tpu.dma_semaphore, #tpu.memory_space<semaphore_mem>>)
    %dma_wait3A = arith.constant 0 : i32
    %dma_wait3A_77 = arith.constant 0 : i32
    %dma_wait3A_78 = arith.constant 0 : i32
    %dma_wait3A_79 = tpu.memref_slice %arg6[%dma_wait3A, %dma_wait3A_77, %dma_wait3A_78] : memref<5x16x384xi32, #tpu.memory_space<vmem>> -> memref<1x16x384xi32, #tpu.memory_space<vmem>>
    %dma_wait3A_80 = tpu.memref_squeeze %dma_wait3A_79 : memref<1x16x384xi32, #tpu.memory_space<vmem>> -> memref<16x384xi32, #tpu.memory_space<vmem>>
    %dma_wait3A_81 = arith.constant 0 : i32
    %dma_wait3A_82 = tpu.memref_slice %arg2[%add3A_4, %dma_wait3A_81] : memref<2560x384xi32, #tpu.memory_space<hbm>> -> memref<16x384xi32, #tpu.memory_space<hbm>>
    %dma_wait3A_83 = arith.constant 0 : i32
    %dma_wait3A_84 = arith.constant 0 : i32
    %dma_wait3A_85 = tpu.memref_slice %arg6[%dma_wait3A, %dma_wait3A_83, %dma_wait3A_84] : memref<5x16x384xi32, #tpu.memory_space<vmem>> -> memref<1x16x384xi32, #tpu.memory_space<vmem>>
    %dma_wait3A_86 = tpu.memref_squeeze %dma_wait3A_85 : memref<1x16x384xi32, #tpu.memory_space<vmem>> -> memref<16x384xi32, #tpu.memory_space<vmem>>
    %dma_wait3A_87 = arith.constant 0 : i32
    %dma_wait3A_88 = tpu.memref_slice %arg2[%add3A_4, %dma_wait3A_87] : memref<2560x384xi32, #tpu.memory_space<hbm>> -> memref<16x384xi32, #tpu.memory_space<hbm>>
    tpu.wait_dma2 semaphore(%arg7 : memref<!tpu.dma_semaphore, #tpu.memory_space<semaphore_mem>>) src(%dma_wait3A_88 : memref<16x384xi32, #tpu.memory_space<hbm>>) dst(%dma_wait3A_86 : memref<16x384xi32, #tpu.memory_space<vmem>>)
    %dma_start3A_89 = arith.constant 0 : i32
    %dma_start3A_90 = arith.constant 0 : i32
    %dma_start3A_91 = arith.constant 0 : i32
    %dma_start3A_92 = arith.constant 0 : i32
    %dma_start3A_93 = tpu.memref_slice %arg6[%dma_start3A_89, %dma_start3A_91, %dma_start3A_92] : memref<5x16x384xi32, #tpu.memory_space<vmem>> -> memref<1x16x384xi32, #tpu.memory_space<vmem>>
    %dma_start3A_94 = tpu.memref_squeeze %dma_start3A_93 : memref<1x16x384xi32, #tpu.memory_space<vmem>> -> memref<16x384xi32, #tpu.memory_space<vmem>>
    %dma_start3A_95 = arith.constant 0 : i32
    %dma_start3A_96 = tpu.memref_slice %arg5[%dma_start3A_90, %dma_start3A_95] : memref<5x16xi32, #tpu.memory_space<vmem>> -> memref<1x16xi32, #tpu.memory_space<vmem>>
    %dma_start3A_97 = tpu.memref_squeeze %dma_start3A_96 : memref<1x16xi32, #tpu.memory_space<vmem>> -> memref<16xi32, #tpu.memory_space<vmem>>
    %dma_start3A_98 = arith.constant 0 : i32
    %dma_start3A_99 = arith.constant 0 : i32
    %dma_start3A_100 = tpu.memref_slice %arg4[%dma_start3A_98, %dma_start3A_99] : memref<2056x384xi32, #tpu.memory_space<hbm>> -> memref<2056x384xi32, #tpu.memory_space<hbm>>
    tpu.enqueue_indirect_dma source(%dma_start3A_94 : memref<16x384xi32, #tpu.memory_space<vmem>>) target(%dma_start3A_100 : memref<2056x384xi32, #tpu.memory_space<hbm>>) offsets(%dma_start3A_97 : memref<16xi32, #tpu.memory_space<vmem>>) semaphore(%arg8 : memref<!tpu.dma_semaphore, #tpu.memory_space<semaphore_mem>>)
    %dma_wait3A_101 = arith.constant 1 : i32
    %dma_wait3A_102 = arith.constant 0 : i32
    %dma_wait3A_103 = arith.constant 0 : i32
    %dma_wait3A_104 = tpu.memref_slice %arg6[%dma_wait3A_101, %dma_wait3A_102, %dma_wait3A_103] : memref<5x16x384xi32, #tpu.memory_space<vmem>> -> memref<1x16x384xi32, #tpu.memory_space<vmem>>
    %dma_wait3A_105 = tpu.memref_squeeze %dma_wait3A_104 : memref<1x16x384xi32, #tpu.memory_space<vmem>> -> memref<16x384xi32, #tpu.memory_space<vmem>>
    %dma_wait3A_106 = arith.constant 0 : i32
    %dma_wait3A_107 = tpu.memref_slice %arg2[%add3A_18, %dma_wait3A_106] : memref<2560x384xi32, #tpu.memory_space<hbm>> -> memref<16x384xi32, #tpu.memory_space<hbm>>
    %dma_wait3A_108 = arith.constant 0 : i32
    %dma_wait3A_109 = arith.constant 0 : i32
    %dma_wait3A_110 = tpu.memref_slice %arg6[%dma_wait3A_101, %dma_wait3A_108, %dma_wait3A_109] : memref<5x16x384xi32, #tpu.memory_space<vmem>> -> memref<1x16x384xi32, #tpu.memory_space<vmem>>
    %dma_wait3A_111 = tpu.memref_squeeze %dma_wait3A_110 : memref<1x16x384xi32, #tpu.memory_space<vmem>> -> memref<16x384xi32, #tpu.memory_space<vmem>>
    %dma_wait3A_112 = arith.constant 0 : i32
    %dma_wait3A_113 = tpu.memref_slice %arg2[%add3A_18, %dma_wait3A_112] : memref<2560x384xi32, #tpu.memory_space<hbm>> -> memref<16x384xi32, #tpu.memory_space<hbm>>
    tpu.wait_dma2 semaphore(%arg7 : memref<!tpu.dma_semaphore, #tpu.memory_space<semaphore_mem>>) src(%dma_wait3A_113 : memref<16x384xi32, #tpu.memory_space<hbm>>) dst(%dma_wait3A_111 : memref<16x384xi32, #tpu.memory_space<vmem>>)
    %dma_start3A_114 = arith.constant 1 : i32
    %dma_start3A_115 = arith.constant 1 : i32
    %dma_start3A_116 = arith.constant 0 : i32
    %dma_start3A_117 = arith.constant 0 : i32
    %dma_start3A_118 = tpu.memref_slice %arg6[%dma_start3A_114, %dma_start3A_116, %dma_start3A_117] : memref<5x16x384xi32, #tpu.memory_space<vmem>> -> memref<1x16x384xi32, #tpu.memory_space<vmem>>
    %dma_start3A_119 = tpu.memref_squeeze %dma_start3A_118 : memref<1x16x384xi32, #tpu.memory_space<vmem>> -> memref<16x384xi32, #tpu.memory_space<vmem>>
    %dma_start3A_120 = arith.constant 0 : i32
    %dma_start3A_121 = tpu.memref_slice %arg5[%dma_start3A_115, %dma_start3A_120] : memref<5x16xi32, #tpu.memory_space<vmem>> -> memref<1x16xi32, #tpu.memory_space<vmem>>
    %dma_start3A_122 = tpu.memref_squeeze %dma_start3A_121 : memref<1x16xi32, #tpu.memory_space<vmem>> -> memref<16xi32, #tpu.memory_space<vmem>>
    %dma_start3A_123 = arith.constant 0 : i32
    %dma_start3A_124 = arith.constant 0 : i32
    %dma_start3A_125 = tpu.memref_slice %arg4[%dma_start3A_123, %dma_start3A_124] : memref<2056x384xi32, #tpu.memory_space<hbm>> -> memref<2056x384xi32, #tpu.memory_space<hbm>>
    tpu.enqueue_indirect_dma source(%dma_start3A_119 : memref<16x384xi32, #tpu.memory_space<vmem>>) target(%dma_start3A_125 : memref<2056x384xi32, #tpu.memory_space<hbm>>) offsets(%dma_start3A_122 : memref<16xi32, #tpu.memory_space<vmem>>) semaphore(%arg8 : memref<!tpu.dma_semaphore, #tpu.memory_space<semaphore_mem>>)
    %dma_wait3A_126 = arith.constant 2 : i32
    %dma_wait3A_127 = arith.constant 0 : i32
    %dma_wait3A_128 = arith.constant 0 : i32
    %dma_wait3A_129 = tpu.memref_slice %arg6[%dma_wait3A_126, %dma_wait3A_127, %dma_wait3A_128] : memref<5x16x384xi32, #tpu.memory_space<vmem>> -> memref<1x16x384xi32, #tpu.memory_space<vmem>>
    %dma_wait3A_130 = tpu.memref_squeeze %dma_wait3A_129 : memref<1x16x384xi32, #tpu.memory_space<vmem>> -> memref<16x384xi32, #tpu.memory_space<vmem>>
    %dma_wait3A_131 = arith.constant 0 : i32
    %dma_wait3A_132 = tpu.memref_slice %arg2[%add3A_33, %dma_wait3A_131] : memref<2560x384xi32, #tpu.memory_space<hbm>> -> memref<16x384xi32, #tpu.memory_space<hbm>>
    %dma_wait3A_133 = arith.constant 0 : i32
    %dma_wait3A_134 = arith.constant 0 : i32
    %dma_wait3A_135 = tpu.memref_slice %arg6[%dma_wait3A_126, %dma_wait3A_133, %dma_wait3A_134] : memref<5x16x384xi32, #tpu.memory_space<vmem>> -> memref<1x16x384xi32, #tpu.memory_space<vmem>>
    %dma_wait3A_136 = tpu.memref_squeeze %dma_wait3A_135 : memref<1x16x384xi32, #tpu.memory_space<vmem>> -> memref<16x384xi32, #tpu.memory_space<vmem>>
    %dma_wait3A_137 = arith.constant 0 : i32
    %dma_wait3A_138 = tpu.memref_slice %arg2[%add3A_33, %dma_wait3A_137] : memref<2560x384xi32, #tpu.memory_space<hbm>> -> memref<16x384xi32, #tpu.memory_space<hbm>>
    tpu.wait_dma2 semaphore(%arg7 : memref<!tpu.dma_semaphore, #tpu.memory_space<semaphore_mem>>) src(%dma_wait3A_138 : memref<16x384xi32, #tpu.memory_space<hbm>>) dst(%dma_wait3A_136 : memref<16x384xi32, #tpu.memory_space<vmem>>)
    %dma_start3A_139 = arith.constant 2 : i32
    %dma_start3A_140 = arith.constant 2 : i32
    %dma_start3A_141 = arith.constant 0 : i32
    %dma_start3A_142 = arith.constant 0 : i32
    %dma_start3A_143 = tpu.memref_slice %arg6[%dma_start3A_139, %dma_start3A_141, %dma_start3A_142] : memref<5x16x384xi32, #tpu.memory_space<vmem>> -> memref<1x16x384xi32, #tpu.memory_space<vmem>>
    %dma_start3A_144 = tpu.memref_squeeze %dma_start3A_143 : memref<1x16x384xi32, #tpu.memory_space<vmem>> -> memref<16x384xi32, #tpu.memory_space<vmem>>
    %dma_start3A_145 = arith.constant 0 : i32
    %dma_start3A_146 = tpu.memref_slice %arg5[%dma_start3A_140, %dma_start3A_145] : memref<5x16xi32, #tpu.memory_space<vmem>> -> memref<1x16xi32, #tpu.memory_space<vmem>>
    %dma_start3A_147 = tpu.memref_squeeze %dma_start3A_146 : memref<1x16xi32, #tpu.memory_space<vmem>> -> memref<16xi32, #tpu.memory_space<vmem>>
    %dma_start3A_148 = arith.constant 0 : i32
    %dma_start3A_149 = arith.constant 0 : i32
    %dma_start3A_150 = tpu.memref_slice %arg4[%dma_start3A_148, %dma_start3A_149] : memref<2056x384xi32, #tpu.memory_space<hbm>> -> memref<2056x384xi32, #tpu.memory_space<hbm>>
    tpu.enqueue_indirect_dma source(%dma_start3A_144 : memref<16x384xi32, #tpu.memory_space<vmem>>) target(%dma_start3A_150 : memref<2056x384xi32, #tpu.memory_space<hbm>>) offsets(%dma_start3A_147 : memref<16xi32, #tpu.memory_space<vmem>>) semaphore(%arg8 : memref<!tpu.dma_semaphore, #tpu.memory_space<semaphore_mem>>)
    %dma_wait3A_151 = arith.constant 3 : i32
    %dma_wait3A_152 = arith.constant 0 : i32
    %dma_wait3A_153 = arith.constant 0 : i32
    %dma_wait3A_154 = tpu.memref_slice %arg6[%dma_wait3A_151, %dma_wait3A_152, %dma_wait3A_153] : memref<5x16x384xi32, #tpu.memory_space<vmem>> -> memref<1x16x384xi32, #tpu.memory_space<vmem>>
    %dma_wait3A_155 = tpu.memref_squeeze %dma_wait3A_154 : memref<1x16x384xi32, #tpu.memory_space<vmem>> -> memref<16x384xi32, #tpu.memory_space<vmem>>
    %dma_wait3A_156 = arith.constant 0 : i32
    %dma_wait3A_157 = tpu.memref_slice %arg2[%add3A_48, %dma_wait3A_156] : memref<2560x384xi32, #tpu.memory_space<hbm>> -> memref<16x384xi32, #tpu.memory_space<hbm>>
    %dma_wait3A_158 = arith.constant 0 : i32
    %dma_wait3A_159 = arith.constant 0 : i32
    %dma_wait3A_160 = tpu.memref_slice %arg6[%dma_wait3A_151, %dma_wait3A_158, %dma_wait3A_159] : memref<5x16x384xi32, #tpu.memory_space<vmem>> -> memref<1x16x384xi32, #tpu.memory_space<vmem>>
    %dma_wait3A_161 = tpu.memref_squeeze %dma_wait3A_160 : memref<1x16x384xi32, #tpu.memory_space<vmem>> -> memref<16x384xi32, #tpu.memory_space<vmem>>
    %dma_wait3A_162 = arith.constant 0 : i32
    %dma_wait3A_163 = tpu.memref_slice %arg2[%add3A_48, %dma_wait3A_162] : memref<2560x384xi32, #tpu.memory_space<hbm>> -> memref<16x384xi32, #tpu.memory_space<hbm>>
    tpu.wait_dma2 semaphore(%arg7 : memref<!tpu.dma_semaphore, #tpu.memory_space<semaphore_mem>>) src(%dma_wait3A_163 : memref<16x384xi32, #tpu.memory_space<hbm>>) dst(%dma_wait3A_161 : memref<16x384xi32, #tpu.memory_space<vmem>>)
    %dma_start3A_164 = arith.constant 3 : i32
    %dma_start3A_165 = arith.constant 3 : i32
    %dma_start3A_166 = arith.constant 0 : i32
    %dma_start3A_167 = arith.constant 0 : i32
    %dma_start3A_168 = tpu.memref_slice %arg6[%dma_start3A_164, %dma_start3A_166, %dma_start3A_167] : memref<5x16x384xi32, #tpu.memory_space<vmem>> -> memref<1x16x384xi32, #tpu.memory_space<vmem>>
    %dma_start3A_169 = tpu.memref_squeeze %dma_start3A_168 : memref<1x16x384xi32, #tpu.memory_space<vmem>> -> memref<16x384xi32, #tpu.memory_space<vmem>>
    %dma_start3A_170 = arith.constant 0 : i32
    %dma_start3A_171 = tpu.memref_slice %arg5[%dma_start3A_165, %dma_start3A_170] : memref<5x16xi32, #tpu.memory_space<vmem>> -> memref<1x16xi32, #tpu.memory_space<vmem>>
    %dma_start3A_172 = tpu.memref_squeeze %dma_start3A_171 : memref<1x16xi32, #tpu.memory_space<vmem>> -> memref<16xi32, #tpu.memory_space<vmem>>
    %dma_start3A_173 = arith.constant 0 : i32
    %dma_start3A_174 = arith.constant 0 : i32
    %dma_start3A_175 = tpu.memref_slice %arg4[%dma_start3A_173, %dma_start3A_174] : memref<2056x384xi32, #tpu.memory_space<hbm>> -> memref<2056x384xi32, #tpu.memory_space<hbm>>
    tpu.enqueue_indirect_dma source(%dma_start3A_169 : memref<16x384xi32, #tpu.memory_space<vmem>>) target(%dma_start3A_175 : memref<2056x384xi32, #tpu.memory_space<hbm>>) offsets(%dma_start3A_172 : memref<16xi32, #tpu.memory_space<vmem>>) semaphore(%arg8 : memref<!tpu.dma_semaphore, #tpu.memory_space<semaphore_mem>>)
    %dma_wait3A_176 = arith.constant 4 : i32
    %dma_wait3A_177 = arith.constant 0 : i32
    %dma_wait3A_178 = arith.constant 0 : i32
    %dma_wait3A_179 = tpu.memref_slice %arg6[%dma_wait3A_176, %dma_wait3A_177, %dma_wait3A_178] : memref<5x16x384xi32, #tpu.memory_space<vmem>> -> memref<1x16x384xi32, #tpu.memory_space<vmem>>
    %dma_wait3A_180 = tpu.memref_squeeze %dma_wait3A_179 : memref<1x16x384xi32, #tpu.memory_space<vmem>> -> memref<16x384xi32, #tpu.memory_space<vmem>>
    %dma_wait3A_181 = arith.constant 0 : i32
    %dma_wait3A_182 = tpu.memref_slice %arg2[%add3A_63, %dma_wait3A_181] : memref<2560x384xi32, #tpu.memory_space<hbm>> -> memref<16x384xi32, #tpu.memory_space<hbm>>
    %dma_wait3A_183 = arith.constant 0 : i32
    %dma_wait3A_184 = arith.constant 0 : i32
    %dma_wait3A_185 = tpu.memref_slice %arg6[%dma_wait3A_176, %dma_wait3A_183, %dma_wait3A_184] : memref<5x16x384xi32, #tpu.memory_space<vmem>> -> memref<1x16x384xi32, #tpu.memory_space<vmem>>
    %dma_wait3A_186 = tpu.memref_squeeze %dma_wait3A_185 : memref<1x16x384xi32, #tpu.memory_space<vmem>> -> memref<16x384xi32, #tpu.memory_space<vmem>>
    %dma_wait3A_187 = arith.constant 0 : i32
    %dma_wait3A_188 = tpu.memref_slice %arg2[%add3A_63, %dma_wait3A_187] : memref<2560x384xi32, #tpu.memory_space<hbm>> -> memref<16x384xi32, #tpu.memory_space<hbm>>
    tpu.wait_dma2 semaphore(%arg7 : memref<!tpu.dma_semaphore, #tpu.memory_space<semaphore_mem>>) src(%dma_wait3A_188 : memref<16x384xi32, #tpu.memory_space<hbm>>) dst(%dma_wait3A_186 : memref<16x384xi32, #tpu.memory_space<vmem>>)
    %dma_start3A_189 = arith.constant 4 : i32
    %dma_start3A_190 = arith.constant 4 : i32
    %dma_start3A_191 = arith.constant 0 : i32
    %dma_start3A_192 = arith.constant 0 : i32
    %dma_start3A_193 = tpu.memref_slice %arg6[%dma_start3A_189, %dma_start3A_191, %dma_start3A_192] : memref<5x16x384xi32, #tpu.memory_space<vmem>> -> memref<1x16x384xi32, #tpu.memory_space<vmem>>
    %dma_start3A_194 = tpu.memref_squeeze %dma_start3A_193 : memref<1x16x384xi32, #tpu.memory_space<vmem>> -> memref<16x384xi32, #tpu.memory_space<vmem>>
    %dma_start3A_195 = arith.constant 0 : i32
    %dma_start3A_196 = tpu.memref_slice %arg5[%dma_start3A_190, %dma_start3A_195] : memref<5x16xi32, #tpu.memory_space<vmem>> -> memref<1x16xi32, #tpu.memory_space<vmem>>
    %dma_start3A_197 = tpu.memref_squeeze %dma_start3A_196 : memref<1x16xi32, #tpu.memory_space<vmem>> -> memref<16xi32, #tpu.memory_space<vmem>>
    %dma_start3A_198 = arith.constant 0 : i32
    %dma_start3A_199 = arith.constant 0 : i32
    %dma_start3A_200 = tpu.memref_slice %arg4[%dma_start3A_198, %dma_start3A_199] : memref<2056x384xi32, #tpu.memory_space<hbm>> -> memref<2056x384xi32, #tpu.memory_space<hbm>>
    tpu.enqueue_indirect_dma source(%dma_start3A_194 : memref<16x384xi32, #tpu.memory_space<vmem>>) target(%dma_start3A_200 : memref<2056x384xi32, #tpu.memory_space<hbm>>) offsets(%dma_start3A_197 : memref<16xi32, #tpu.memory_space<vmem>>) semaphore(%arg8 : memref<!tpu.dma_semaphore, #tpu.memory_space<semaphore_mem>>)
    %dma_wait3A_201 = arith.constant 0 : i32
    %dma_wait3A_202 = arith.constant 0 : i32
    %dma_wait3A_203 = arith.constant 0 : i32
    %dma_wait3A_204 = arith.constant 0 : i32
    %dma_wait3A_205 = tpu.memref_slice %arg6[%dma_wait3A_201, %dma_wait3A_203, %dma_wait3A_204] : memref<5x16x384xi32, #tpu.memory_space<vmem>> -> memref<1x16x384xi32, #tpu.memory_space<vmem>>
    %dma_wait3A_206 = tpu.memref_squeeze %dma_wait3A_205 : memref<1x16x384xi32, #tpu.memory_space<vmem>> -> memref<16x384xi32, #tpu.memory_space<vmem>>
    %dma_wait3A_207 = arith.constant 0 : i32
    %dma_wait3A_208 = tpu.memref_slice %arg5[%dma_wait3A_202, %dma_wait3A_207] : memref<5x16xi32, #tpu.memory_space<vmem>> -> memref<1x16xi32, #tpu.memory_space<vmem>>
    %dma_wait3A_209 = tpu.memref_squeeze %dma_wait3A_208 : memref<1x16xi32, #tpu.memory_space<vmem>> -> memref<16xi32, #tpu.memory_space<vmem>>
    %dma_wait3A_210 = arith.constant 0 : i32
    %dma_wait3A_211 = arith.constant 0 : i32
    %dma_wait3A_212 = tpu.memref_slice %arg4[%dma_wait3A_210, %dma_wait3A_211] : memref<2056x384xi32, #tpu.memory_space<hbm>> -> memref<2056x384xi32, #tpu.memory_space<hbm>>
    tpu.wait_indirect_dma semaphore(%arg8 : memref<!tpu.dma_semaphore, #tpu.memory_space<semaphore_mem>>) src(%dma_wait3A_206 : memref<16x384xi32, #tpu.memory_space<vmem>>) dst(%dma_wait3A_212 : memref<2056x384xi32, #tpu.memory_space<hbm>>)
    %dma_wait3A_213 = arith.constant 1 : i32
    %dma_wait3A_214 = arith.constant 1 : i32
    %dma_wait3A_215 = arith.constant 0 : i32
    %dma_wait3A_216 = arith.constant 0 : i32
    %dma_wait3A_217 = tpu.memref_slice %arg6[%dma_wait3A_213, %dma_wait3A_215, %dma_wait3A_216] : memref<5x16x384xi32, #tpu.memory_space<vmem>> -> memref<1x16x384xi32, #tpu.memory_space<vmem>>
    %dma_wait3A_218 = tpu.memref_squeeze %dma_wait3A_217 : memref<1x16x384xi32, #tpu.memory_space<vmem>> -> memref<16x384xi32, #tpu.memory_space<vmem>>
    %dma_wait3A_219 = arith.constant 0 : i32
    %dma_wait3A_220 = tpu.memref_slice %arg5[%dma_wait3A_214, %dma_wait3A_219] : memref<5x16xi32, #tpu.memory_space<vmem>> -> memref<1x16xi32, #tpu.memory_space<vmem>>
    %dma_wait3A_221 = tpu.memref_squeeze %dma_wait3A_220 : memref<1x16xi32, #tpu.memory_space<vmem>> -> memref<16xi32, #tpu.memory_space<vmem>>
    %dma_wait3A_222 = arith.constant 0 : i32
    %dma_wait3A_223 = arith.constant 0 : i32
    %dma_wait3A_224 = tpu.memref_slice %arg4[%dma_wait3A_222, %dma_wait3A_223] : memref<2056x384xi32, #tpu.memory_space<hbm>> -> memref<2056x384xi32, #tpu.memory_space<hbm>>
    tpu.wait_indirect_dma semaphore(%arg8 : memref<!tpu.dma_semaphore, #tpu.memory_space<semaphore_mem>>) src(%dma_wait3A_218 : memref<16x384xi32, #tpu.memory_space<vmem>>) dst(%dma_wait3A_224 : memref<2056x384xi32, #tpu.memory_space<hbm>>)
    %dma_wait3A_225 = arith.constant 2 : i32
    %dma_wait3A_226 = arith.constant 2 : i32
    %dma_wait3A_227 = arith.constant 0 : i32
    %dma_wait3A_228 = arith.constant 0 : i32
    %dma_wait3A_229 = tpu.memref_slice %arg6[%dma_wait3A_225, %dma_wait3A_227, %dma_wait3A_228] : memref<5x16x384xi32, #tpu.memory_space<vmem>> -> memref<1x16x384xi32, #tpu.memory_space<vmem>>
    %dma_wait3A_230 = tpu.memref_squeeze %dma_wait3A_229 : memref<1x16x384xi32, #tpu.memory_space<vmem>> -> memref<16x384xi32, #tpu.memory_space<vmem>>
    %dma_wait3A_231 = arith.constant 0 : i32
    %dma_wait3A_232 = tpu.memref_slice %arg5[%dma_wait3A_226, %dma_wait3A_231] : memref<5x16xi32, #tpu.memory_space<vmem>> -> memref<1x16xi32, #tpu.memory_space<vmem>>
    %dma_wait3A_233 = tpu.memref_squeeze %dma_wait3A_232 : memref<1x16xi32, #tpu.memory_space<vmem>> -> memref<16xi32, #tpu.memory_space<vmem>>
    %dma_wait3A_234 = arith.constant 0 : i32
    %dma_wait3A_235 = arith.constant 0 : i32
    %dma_wait3A_236 = tpu.memref_slice %arg4[%dma_wait3A_234, %dma_wait3A_235] : memref<2056x384xi32, #tpu.memory_space<hbm>> -> memref<2056x384xi32, #tpu.memory_space<hbm>>
    tpu.wait_indirect_dma semaphore(%arg8 : memref<!tpu.dma_semaphore, #tpu.memory_space<semaphore_mem>>) src(%dma_wait3A_230 : memref<16x384xi32, #tpu.memory_space<vmem>>) dst(%dma_wait3A_236 : memref<2056x384xi32, #tpu.memory_space<hbm>>)
    %dma_wait3A_237 = arith.constant 3 : i32
    %dma_wait3A_238 = arith.constant 3 : i32
    %dma_wait3A_239 = arith.constant 0 : i32
    %dma_wait3A_240 = arith.constant 0 : i32
    %dma_wait3A_241 = tpu.memref_slice %arg6[%dma_wait3A_237, %dma_wait3A_239, %dma_wait3A_240] : memref<5x16x384xi32, #tpu.memory_space<vmem>> -> memref<1x16x384xi32, #tpu.memory_space<vmem>>
    %dma_wait3A_242 = tpu.memref_squeeze %dma_wait3A_241 : memref<1x16x384xi32, #tpu.memory_space<vmem>> -> memref<16x384xi32, #tpu.memory_space<vmem>>
    %dma_wait3A_243 = arith.constant 0 : i32
    %dma_wait3A_244 = tpu.memref_slice %arg5[%dma_wait3A_238, %dma_wait3A_243] : memref<5x16xi32, #tpu.memory_space<vmem>> -> memref<1x16xi32, #tpu.memory_space<vmem>>
    %dma_wait3A_245 = tpu.memref_squeeze %dma_wait3A_244 : memref<1x16xi32, #tpu.memory_space<vmem>> -> memref<16xi32, #tpu.memory_space<vmem>>
    %dma_wait3A_246 = arith.constant 0 : i32
    %dma_wait3A_247 = arith.constant 0 : i32
    %dma_wait3A_248 = tpu.memref_slice %arg4[%dma_wait3A_246, %dma_wait3A_247] : memref<2056x384xi32, #tpu.memory_space<hbm>> -> memref<2056x384xi32, #tpu.memory_space<hbm>>
    tpu.wait_indirect_dma semaphore(%arg8 : memref<!tpu.dma_semaphore, #tpu.memory_space<semaphore_mem>>) src(%dma_wait3A_242 : memref<16x384xi32, #tpu.memory_space<vmem>>) dst(%dma_wait3A_248 : memref<2056x384xi32, #tpu.memory_space<hbm>>)
    %dma_wait3A_249 = arith.constant 4 : i32
    %dma_wait3A_250 = arith.constant 4 : i32
    %dma_wait3A_251 = arith.constant 0 : i32
    %dma_wait3A_252 = arith.constant 0 : i32
    %dma_wait3A_253 = tpu.memref_slice %arg6[%dma_wait3A_249, %dma_wait3A_251, %dma_wait3A_252] : memref<5x16x384xi32, #tpu.memory_space<vmem>> -> memref<1x16x384xi32, #tpu.memory_space<vmem>>
    %dma_wait3A_254 = tpu.memref_squeeze %dma_wait3A_253 : memref<1x16x384xi32, #tpu.memory_space<vmem>> -> memref<16x384xi32, #tpu.memory_space<vmem>>
    %dma_wait3A_255 = arith.constant 0 : i32
    %dma_wait3A_256 = tpu.memref_slice %arg5[%dma_wait3A_250, %dma_wait3A_255] : memref<5x16xi32, #tpu.memory_space<vmem>> -> memref<1x16xi32, #tpu.memory_space<vmem>>
    %dma_wait3A_257 = tpu.memref_squeeze %dma_wait3A_256 : memref<1x16xi32, #tpu.memory_space<vmem>> -> memref<16xi32, #tpu.memory_space<vmem>>
    %dma_wait3A_258 = arith.constant 0 : i32
    %dma_wait3A_259 = arith.constant 0 : i32
    %dma_wait3A_260 = tpu.memref_slice %arg4[%dma_wait3A_258, %dma_wait3A_259] : memref<2056x384xi32, #tpu.memory_space<hbm>> -> memref<2056x384xi32, #tpu.memory_space<hbm>>
    tpu.wait_indirect_dma semaphore(%arg8 : memref<!tpu.dma_semaphore, #tpu.memory_space<semaphore_mem>>) src(%dma_wait3A_254 : memref<16x384xi32, #tpu.memory_space<vmem>>) dst(%dma_wait3A_260 : memref<2056x384xi32, #tpu.memory_space<hbm>>)
    return
  }
}

module attributes {stable_mosaic.version = 14 : i64} {
  func.func @_gmm_kernel(%arg0: i32, %arg1: memref<2x40xi32, #tpu.memory_space<smem>>, %arg2: memref<64x384xi32, #tpu.memory_space<vmem>>, %arg3: memref<1x768x768xf32, #tpu.memory_space<vmem>>, %arg4: memref<1x768x768xf32, #tpu.memory_space<vmem>>, %arg5: memref<1x768x768xf32, #tpu.memory_space<vmem>>, %arg6: memref<64x384xi32, #tpu.memory_space<vmem>>) attributes {dimension_semantics = [#tpu.dimension_semantics<arbitrary>], iteration_bounds = array<i64: 40>, scalar_prefetch = 1 : i64, scratch_operands = 0 : i64, tpu.core_type = #tpu.core_type<tc>, window_params = [{transform_indices = @transform_0, window_bounds = array<i64: 64, 384>}, {transform_indices = @transform_1, window_bounds = array<i64: 1, 768, 768>}, {transform_indices = @transform_2, window_bounds = array<i64: 1, 768, 768>}, {transform_indices = @transform_3, window_bounds = array<i64: 1, 768, 768>}, {transform_indices = @transform_4, window_bounds = array<i64: 64, 384>}]} {
    %get3A = arith.constant 1 : index
    %get3A_0 = arith.index_cast %arg0 : i32 to index
    %get3A_1 = memref.load %arg1[%get3A, %get3A_0] : memref<2x40xi32, #tpu.memory_space<smem>>
    %eq3A = arith.constant 1 : i32
    %eq3A_2 = arith.cmpi eq, %get3A_1, %eq3A : i32
    %convert_element_type3A = arith.extui %eq3A_2 : i1 to i32
    %cond3A = arith.constant 0 : i32
    %cond3A_3 = arith.cmpi ne, %convert_element_type3A, %cond3A : i32
    scf.if %cond3A_3 {
      %get3A_4 = arith.constant 0 : index
      %get3A_5 = arith.constant 0 : index
      %get3A_6 = vector.load %arg2[%get3A_4, %get3A_5] : memref<64x384xi32, #tpu.memory_space<vmem>>, vector<64x384xi32>
      %shift_left3A = arith.constant 16 : i32
      %shift_left3A_7 = vector.broadcast %shift_left3A : i32 to vector<64x384xi32>
      %shift_left3A_8 = arith.shli %get3A_6, %shift_left3A_7 : vector<64x384xi32>
      %bitcast_convert_type3A = tpu.bitcast %shift_left3A_8 : vector<64x384xi32> -> vector<64x384xf32>
      %and3A = arith.constant -65536 : i32
      %and3A_9 = vector.broadcast %and3A : i32 to vector<64x384xi32>
      %and3A_10 = arith.andi %get3A_6, %and3A_9 : vector<64x384xi32>
      %bitcast_convert_type3A_11 = tpu.bitcast %and3A_10 : vector<64x384xi32> -> vector<64x384xf32>
      %concatenate3A = tpu.concatenate %bitcast_convert_type3A, %bitcast_convert_type3A_11 in 1 : vector<64x384xf32>, vector<64x384xf32> -> vector<64x768xf32>
      %convert_element_type3A_12 = arith.truncf %concatenate3A : vector<64x768xf32> to vector<64x768xbf16>
      %get3A_13 = arith.constant 0 : index
      %get3A_14 = arith.constant 0 : index
      %get3A_15 = arith.constant 0 : index
      %get3A_16 = vector.load %arg3[%get3A_13, %get3A_14, %get3A_15] : memref<1x768x768xf32, #tpu.memory_space<vmem>>, vector<1x768x768xf32>
      %get3A_17 = vector.shape_cast %get3A_16 : vector<1x768x768xf32> to vector<768x768xf32>
      %convert_element_type3A_18 = arith.truncf %get3A_17 : vector<768x768xf32> to vector<768x768xbf16>
      %dot_general3A = arith.constant dense<0.000000e+00> : vector<64x768xf32>
      %dot_general3A_19 = tpu.matmul %convert_element_type3A_12, %convert_element_type3A_18, %dot_general3A {dimension_numbers = #tpu.dot_dimension_numbers<[1], [0], [0], [1], [0, 0, 1, 1], [], []>, transpose_lhs_hint = false} : vector<64x768xbf16>, vector<768x768xbf16>, vector<64x768xf32> -> vector<64x768xf32>
      %get3A_20 = arith.constant 0 : index
      %get3A_21 = arith.constant 0 : index
      %get3A_22 = arith.constant 0 : index
      %get3A_23 = vector.load %arg4[%get3A_20, %get3A_21, %get3A_22] : memref<1x768x768xf32, #tpu.memory_space<vmem>>, vector<1x768x768xf32>
      %get3A_24 = vector.shape_cast %get3A_23 : vector<1x768x768xf32> to vector<768x768xf32>
      %convert_element_type3A_25 = arith.truncf %get3A_24 : vector<768x768xf32> to vector<768x768xbf16>
      %dot_general3A_26 = arith.constant dense<0.000000e+00> : vector<64x768xf32>
      %dot_general3A_27 = tpu.matmul %convert_element_type3A_12, %convert_element_type3A_25, %dot_general3A_26 {dimension_numbers = #tpu.dot_dimension_numbers<[1], [0], [0], [1], [0, 0, 1, 1], [], []>, transpose_lhs_hint = false} : vector<64x768xbf16>, vector<768x768xbf16>, vector<64x768xf32> -> vector<64x768xf32>
      %logistic3A = arith.negf %dot_general3A_19 : vector<64x768xf32>
      %logistic3A_28 = math.exp %logistic3A : vector<64x768xf32>
      %logistic3A_29 = arith.constant 1.000000e+00 : f32
      %logistic3A_30 = vector.broadcast %logistic3A_29 : f32 to vector<64x768xf32>
      %logistic3A_31 = arith.addf %logistic3A_30, %logistic3A_28 : vector<64x768xf32>
      %logistic3A_32 = arith.divf %logistic3A_30, %logistic3A_31 : vector<64x768xf32>
      %mul3A = arith.mulf %dot_general3A_19, %logistic3A_32 : vector<64x768xf32>
      %mul3A_33 = arith.mulf %mul3A, %dot_general3A_27 : vector<64x768xf32>
      %convert_element_type3A_34 = arith.truncf %mul3A_33 : vector<64x768xf32> to vector<64x768xbf16>
      %get3A_35 = arith.constant 0 : index
      %get3A_36 = arith.constant 0 : index
      %get3A_37 = arith.constant 0 : index
      %get3A_38 = vector.load %arg5[%get3A_35, %get3A_36, %get3A_37] : memref<1x768x768xf32, #tpu.memory_space<vmem>>, vector<1x768x768xf32>
      %get3A_39 = vector.shape_cast %get3A_38 : vector<1x768x768xf32> to vector<768x768xf32>
      %convert_element_type3A_40 = arith.truncf %get3A_39 : vector<768x768xf32> to vector<768x768xbf16>
      %dot_general3A_41 = arith.constant dense<0.000000e+00> : vector<64x768xf32>
      %dot_general3A_42 = tpu.matmul %convert_element_type3A_34, %convert_element_type3A_40, %dot_general3A_41 {dimension_numbers = #tpu.dot_dimension_numbers<[1], [0], [0], [1], [0, 0, 1, 1], [], []>, transpose_lhs_hint = false} : vector<64x768xbf16>, vector<768x768xbf16>, vector<64x768xf32> -> vector<64x768xf32>
      %convert_element_type3A_43 = arith.truncf %dot_general3A_42 : vector<64x768xf32> to vector<64x768xbf16>
      %convert_element_type3A_44 = arith.extf %convert_element_type3A_43 : vector<64x768xbf16> to vector<64x768xf32>
      %bitcast_convert_type3A_45 = tpu.bitcast %convert_element_type3A_44 : vector<64x768xf32> -> vector<64x768xi32>
      %slice3A = vector.extract_strided_slice %bitcast_convert_type3A_45 {offsets = [0, 384], sizes = [64, 384], strides = [1, 1]} : vector<64x768xi32> to vector<64x384xi32>
      %and3A_46 = arith.constant -65536 : i32
      %and3A_47 = vector.broadcast %and3A_46 : i32 to vector<64x384xi32>
      %and3A_48 = arith.andi %slice3A, %and3A_47 : vector<64x384xi32>
      %slice3A_49 = vector.extract_strided_slice %bitcast_convert_type3A_45 {offsets = [0, 0], sizes = [64, 384], strides = [1, 1]} : vector<64x768xi32> to vector<64x384xi32>
      %shift_right_logical3A = arith.constant 16 : i32
      %shift_right_logical3A_50 = vector.broadcast %shift_right_logical3A : i32 to vector<64x384xi32>
      %shift_right_logical3A_51 = arith.shrui %slice3A_49, %shift_right_logical3A_50 : vector<64x384xi32>
      %or3A = arith.ori %and3A_48, %shift_right_logical3A_51 : vector<64x384xi32>
      %swap3A = arith.constant 0 : index
      %swap3A_52 = arith.constant 0 : index
      %swap3A_53 = vector.load %arg6[%swap3A, %swap3A_52] : memref<64x384xi32, #tpu.memory_space<vmem>>, vector<64x384xi32>
      tpu.vector_store %arg6[%swap3A, %swap3A_52], %or3A {strides = array<i32>} : memref<64x384xi32, #tpu.memory_space<vmem>>, vector<64x384xi32>,
    } else {
    }
    return
  }
  func.func @transform_0(%arg0: i32, %arg1: memref<2x40xi32, #tpu.memory_space<smem>>) -> (i32, i32) {
    %c0_i32 = arith.constant 0 : i32
    %c0_i32_0 = arith.constant 0 : i32
    return %arg0, %c0_i32 : i32, i32
  }
  func.func @transform_1(%arg0: i32, %arg1: memref<2x40xi32, #tpu.memory_space<smem>>) -> (i32, i32, i32) {
    %get3A = arith.constant 0 : index
    %get3A_0 = arith.index_cast %arg0 : i32 to index
    %get3A_1 = memref.load %arg1[%get3A, %get3A_0] : memref<2x40xi32, #tpu.memory_space<smem>>
    %c0_i32 = arith.constant 0 : i32
    %c0_i32_2 = arith.constant 0 : i32
    %c0_i32_3 = arith.constant 0 : i32
    return %get3A_1, %c0_i32, %c0_i32_2 : i32, i32, i32
  }
  func.func @transform_2(%arg0: i32, %arg1: memref<2x40xi32, #tpu.memory_space<smem>>) -> (i32, i32, i32) {
    %get3A = arith.constant 0 : index
    %get3A_0 = arith.index_cast %arg0 : i32 to index
    %get3A_1 = memref.load %arg1[%get3A, %get3A_0] : memref<2x40xi32, #tpu.memory_space<smem>>
    %c0_i32 = arith.constant 0 : i32
    %c0_i32_2 = arith.constant 0 : i32
    %c0_i32_3 = arith.constant 0 : i32
    return %get3A_1, %c0_i32, %c0_i32_2 : i32, i32, i32
  }
  func.func @transform_3(%arg0: i32, %arg1: memref<2x40xi32, #tpu.memory_space<smem>>) -> (i32, i32, i32) {
    %get3A = arith.constant 0 : index
    %get3A_0 = arith.index_cast %arg0 : i32 to index
    %get3A_1 = memref.load %arg1[%get3A, %get3A_0] : memref<2x40xi32, #tpu.memory_space<smem>>
    %c0_i32 = arith.constant 0 : i32
    %c0_i32_2 = arith.constant 0 : i32
    %c0_i32_3 = arith.constant 0 : i32
    return %get3A_1, %c0_i32, %c0_i32_2 : i32, i32, i32
  }
  func.func @transform_4(%arg0: i32, %arg1: memref<2x40xi32, #tpu.memory_space<smem>>) -> (i32, i32) {
    %c0_i32 = arith.constant 0 : i32
    %c0_i32_0 = arith.constant 0 : i32
    return %arg0, %c0_i32 : i32, i32
  }
}

module attributes {stable_mosaic.version = 14 : i64} {
  func.func @_router_kernel(%arg0: memref<2048x768xf32, #tpu.memory_space<vmem>>, %arg1: memref<768x8xf32, #tpu.memory_space<vmem>>, %arg2: memref<1x2048xi32, #tpu.memory_space<vmem>>, %arg3: memref<1x2560xi32, #tpu.memory_space<vmem>>, %arg4: memref<2x40xi32, #tpu.memory_space<vmem>>, %arg5: memref<2048x384xi32, #tpu.memory_space<vmem>>) attributes {dimension_semantics = [], scalar_prefetch = 0 : i64, scratch_operands = 0 : i64, tpu.core_type = #tpu.core_type<tc>} {
    %get3A = arith.constant 0 : index
    %get3A_0 = arith.constant 0 : index
    %get3A_1 = vector.load %arg0[%get3A, %get3A_0] : memref<2048x768xf32, #tpu.memory_space<vmem>>, vector<2048x768xf32>
    %convert_element_type3A = arith.truncf %get3A_1 : vector<2048x768xf32> to vector<2048x768xbf16>
    %convert_element_type3A_2 = arith.extf %convert_element_type3A : vector<2048x768xbf16> to vector<2048x768xf32>
    %bitcast_convert_type3A = tpu.bitcast %convert_element_type3A_2 : vector<2048x768xf32> -> vector<2048x768xi32>
    %slice3A = vector.extract_strided_slice %bitcast_convert_type3A {offsets = [0, 384], sizes = [2048, 384], strides = [1, 1]} : vector<2048x768xi32> to vector<2048x384xi32>
    %and3A = arith.constant -65536 : i32
    %and3A_3 = vector.broadcast %and3A : i32 to vector<2048x384xi32>
    %and3A_4 = arith.andi %slice3A, %and3A_3 : vector<2048x384xi32>
    %slice3A_5 = vector.extract_strided_slice %bitcast_convert_type3A {offsets = [0, 0], sizes = [2048, 384], strides = [1, 1]} : vector<2048x768xi32> to vector<2048x384xi32>
    %shift_right_logical3A = arith.constant 16 : i32
    %shift_right_logical3A_6 = vector.broadcast %shift_right_logical3A : i32 to vector<2048x384xi32>
    %shift_right_logical3A_7 = arith.shrui %slice3A_5, %shift_right_logical3A_6 : vector<2048x384xi32>
    %or3A = arith.ori %and3A_4, %shift_right_logical3A_7 : vector<2048x384xi32>
    %swap3A = arith.constant 0 : index
    %swap3A_8 = arith.constant 0 : index
    %swap3A_9 = vector.load %arg5[%swap3A, %swap3A_8] : memref<2048x384xi32, #tpu.memory_space<vmem>>, vector<2048x384xi32>
    tpu.vector_store %arg5[%swap3A, %swap3A_8], %or3A {strides = array<i32>} : memref<2048x384xi32, #tpu.memory_space<vmem>>, vector<2048x384xi32>,
    %get3A_10 = arith.constant 0 : index
    %get3A_11 = arith.constant 0 : index
    %get3A_12 = vector.load %arg1[%get3A_10, %get3A_11] : memref<768x8xf32, #tpu.memory_space<vmem>>, vector<768x8xf32>
    %dot_general3A = arith.constant dense<0.000000e+00> : vector<2048x8xf32>
    %dot_general3A_13 = tpu.matmul %get3A_1, %get3A_12, %dot_general3A {dimension_numbers = #tpu.dot_dimension_numbers<[1], [0], [0], [1], [0, 0, 1, 1], [], []>, transpose_lhs_hint = false} : vector<2048x768xf32>, vector<768x8xf32>, vector<2048x8xf32> -> vector<2048x8xf32>
    %reduce_max3A = arith.constant dense<0xFF800000> : vector<2048xf32>
    %reduce_max3A_14 = vector.multi_reduction <maximumf>, %dot_general3A_13, %reduce_max3A [1] : vector<2048x8xf32> to vector<2048xf32>
    %broadcast_in_dim3A = vector.shape_cast %reduce_max3A_14 : vector<2048xf32> to vector<2048x1xf32>
    %sub3A = vector.broadcast %broadcast_in_dim3A : vector<2048x1xf32> to vector<2048x8xf32>
    %sub3A_15 = arith.subf %dot_general3A_13, %sub3A : vector<2048x8xf32>
    %exp3A = math.exp %sub3A_15 : vector<2048x8xf32>
    %reduce_sum3A = arith.constant dense<0.000000e+00> : vector<2048xf32>
    %reduce_sum3A_16 = vector.multi_reduction <add>, %exp3A, %reduce_sum3A [1] : vector<2048x8xf32> to vector<2048xf32>
    %broadcast_in_dim3A_17 = vector.shape_cast %reduce_sum3A_16 : vector<2048xf32> to vector<2048x1xf32>
    %div3A = vector.broadcast %broadcast_in_dim3A_17 : vector<2048x1xf32> to vector<2048x8xf32>
    %div3A_18 = arith.divf %exp3A, %div3A : vector<2048x8xf32>
    %reduce_max3A_19 = arith.constant dense<0xFF800000> : vector<2048xf32>
    %reduce_max3A_20 = vector.multi_reduction <maximumf>, %div3A_18, %reduce_max3A_19 [1] : vector<2048x8xf32> to vector<2048xf32>
    %broadcast_in_dim3A_21 = vector.shape_cast %reduce_max3A_20 : vector<2048xf32> to vector<2048x1xf32>
    %iota3A = tpu.iota {dimensions = array<i32: 1>} : vector<2048x8xi32>
    %eq3A = vector.broadcast %broadcast_in_dim3A_21 : vector<2048x1xf32> to vector<2048x8xf32>
    %eq3A_22 = arith.cmpf oeq, %div3A_18, %eq3A : vector<2048x8xf32>
    %jit3A = arith.constant 8 : i32
    %broadcast_in_dim3A_23 = vector.broadcast %jit3A : i32 to vector<2048x8xi32>
    %select_n3A = arith.select %eq3A_22, %iota3A, %broadcast_in_dim3A_23 : vector<2048x8xi1>, vector<2048x8xi32>
    %reduce_min3A = arith.constant dense<2147483647> : vector<2048xi32>
    %reduce_min3A_24 = vector.multi_reduction <minsi>, %select_n3A, %reduce_min3A [1] : vector<2048x8xi32> to vector<2048xi32>
    %broadcast_in_dim3A_25 = vector.shape_cast %reduce_min3A_24 : vector<2048xi32> to vector<2048x1xi32>
    %eq3A_26 = vector.broadcast %broadcast_in_dim3A_25 : vector<2048x1xi32> to vector<2048x8xi32>
    %eq3A_27 = arith.cmpi eq, %eq3A_26, %iota3A : vector<2048x8xi32>
    %convert_element_type3A_28 = arith.extui %eq3A_27 : vector<2048x8xi1> to vector<2048x8xi32>
    %convert_element_type3A_29 = arith.sitofp %convert_element_type3A_28 : vector<2048x8xi32> to vector<2048x8xf32>
    %reduce_sum3A_30 = arith.constant dense<0.000000e+00> : vector<8xf32>
    %reduce_sum3A_31 = vector.multi_reduction <add>, %convert_element_type3A_29, %reduce_sum3A_30 [0] : vector<2048x8xf32> to vector<8xf32>
    %round3A = math.roundeven %reduce_sum3A_31 : vector<8xf32>
    %convert_element_type3A_32 = arith.fptosi %round3A : vector<8xf32> to vector<8xi32>
    %add3A = arith.constant 64 : i32
    %add3A_33 = vector.broadcast %add3A : i32 to vector<8xi32>
    %add3A_34 = arith.addi %convert_element_type3A_32, %add3A_33 : vector<8xi32>
    %sub3A_35 = arith.constant 1 : i32
    %sub3A_36 = vector.broadcast %sub3A_35 : i32 to vector<8xi32>
    %sub3A_37 = arith.subi %add3A_34, %sub3A_36 : vector<8xi32>
    %jit3A_38 = arith.constant 64 : i32
    %div3A_39 = vector.broadcast %jit3A_38 : i32 to vector<8xi32>
    %div3A_40 = arith.divsi %sub3A_37, %div3A_39 : vector<8xi32>
    %sign3A = arith.constant 0 : i32
    %sign3A_41 = vector.broadcast %sign3A : i32 to vector<8xi32>
    %sign3A_42 = arith.cmpi sgt, %sub3A_37, %sign3A_41 : vector<8xi32>
    %sign3A_43 = arith.extui %sign3A_42 : vector<8xi1> to vector<8xi32>
    %sign3A_44 = arith.constant 0 : i32
    %sign3A_45 = vector.broadcast %sign3A_44 : i32 to vector<8xi32>
    %sign3A_46 = arith.cmpi slt, %sub3A_37, %sign3A_45 : vector<8xi32>
    %sign3A_47 = arith.extui %sign3A_46 : vector<8xi1> to vector<8xi32>
    %sign3A_48 = arith.subi %sign3A_43, %sign3A_47 : vector<8xi32>
    %sign3A_49 = arith.constant 0 : i32
    %sign3A_50 = arith.cmpi sgt, %jit3A_38, %sign3A_49 : i32
    %sign3A_51 = arith.extui %sign3A_50 : i1 to i32
    %sign3A_52 = arith.constant 0 : i32
    %sign3A_53 = arith.cmpi slt, %jit3A_38, %sign3A_52 : i32
    %sign3A_54 = arith.extui %sign3A_53 : i1 to i32
    %sign3A_55 = arith.subi %sign3A_51, %sign3A_54 : i32
    %ne3A = vector.broadcast %sign3A_55 : i32 to vector<8xi32>
    %ne3A_56 = arith.cmpi ne, %sign3A_48, %ne3A : vector<8xi32>
    %rem3A = vector.broadcast %jit3A_38 : i32 to vector<8xi32>
    %rem3A_57 = arith.remsi %sub3A_37, %rem3A : vector<8xi32>
    %ne3A_58 = arith.constant 0 : i32
    %ne3A_59 = vector.broadcast %ne3A_58 : i32 to vector<8xi32>
    %ne3A_60 = arith.cmpi ne, %rem3A_57, %ne3A_59 : vector<8xi32>
    %and3A_61 = arith.andi %ne3A_56, %ne3A_60 : vector<8xi1>
    %sub3A_62 = arith.constant 1 : i32
    %sub3A_63 = vector.broadcast %sub3A_62 : i32 to vector<8xi32>
    %sub3A_64 = arith.subi %div3A_40, %sub3A_63 : vector<8xi32>
    %select_n3A_65 = arith.select %and3A_61, %sub3A_64, %div3A_40 : vector<8xi1>, vector<8xi32>
    %mul3A = arith.constant 64 : i32
    %mul3A_66 = vector.broadcast %mul3A : i32 to vector<8xi32>
    %mul3A_67 = arith.muli %select_n3A_65, %mul3A_66 : vector<8xi32>
    %iota3A_68 = tpu.iota {dimensions = array<i32: 1>} : vector<8x8xi32>
    %iota3A_69 = tpu.iota {dimensions = array<i32: 0>} : vector<8x8xi32>
    %lt3A = arith.cmpi slt, %iota3A_68, %iota3A_69 : vector<8x8xi32>
    %broadcast_in_dim3A_70 = vector.shape_cast %mul3A_67 : vector<8xi32> to vector<1x8xi32>
    %jit3A_71 = arith.constant 0 : i32
    %broadcast_in_dim3A_72 = vector.shape_cast %broadcast_in_dim3A_70 : vector<1x8xi32> to vector<1x8xi32>
    %broadcast_in_dim3A_73 = vector.broadcast %broadcast_in_dim3A_72 : vector<1x8xi32> to vector<8x8xi32>
    %broadcast_in_dim3A_74 = vector.broadcast %jit3A_71 : i32 to vector<8x8xi32>
    %select_n3A_75 = arith.select %lt3A, %broadcast_in_dim3A_73, %broadcast_in_dim3A_74 : vector<8x8xi1>, vector<8x8xi32>
    %reduce_sum3A_76 = arith.constant dense<0> : vector<8xi32>
    %reduce_sum3A_77 = vector.multi_reduction <add>, %select_n3A_75, %reduce_sum3A_76 [1] : vector<8x8xi32> to vector<8xi32>
    %add3A_78 = arith.addi %reduce_sum3A_77, %mul3A_67 : vector<8xi32>
    %iota3A_79 = tpu.iota {dimensions = array<i32: 0>} : vector<64x64xi32>
    %iota3A_80 = tpu.iota {dimensions = array<i32: 1>} : vector<64x64xi32>
    %lt3A_81 = arith.cmpi slt, %iota3A_80, %iota3A_79 : vector<64x64xi32>
    %convert_element_type3A_82 = arith.extui %lt3A_81 : vector<64x64xi1> to vector<64x64xi32>
    %convert_element_type3A_83 = arith.sitofp %convert_element_type3A_82 : vector<64x64xi32> to vector<64x64xf32>
    %convert_element_type3A_84 = arith.truncf %convert_element_type3A_83 : vector<64x64xf32> to vector<64x64xbf16>
    %broadcast_in_dim3A_85 = arith.constant 0.000000e+00 : f32
    %broadcast_in_dim3A_86 = vector.broadcast %broadcast_in_dim3A_85 : f32 to vector<1x8xf32>
    %convert_element_type3A_87 = arith.sitofp %reduce_sum3A_77 : vector<8xi32> to vector<8xf32>
    %slice3A_88 = vector.extract_strided_slice %convert_element_type3A_29 {offsets = [0, 0], sizes = [64, 8], strides = [1, 1]} : vector<2048x8xf32> to vector<64x8xf32>
    %convert_element_type3A_89 = arith.truncf %slice3A_88 : vector<64x8xf32> to vector<64x8xbf16>
    %dot_general3A_90 = arith.constant dense<0.000000e+00> : vector<64x8xf32>
    %dot_general3A_91 = tpu.matmul %convert_element_type3A_84, %convert_element_type3A_89, %dot_general3A_90 {dimension_numbers = #tpu.dot_dimension_numbers<[1], [0], [0], [1], [0, 0, 1, 1], [], []>, transpose_lhs_hint = false} : vector<64x64xbf16>, vector<64x8xbf16>, vector<64x8xf32> -> vector<64x8xf32>
    %add3A_92 = vector.broadcast %broadcast_in_dim3A_86 : vector<1x8xf32> to vector<64x8xf32>
    %add3A_93 = arith.addf %dot_general3A_91, %add3A_92 : vector<64x8xf32>
    %broadcast_in_dim3A_94 = vector.shape_cast %convert_element_type3A_87 : vector<8xf32> to vector<1x8xf32>
    %add3A_95 = vector.broadcast %broadcast_in_dim3A_94 : vector<1x8xf32> to vector<64x8xf32>
    %add3A_96 = arith.addf %add3A_93, %add3A_95 : vector<64x8xf32>
    %mul3A_97 = arith.mulf %add3A_96, %slice3A_88 : vector<64x8xf32>
    %reduce_sum3A_98 = arith.constant dense<0.000000e+00> : vector<64xf32>
    %reduce_sum3A_99 = vector.multi_reduction <add>, %mul3A_97, %reduce_sum3A_98 [1] : vector<64x8xf32> to vector<64xf32>
    %reduce_sum3A_100 = arith.constant dense<0.000000e+00> : vector<8xf32>
    %reduce_sum3A_101 = vector.multi_reduction <add>, %slice3A_88, %reduce_sum3A_100 [0] : vector<64x8xf32> to vector<8xf32>
    %broadcast_in_dim3A_102 = vector.shape_cast %reduce_sum3A_101 : vector<8xf32> to vector<1x8xf32>
    %add3A_103 = arith.addf %broadcast_in_dim3A_86, %broadcast_in_dim3A_102 : vector<1x8xf32>
    %slice3A_104 = vector.extract_strided_slice %convert_element_type3A_29 {offsets = [64, 0], sizes = [64, 8], strides = [1, 1]} : vector<2048x8xf32> to vector<64x8xf32>
    %convert_element_type3A_105 = arith.truncf %slice3A_104 : vector<64x8xf32> to vector<64x8xbf16>
    %dot_general3A_106 = arith.constant dense<0.000000e+00> : vector<64x8xf32>
    %dot_general3A_107 = tpu.matmul %convert_element_type3A_84, %convert_element_type3A_105, %dot_general3A_106 {dimension_numbers = #tpu.dot_dimension_numbers<[1], [0], [0], [1], [0, 0, 1, 1], [], []>, transpose_lhs_hint = false} : vector<64x64xbf16>, vector<64x8xbf16>, vector<64x8xf32> -> vector<64x8xf32>
    %add3A_108 = vector.broadcast %add3A_103 : vector<1x8xf32> to vector<64x8xf32>
    %add3A_109 = arith.addf %dot_general3A_107, %add3A_108 : vector<64x8xf32>
    %broadcast_in_dim3A_110 = vector.shape_cast %convert_element_type3A_87 : vector<8xf32> to vector<1x8xf32>
    %add3A_111 = vector.broadcast %broadcast_in_dim3A_110 : vector<1x8xf32> to vector<64x8xf32>
    %add3A_112 = arith.addf %add3A_109, %add3A_111 : vector<64x8xf32>
    %mul3A_113 = arith.mulf %add3A_112, %slice3A_104 : vector<64x8xf32>
    %reduce_sum3A_114 = arith.constant dense<0.000000e+00> : vector<64xf32>
    %reduce_sum3A_115 = vector.multi_reduction <add>, %mul3A_113, %reduce_sum3A_114 [1] : vector<64x8xf32> to vector<64xf32>
    %reduce_sum3A_116 = arith.constant dense<0.000000e+00> : vector<8xf32>
    %reduce_sum3A_117 = vector.multi_reduction <add>, %slice3A_104, %reduce_sum3A_116 [0] : vector<64x8xf32> to vector<8xf32>
    %broadcast_in_dim3A_118 = vector.shape_cast %reduce_sum3A_117 : vector<8xf32> to vector<1x8xf32>
    %add3A_119 = arith.addf %add3A_103, %broadcast_in_dim3A_118 : vector<1x8xf32>
    %slice3A_120 = vector.extract_strided_slice %convert_element_type3A_29 {offsets = [128, 0], sizes = [64, 8], strides = [1, 1]} : vector<2048x8xf32> to vector<64x8xf32>
    %convert_element_type3A_121 = arith.truncf %slice3A_120 : vector<64x8xf32> to vector<64x8xbf16>
    %dot_general3A_122 = arith.constant dense<0.000000e+00> : vector<64x8xf32>
    %dot_general3A_123 = tpu.matmul %convert_element_type3A_84, %convert_element_type3A_121, %dot_general3A_122 {dimension_numbers = #tpu.dot_dimension_numbers<[1], [0], [0], [1], [0, 0, 1, 1], [], []>, transpose_lhs_hint = false} : vector<64x64xbf16>, vector<64x8xbf16>, vector<64x8xf32> -> vector<64x8xf32>
    %add3A_124 = vector.broadcast %add3A_119 : vector<1x8xf32> to vector<64x8xf32>
    %add3A_125 = arith.addf %dot_general3A_123, %add3A_124 : vector<64x8xf32>
    %broadcast_in_dim3A_126 = vector.shape_cast %convert_element_type3A_87 : vector<8xf32> to vector<1x8xf32>
    %add3A_127 = vector.broadcast %broadcast_in_dim3A_126 : vector<1x8xf32> to vector<64x8xf32>
    %add3A_128 = arith.addf %add3A_125, %add3A_127 : vector<64x8xf32>
    %mul3A_129 = arith.mulf %add3A_128, %slice3A_120 : vector<64x8xf32>
    %reduce_sum3A_130 = arith.constant dense<0.000000e+00> : vector<64xf32>
    %reduce_sum3A_131 = vector.multi_reduction <add>, %mul3A_129, %reduce_sum3A_130 [1] : vector<64x8xf32> to vector<64xf32>
    %reduce_sum3A_132 = arith.constant dense<0.000000e+00> : vector<8xf32>
    %reduce_sum3A_133 = vector.multi_reduction <add>, %slice3A_120, %reduce_sum3A_132 [0] : vector<64x8xf32> to vector<8xf32>
    %broadcast_in_dim3A_134 = vector.shape_cast %reduce_sum3A_133 : vector<8xf32> to vector<1x8xf32>
    %add3A_135 = arith.addf %add3A_119, %broadcast_in_dim3A_134 : vector<1x8xf32>
    %slice3A_136 = vector.extract_strided_slice %convert_element_type3A_29 {offsets = [192, 0], sizes = [64, 8], strides = [1, 1]} : vector<2048x8xf32> to vector<64x8xf32>
    %convert_element_type3A_137 = arith.truncf %slice3A_136 : vector<64x8xf32> to vector<64x8xbf16>
    %dot_general3A_138 = arith.constant dense<0.000000e+00> : vector<64x8xf32>
    %dot_general3A_139 = tpu.matmul %convert_element_type3A_84, %convert_element_type3A_137, %dot_general3A_138 {dimension_numbers = #tpu.dot_dimension_numbers<[1], [0], [0], [1], [0, 0, 1, 1], [], []>, transpose_lhs_hint = false} : vector<64x64xbf16>, vector<64x8xbf16>, vector<64x8xf32> -> vector<64x8xf32>
    %add3A_140 = vector.broadcast %add3A_135 : vector<1x8xf32> to vector<64x8xf32>
    %add3A_141 = arith.addf %dot_general3A_139, %add3A_140 : vector<64x8xf32>
    %broadcast_in_dim3A_142 = vector.shape_cast %convert_element_type3A_87 : vector<8xf32> to vector<1x8xf32>
    %add3A_143 = vector.broadcast %broadcast_in_dim3A_142 : vector<1x8xf32> to vector<64x8xf32>
    %add3A_144 = arith.addf %add3A_141, %add3A_143 : vector<64x8xf32>
    %mul3A_145 = arith.mulf %add3A_144, %slice3A_136 : vector<64x8xf32>
    %reduce_sum3A_146 = arith.constant dense<0.000000e+00> : vector<64xf32>
    %reduce_sum3A_147 = vector.multi_reduction <add>, %mul3A_145, %reduce_sum3A_146 [1] : vector<64x8xf32> to vector<64xf32>
    %reduce_sum3A_148 = arith.constant dense<0.000000e+00> : vector<8xf32>
    %reduce_sum3A_149 = vector.multi_reduction <add>, %slice3A_136, %reduce_sum3A_148 [0] : vector<64x8xf32> to vector<8xf32>
    %broadcast_in_dim3A_150 = vector.shape_cast %reduce_sum3A_149 : vector<8xf32> to vector<1x8xf32>
    %add3A_151 = arith.addf %add3A_135, %broadcast_in_dim3A_150 : vector<1x8xf32>
    %slice3A_152 = vector.extract_strided_slice %convert_element_type3A_29 {offsets = [256, 0], sizes = [64, 8], strides = [1, 1]} : vector<2048x8xf32> to vector<64x8xf32>
    %convert_element_type3A_153 = arith.truncf %slice3A_152 : vector<64x8xf32> to vector<64x8xbf16>
    %dot_general3A_154 = arith.constant dense<0.000000e+00> : vector<64x8xf32>
    %dot_general3A_155 = tpu.matmul %convert_element_type3A_84, %convert_element_type3A_153, %dot_general3A_154 {dimension_numbers = #tpu.dot_dimension_numbers<[1], [0], [0], [1], [0, 0, 1, 1], [], []>, transpose_lhs_hint = false} : vector<64x64xbf16>, vector<64x8xbf16>, vector<64x8xf32> -> vector<64x8xf32>
    %add3A_156 = vector.broadcast %add3A_151 : vector<1x8xf32> to vector<64x8xf32>
    %add3A_157 = arith.addf %dot_general3A_155, %add3A_156 : vector<64x8xf32>
    %broadcast_in_dim3A_158 = vector.shape_cast %convert_element_type3A_87 : vector<8xf32> to vector<1x8xf32>
    %add3A_159 = vector.broadcast %broadcast_in_dim3A_158 : vector<1x8xf32> to vector<64x8xf32>
    %add3A_160 = arith.addf %add3A_157, %add3A_159 : vector<64x8xf32>
    %mul3A_161 = arith.mulf %add3A_160, %slice3A_152 : vector<64x8xf32>
    %reduce_sum3A_162 = arith.constant dense<0.000000e+00> : vector<64xf32>
    %reduce_sum3A_163 = vector.multi_reduction <add>, %mul3A_161, %reduce_sum3A_162 [1] : vector<64x8xf32> to vector<64xf32>
    %reduce_sum3A_164 = arith.constant dense<0.000000e+00> : vector<8xf32>
    %reduce_sum3A_165 = vector.multi_reduction <add>, %slice3A_152, %reduce_sum3A_164 [0] : vector<64x8xf32> to vector<8xf32>
    %broadcast_in_dim3A_166 = vector.shape_cast %reduce_sum3A_165 : vector<8xf32> to vector<1x8xf32>
    %add3A_167 = arith.addf %add3A_151, %broadcast_in_dim3A_166 : vector<1x8xf32>
    %slice3A_168 = vector.extract_strided_slice %convert_element_type3A_29 {offsets = [320, 0], sizes = [64, 8], strides = [1, 1]} : vector<2048x8xf32> to vector<64x8xf32>
    %convert_element_type3A_169 = arith.truncf %slice3A_168 : vector<64x8xf32> to vector<64x8xbf16>
    %dot_general3A_170 = arith.constant dense<0.000000e+00> : vector<64x8xf32>
    %dot_general3A_171 = tpu.matmul %convert_element_type3A_84, %convert_element_type3A_169, %dot_general3A_170 {dimension_numbers = #tpu.dot_dimension_numbers<[1], [0], [0], [1], [0, 0, 1, 1], [], []>, transpose_lhs_hint = false} : vector<64x64xbf16>, vector<64x8xbf16>, vector<64x8xf32> -> vector<64x8xf32>
    %add3A_172 = vector.broadcast %add3A_167 : vector<1x8xf32> to vector<64x8xf32>
    %add3A_173 = arith.addf %dot_general3A_171, %add3A_172 : vector<64x8xf32>
    %broadcast_in_dim3A_174 = vector.shape_cast %convert_element_type3A_87 : vector<8xf32> to vector<1x8xf32>
    %add3A_175 = vector.broadcast %broadcast_in_dim3A_174 : vector<1x8xf32> to vector<64x8xf32>
    %add3A_176 = arith.addf %add3A_173, %add3A_175 : vector<64x8xf32>
    %mul3A_177 = arith.mulf %add3A_176, %slice3A_168 : vector<64x8xf32>
    %reduce_sum3A_178 = arith.constant dense<0.000000e+00> : vector<64xf32>
    %reduce_sum3A_179 = vector.multi_reduction <add>, %mul3A_177, %reduce_sum3A_178 [1] : vector<64x8xf32> to vector<64xf32>
    %reduce_sum3A_180 = arith.constant dense<0.000000e+00> : vector<8xf32>
    %reduce_sum3A_181 = vector.multi_reduction <add>, %slice3A_168, %reduce_sum3A_180 [0] : vector<64x8xf32> to vector<8xf32>
    %broadcast_in_dim3A_182 = vector.shape_cast %reduce_sum3A_181 : vector<8xf32> to vector<1x8xf32>
    %add3A_183 = arith.addf %add3A_167, %broadcast_in_dim3A_182 : vector<1x8xf32>
    %slice3A_184 = vector.extract_strided_slice %convert_element_type3A_29 {offsets = [384, 0], sizes = [64, 8], strides = [1, 1]} : vector<2048x8xf32> to vector<64x8xf32>
    %convert_element_type3A_185 = arith.truncf %slice3A_184 : vector<64x8xf32> to vector<64x8xbf16>
    %dot_general3A_186 = arith.constant dense<0.000000e+00> : vector<64x8xf32>
    %dot_general3A_187 = tpu.matmul %convert_element_type3A_84, %convert_element_type3A_185, %dot_general3A_186 {dimension_numbers = #tpu.dot_dimension_numbers<[1], [0], [0], [1], [0, 0, 1, 1], [], []>, transpose_lhs_hint = false} : vector<64x64xbf16>, vector<64x8xbf16>, vector<64x8xf32> -> vector<64x8xf32>
    %add3A_188 = vector.broadcast %add3A_183 : vector<1x8xf32> to vector<64x8xf32>
    %add3A_189 = arith.addf %dot_general3A_187, %add3A_188 : vector<64x8xf32>
    %broadcast_in_dim3A_190 = vector.shape_cast %convert_element_type3A_87 : vector<8xf32> to vector<1x8xf32>
    %add3A_191 = vector.broadcast %broadcast_in_dim3A_190 : vector<1x8xf32> to vector<64x8xf32>
    %add3A_192 = arith.addf %add3A_189, %add3A_191 : vector<64x8xf32>
    %mul3A_193 = arith.mulf %add3A_192, %slice3A_184 : vector<64x8xf32>
    %reduce_sum3A_194 = arith.constant dense<0.000000e+00> : vector<64xf32>
    %reduce_sum3A_195 = vector.multi_reduction <add>, %mul3A_193, %reduce_sum3A_194 [1] : vector<64x8xf32> to vector<64xf32>
    %reduce_sum3A_196 = arith.constant dense<0.000000e+00> : vector<8xf32>
    %reduce_sum3A_197 = vector.multi_reduction <add>, %slice3A_184, %reduce_sum3A_196 [0] : vector<64x8xf32> to vector<8xf32>
    %broadcast_in_dim3A_198 = vector.shape_cast %reduce_sum3A_197 : vector<8xf32> to vector<1x8xf32>
    %add3A_199 = arith.addf %add3A_183, %broadcast_in_dim3A_198 : vector<1x8xf32>
    %slice3A_200 = vector.extract_strided_slice %convert_element_type3A_29 {offsets = [448, 0], sizes = [64, 8], strides = [1, 1]} : vector<2048x8xf32> to vector<64x8xf32>
    %convert_element_type3A_201 = arith.truncf %slice3A_200 : vector<64x8xf32> to vector<64x8xbf16>
    %dot_general3A_202 = arith.constant dense<0.000000e+00> : vector<64x8xf32>
    %dot_general3A_203 = tpu.matmul %convert_element_type3A_84, %convert_element_type3A_201, %dot_general3A_202 {dimension_numbers = #tpu.dot_dimension_numbers<[1], [0], [0], [1], [0, 0, 1, 1], [], []>, transpose_lhs_hint = false} : vector<64x64xbf16>, vector<64x8xbf16>, vector<64x8xf32> -> vector<64x8xf32>
    %add3A_204 = vector.broadcast %add3A_199 : vector<1x8xf32> to vector<64x8xf32>
    %add3A_205 = arith.addf %dot_general3A_203, %add3A_204 : vector<64x8xf32>
    %broadcast_in_dim3A_206 = vector.shape_cast %convert_element_type3A_87 : vector<8xf32> to vector<1x8xf32>
    %add3A_207 = vector.broadcast %broadcast_in_dim3A_206 : vector<1x8xf32> to vector<64x8xf32>
    %add3A_208 = arith.addf %add3A_205, %add3A_207 : vector<64x8xf32>
    %mul3A_209 = arith.mulf %add3A_208, %slice3A_200 : vector<64x8xf32>
    %reduce_sum3A_210 = arith.constant dense<0.000000e+00> : vector<64xf32>
    %reduce_sum3A_211 = vector.multi_reduction <add>, %mul3A_209, %reduce_sum3A_210 [1] : vector<64x8xf32> to vector<64xf32>
    %reduce_sum3A_212 = arith.constant dense<0.000000e+00> : vector<8xf32>
    %reduce_sum3A_213 = vector.multi_reduction <add>, %slice3A_200, %reduce_sum3A_212 [0] : vector<64x8xf32> to vector<8xf32>
    %broadcast_in_dim3A_214 = vector.shape_cast %reduce_sum3A_213 : vector<8xf32> to vector<1x8xf32>
    %add3A_215 = arith.addf %add3A_199, %broadcast_in_dim3A_214 : vector<1x8xf32>
    %slice3A_216 = vector.extract_strided_slice %convert_element_type3A_29 {offsets = [512, 0], sizes = [64, 8], strides = [1, 1]} : vector<2048x8xf32> to vector<64x8xf32>
    %convert_element_type3A_217 = arith.truncf %slice3A_216 : vector<64x8xf32> to vector<64x8xbf16>
    %dot_general3A_218 = arith.constant dense<0.000000e+00> : vector<64x8xf32>
    %dot_general3A_219 = tpu.matmul %convert_element_type3A_84, %convert_element_type3A_217, %dot_general3A_218 {dimension_numbers = #tpu.dot_dimension_numbers<[1], [0], [0], [1], [0, 0, 1, 1], [], []>, transpose_lhs_hint = false} : vector<64x64xbf16>, vector<64x8xbf16>, vector<64x8xf32> -> vector<64x8xf32>
    %add3A_220 = vector.broadcast %add3A_215 : vector<1x8xf32> to vector<64x8xf32>
    %add3A_221 = arith.addf %dot_general3A_219, %add3A_220 : vector<64x8xf32>
    %broadcast_in_dim3A_222 = vector.shape_cast %convert_element_type3A_87 : vector<8xf32> to vector<1x8xf32>
    %add3A_223 = vector.broadcast %broadcast_in_dim3A_222 : vector<1x8xf32> to vector<64x8xf32>
    %add3A_224 = arith.addf %add3A_221, %add3A_223 : vector<64x8xf32>
    %mul3A_225 = arith.mulf %add3A_224, %slice3A_216 : vector<64x8xf32>
    %reduce_sum3A_226 = arith.constant dense<0.000000e+00> : vector<64xf32>
    %reduce_sum3A_227 = vector.multi_reduction <add>, %mul3A_225, %reduce_sum3A_226 [1] : vector<64x8xf32> to vector<64xf32>
    %reduce_sum3A_228 = arith.constant dense<0.000000e+00> : vector<8xf32>
    %reduce_sum3A_229 = vector.multi_reduction <add>, %slice3A_216, %reduce_sum3A_228 [0] : vector<64x8xf32> to vector<8xf32>
    %broadcast_in_dim3A_230 = vector.shape_cast %reduce_sum3A_229 : vector<8xf32> to vector<1x8xf32>
    %add3A_231 = arith.addf %add3A_215, %broadcast_in_dim3A_230 : vector<1x8xf32>
    %slice3A_232 = vector.extract_strided_slice %convert_element_type3A_29 {offsets = [576, 0], sizes = [64, 8], strides = [1, 1]} : vector<2048x8xf32> to vector<64x8xf32>
    %convert_element_type3A_233 = arith.truncf %slice3A_232 : vector<64x8xf32> to vector<64x8xbf16>
    %dot_general3A_234 = arith.constant dense<0.000000e+00> : vector<64x8xf32>
    %dot_general3A_235 = tpu.matmul %convert_element_type3A_84, %convert_element_type3A_233, %dot_general3A_234 {dimension_numbers = #tpu.dot_dimension_numbers<[1], [0], [0], [1], [0, 0, 1, 1], [], []>, transpose_lhs_hint = false} : vector<64x64xbf16>, vector<64x8xbf16>, vector<64x8xf32> -> vector<64x8xf32>
    %add3A_236 = vector.broadcast %add3A_231 : vector<1x8xf32> to vector<64x8xf32>
    %add3A_237 = arith.addf %dot_general3A_235, %add3A_236 : vector<64x8xf32>
    %broadcast_in_dim3A_238 = vector.shape_cast %convert_element_type3A_87 : vector<8xf32> to vector<1x8xf32>
    %add3A_239 = vector.broadcast %broadcast_in_dim3A_238 : vector<1x8xf32> to vector<64x8xf32>
    %add3A_240 = arith.addf %add3A_237, %add3A_239 : vector<64x8xf32>
    %mul3A_241 = arith.mulf %add3A_240, %slice3A_232 : vector<64x8xf32>
    %reduce_sum3A_242 = arith.constant dense<0.000000e+00> : vector<64xf32>
    %reduce_sum3A_243 = vector.multi_reduction <add>, %mul3A_241, %reduce_sum3A_242 [1] : vector<64x8xf32> to vector<64xf32>
    %reduce_sum3A_244 = arith.constant dense<0.000000e+00> : vector<8xf32>
    %reduce_sum3A_245 = vector.multi_reduction <add>, %slice3A_232, %reduce_sum3A_244 [0] : vector<64x8xf32> to vector<8xf32>
    %broadcast_in_dim3A_246 = vector.shape_cast %reduce_sum3A_245 : vector<8xf32> to vector<1x8xf32>
    %add3A_247 = arith.addf %add3A_231, %broadcast_in_dim3A_246 : vector<1x8xf32>
    %slice3A_248 = vector.extract_strided_slice %convert_element_type3A_29 {offsets = [640, 0], sizes = [64, 8], strides = [1, 1]} : vector<2048x8xf32> to vector<64x8xf32>
    %convert_element_type3A_249 = arith.truncf %slice3A_248 : vector<64x8xf32> to vector<64x8xbf16>
    %dot_general3A_250 = arith.constant dense<0.000000e+00> : vector<64x8xf32>
    %dot_general3A_251 = tpu.matmul %convert_element_type3A_84, %convert_element_type3A_249, %dot_general3A_250 {dimension_numbers = #tpu.dot_dimension_numbers<[1], [0], [0], [1], [0, 0, 1, 1], [], []>, transpose_lhs_hint = false} : vector<64x64xbf16>, vector<64x8xbf16>, vector<64x8xf32> -> vector<64x8xf32>
    %add3A_252 = vector.broadcast %add3A_247 : vector<1x8xf32> to vector<64x8xf32>
    %add3A_253 = arith.addf %dot_general3A_251, %add3A_252 : vector<64x8xf32>
    %broadcast_in_dim3A_254 = vector.shape_cast %convert_element_type3A_87 : vector<8xf32> to vector<1x8xf32>
    %add3A_255 = vector.broadcast %broadcast_in_dim3A_254 : vector<1x8xf32> to vector<64x8xf32>
    %add3A_256 = arith.addf %add3A_253, %add3A_255 : vector<64x8xf32>
    %mul3A_257 = arith.mulf %add3A_256, %slice3A_248 : vector<64x8xf32>
    %reduce_sum3A_258 = arith.constant dense<0.000000e+00> : vector<64xf32>
    %reduce_sum3A_259 = vector.multi_reduction <add>, %mul3A_257, %reduce_sum3A_258 [1] : vector<64x8xf32> to vector<64xf32>
    %reduce_sum3A_260 = arith.constant dense<0.000000e+00> : vector<8xf32>
    %reduce_sum3A_261 = vector.multi_reduction <add>, %slice3A_248, %reduce_sum3A_260 [0] : vector<64x8xf32> to vector<8xf32>
    %broadcast_in_dim3A_262 = vector.shape_cast %reduce_sum3A_261 : vector<8xf32> to vector<1x8xf32>
    %add3A_263 = arith.addf %add3A_247, %broadcast_in_dim3A_262 : vector<1x8xf32>
    %slice3A_264 = vector.extract_strided_slice %convert_element_type3A_29 {offsets = [704, 0], sizes = [64, 8], strides = [1, 1]} : vector<2048x8xf32> to vector<64x8xf32>
    %convert_element_type3A_265 = arith.truncf %slice3A_264 : vector<64x8xf32> to vector<64x8xbf16>
    %dot_general3A_266 = arith.constant dense<0.000000e+00> : vector<64x8xf32>
    %dot_general3A_267 = tpu.matmul %convert_element_type3A_84, %convert_element_type3A_265, %dot_general3A_266 {dimension_numbers = #tpu.dot_dimension_numbers<[1], [0], [0], [1], [0, 0, 1, 1], [], []>, transpose_lhs_hint = false} : vector<64x64xbf16>, vector<64x8xbf16>, vector<64x8xf32> -> vector<64x8xf32>
    %add3A_268 = vector.broadcast %add3A_263 : vector<1x8xf32> to vector<64x8xf32>
    %add3A_269 = arith.addf %dot_general3A_267, %add3A_268 : vector<64x8xf32>
    %broadcast_in_dim3A_270 = vector.shape_cast %convert_element_type3A_87 : vector<8xf32> to vector<1x8xf32>
    %add3A_271 = vector.broadcast %broadcast_in_dim3A_270 : vector<1x8xf32> to vector<64x8xf32>
    %add3A_272 = arith.addf %add3A_269, %add3A_271 : vector<64x8xf32>
    %mul3A_273 = arith.mulf %add3A_272, %slice3A_264 : vector<64x8xf32>
    %reduce_sum3A_274 = arith.constant dense<0.000000e+00> : vector<64xf32>
    %reduce_sum3A_275 = vector.multi_reduction <add>, %mul3A_273, %reduce_sum3A_274 [1] : vector<64x8xf32> to vector<64xf32>
    %reduce_sum3A_276 = arith.constant dense<0.000000e+00> : vector<8xf32>
    %reduce_sum3A_277 = vector.multi_reduction <add>, %slice3A_264, %reduce_sum3A_276 [0] : vector<64x8xf32> to vector<8xf32>
    %broadcast_in_dim3A_278 = vector.shape_cast %reduce_sum3A_277 : vector<8xf32> to vector<1x8xf32>
    %add3A_279 = arith.addf %add3A_263, %broadcast_in_dim3A_278 : vector<1x8xf32>
    %slice3A_280 = vector.extract_strided_slice %convert_element_type3A_29 {offsets = [768, 0], sizes = [64, 8], strides = [1, 1]} : vector<2048x8xf32> to vector<64x8xf32>
    %convert_element_type3A_281 = arith.truncf %slice3A_280 : vector<64x8xf32> to vector<64x8xbf16>
    %dot_general3A_282 = arith.constant dense<0.000000e+00> : vector<64x8xf32>
    %dot_general3A_283 = tpu.matmul %convert_element_type3A_84, %convert_element_type3A_281, %dot_general3A_282 {dimension_numbers = #tpu.dot_dimension_numbers<[1], [0], [0], [1], [0, 0, 1, 1], [], []>, transpose_lhs_hint = false} : vector<64x64xbf16>, vector<64x8xbf16>, vector<64x8xf32> -> vector<64x8xf32>
    %add3A_284 = vector.broadcast %add3A_279 : vector<1x8xf32> to vector<64x8xf32>
    %add3A_285 = arith.addf %dot_general3A_283, %add3A_284 : vector<64x8xf32>
    %broadcast_in_dim3A_286 = vector.shape_cast %convert_element_type3A_87 : vector<8xf32> to vector<1x8xf32>
    %add3A_287 = vector.broadcast %broadcast_in_dim3A_286 : vector<1x8xf32> to vector<64x8xf32>
    %add3A_288 = arith.addf %add3A_285, %add3A_287 : vector<64x8xf32>
    %mul3A_289 = arith.mulf %add3A_288, %slice3A_280 : vector<64x8xf32>
    %reduce_sum3A_290 = arith.constant dense<0.000000e+00> : vector<64xf32>
    %reduce_sum3A_291 = vector.multi_reduction <add>, %mul3A_289, %reduce_sum3A_290 [1] : vector<64x8xf32> to vector<64xf32>
    %reduce_sum3A_292 = arith.constant dense<0.000000e+00> : vector<8xf32>
    %reduce_sum3A_293 = vector.multi_reduction <add>, %slice3A_280, %reduce_sum3A_292 [0] : vector<64x8xf32> to vector<8xf32>
    %broadcast_in_dim3A_294 = vector.shape_cast %reduce_sum3A_293 : vector<8xf32> to vector<1x8xf32>
    %add3A_295 = arith.addf %add3A_279, %broadcast_in_dim3A_294 : vector<1x8xf32>
    %slice3A_296 = vector.extract_strided_slice %convert_element_type3A_29 {offsets = [832, 0], sizes = [64, 8], strides = [1, 1]} : vector<2048x8xf32> to vector<64x8xf32>
    %convert_element_type3A_297 = arith.truncf %slice3A_296 : vector<64x8xf32> to vector<64x8xbf16>
    %dot_general3A_298 = arith.constant dense<0.000000e+00> : vector<64x8xf32>
    %dot_general3A_299 = tpu.matmul %convert_element_type3A_84, %convert_element_type3A_297, %dot_general3A_298 {dimension_numbers = #tpu.dot_dimension_numbers<[1], [0], [0], [1], [0, 0, 1, 1], [], []>, transpose_lhs_hint = false} : vector<64x64xbf16>, vector<64x8xbf16>, vector<64x8xf32> -> vector<64x8xf32>
    %add3A_300 = vector.broadcast %add3A_295 : vector<1x8xf32> to vector<64x8xf32>
    %add3A_301 = arith.addf %dot_general3A_299, %add3A_300 : vector<64x8xf32>
    %broadcast_in_dim3A_302 = vector.shape_cast %convert_element_type3A_87 : vector<8xf32> to vector<1x8xf32>
    %add3A_303 = vector.broadcast %broadcast_in_dim3A_302 : vector<1x8xf32> to vector<64x8xf32>
    %add3A_304 = arith.addf %add3A_301, %add3A_303 : vector<64x8xf32>
    %mul3A_305 = arith.mulf %add3A_304, %slice3A_296 : vector<64x8xf32>
    %reduce_sum3A_306 = arith.constant dense<0.000000e+00> : vector<64xf32>
    %reduce_sum3A_307 = vector.multi_reduction <add>, %mul3A_305, %reduce_sum3A_306 [1] : vector<64x8xf32> to vector<64xf32>
    %reduce_sum3A_308 = arith.constant dense<0.000000e+00> : vector<8xf32>
    %reduce_sum3A_309 = vector.multi_reduction <add>, %slice3A_296, %reduce_sum3A_308 [0] : vector<64x8xf32> to vector<8xf32>
    %broadcast_in_dim3A_310 = vector.shape_cast %reduce_sum3A_309 : vector<8xf32> to vector<1x8xf32>
    %add3A_311 = arith.addf %add3A_295, %broadcast_in_dim3A_310 : vector<1x8xf32>
    %slice3A_312 = vector.extract_strided_slice %convert_element_type3A_29 {offsets = [896, 0], sizes = [64, 8], strides = [1, 1]} : vector<2048x8xf32> to vector<64x8xf32>
    %convert_element_type3A_313 = arith.truncf %slice3A_312 : vector<64x8xf32> to vector<64x8xbf16>
    %dot_general3A_314 = arith.constant dense<0.000000e+00> : vector<64x8xf32>
    %dot_general3A_315 = tpu.matmul %convert_element_type3A_84, %convert_element_type3A_313, %dot_general3A_314 {dimension_numbers = #tpu.dot_dimension_numbers<[1], [0], [0], [1], [0, 0, 1, 1], [], []>, transpose_lhs_hint = false} : vector<64x64xbf16>, vector<64x8xbf16>, vector<64x8xf32> -> vector<64x8xf32>
    %add3A_316 = vector.broadcast %add3A_311 : vector<1x8xf32> to vector<64x8xf32>
    %add3A_317 = arith.addf %dot_general3A_315, %add3A_316 : vector<64x8xf32>
    %broadcast_in_dim3A_318 = vector.shape_cast %convert_element_type3A_87 : vector<8xf32> to vector<1x8xf32>
    %add3A_319 = vector.broadcast %broadcast_in_dim3A_318 : vector<1x8xf32> to vector<64x8xf32>
    %add3A_320 = arith.addf %add3A_317, %add3A_319 : vector<64x8xf32>
    %mul3A_321 = arith.mulf %add3A_320, %slice3A_312 : vector<64x8xf32>
    %reduce_sum3A_322 = arith.constant dense<0.000000e+00> : vector<64xf32>
    %reduce_sum3A_323 = vector.multi_reduction <add>, %mul3A_321, %reduce_sum3A_322 [1] : vector<64x8xf32> to vector<64xf32>
    %reduce_sum3A_324 = arith.constant dense<0.000000e+00> : vector<8xf32>
    %reduce_sum3A_325 = vector.multi_reduction <add>, %slice3A_312, %reduce_sum3A_324 [0] : vector<64x8xf32> to vector<8xf32>
    %broadcast_in_dim3A_326 = vector.shape_cast %reduce_sum3A_325 : vector<8xf32> to vector<1x8xf32>
    %add3A_327 = arith.addf %add3A_311, %broadcast_in_dim3A_326 : vector<1x8xf32>
    %slice3A_328 = vector.extract_strided_slice %convert_element_type3A_29 {offsets = [960, 0], sizes = [64, 8], strides = [1, 1]} : vector<2048x8xf32> to vector<64x8xf32>
    %convert_element_type3A_329 = arith.truncf %slice3A_328 : vector<64x8xf32> to vector<64x8xbf16>
    %dot_general3A_330 = arith.constant dense<0.000000e+00> : vector<64x8xf32>
    %dot_general3A_331 = tpu.matmul %convert_element_type3A_84, %convert_element_type3A_329, %dot_general3A_330 {dimension_numbers = #tpu.dot_dimension_numbers<[1], [0], [0], [1], [0, 0, 1, 1], [], []>, transpose_lhs_hint = false} : vector<64x64xbf16>, vector<64x8xbf16>, vector<64x8xf32> -> vector<64x8xf32>
    %add3A_332 = vector.broadcast %add3A_327 : vector<1x8xf32> to vector<64x8xf32>
    %add3A_333 = arith.addf %dot_general3A_331, %add3A_332 : vector<64x8xf32>
    %broadcast_in_dim3A_334 = vector.shape_cast %convert_element_type3A_87 : vector<8xf32> to vector<1x8xf32>
    %add3A_335 = vector.broadcast %broadcast_in_dim3A_334 : vector<1x8xf32> to vector<64x8xf32>
    %add3A_336 = arith.addf %add3A_333, %add3A_335 : vector<64x8xf32>
    %mul3A_337 = arith.mulf %add3A_336, %slice3A_328 : vector<64x8xf32>
    %reduce_sum3A_338 = arith.constant dense<0.000000e+00> : vector<64xf32>
    %reduce_sum3A_339 = vector.multi_reduction <add>, %mul3A_337, %reduce_sum3A_338 [1] : vector<64x8xf32> to vector<64xf32>
    %reduce_sum3A_340 = arith.constant dense<0.000000e+00> : vector<8xf32>
    %reduce_sum3A_341 = vector.multi_reduction <add>, %slice3A_328, %reduce_sum3A_340 [0] : vector<64x8xf32> to vector<8xf32>
    %broadcast_in_dim3A_342 = vector.shape_cast %reduce_sum3A_341 : vector<8xf32> to vector<1x8xf32>
    %add3A_343 = arith.addf %add3A_327, %broadcast_in_dim3A_342 : vector<1x8xf32>
    %slice3A_344 = vector.extract_strided_slice %convert_element_type3A_29 {offsets = [1024, 0], sizes = [64, 8], strides = [1, 1]} : vector<2048x8xf32> to vector<64x8xf32>
    %convert_element_type3A_345 = arith.truncf %slice3A_344 : vector<64x8xf32> to vector<64x8xbf16>
    %dot_general3A_346 = arith.constant dense<0.000000e+00> : vector<64x8xf32>
    %dot_general3A_347 = tpu.matmul %convert_element_type3A_84, %convert_element_type3A_345, %dot_general3A_346 {dimension_numbers = #tpu.dot_dimension_numbers<[1], [0], [0], [1], [0, 0, 1, 1], [], []>, transpose_lhs_hint = false} : vector<64x64xbf16>, vector<64x8xbf16>, vector<64x8xf32> -> vector<64x8xf32>
    %add3A_348 = vector.broadcast %add3A_343 : vector<1x8xf32> to vector<64x8xf32>
    %add3A_349 = arith.addf %dot_general3A_347, %add3A_348 : vector<64x8xf32>
    %broadcast_in_dim3A_350 = vector.shape_cast %convert_element_type3A_87 : vector<8xf32> to vector<1x8xf32>
    %add3A_351 = vector.broadcast %broadcast_in_dim3A_350 : vector<1x8xf32> to vector<64x8xf32>
    %add3A_352 = arith.addf %add3A_349, %add3A_351 : vector<64x8xf32>
    %mul3A_353 = arith.mulf %add3A_352, %slice3A_344 : vector<64x8xf32>
    %reduce_sum3A_354 = arith.constant dense<0.000000e+00> : vector<64xf32>
    %reduce_sum3A_355 = vector.multi_reduction <add>, %mul3A_353, %reduce_sum3A_354 [1] : vector<64x8xf32> to vector<64xf32>
    %reduce_sum3A_356 = arith.constant dense<0.000000e+00> : vector<8xf32>
    %reduce_sum3A_357 = vector.multi_reduction <add>, %slice3A_344, %reduce_sum3A_356 [0] : vector<64x8xf32> to vector<8xf32>
    %broadcast_in_dim3A_358 = vector.shape_cast %reduce_sum3A_357 : vector<8xf32> to vector<1x8xf32>
    %add3A_359 = arith.addf %add3A_343, %broadcast_in_dim3A_358 : vector<1x8xf32>
    %slice3A_360 = vector.extract_strided_slice %convert_element_type3A_29 {offsets = [1088, 0], sizes = [64, 8], strides = [1, 1]} : vector<2048x8xf32> to vector<64x8xf32>
    %convert_element_type3A_361 = arith.truncf %slice3A_360 : vector<64x8xf32> to vector<64x8xbf16>
    %dot_general3A_362 = arith.constant dense<0.000000e+00> : vector<64x8xf32>
    %dot_general3A_363 = tpu.matmul %convert_element_type3A_84, %convert_element_type3A_361, %dot_general3A_362 {dimension_numbers = #tpu.dot_dimension_numbers<[1], [0], [0], [1], [0, 0, 1, 1], [], []>, transpose_lhs_hint = false} : vector<64x64xbf16>, vector<64x8xbf16>, vector<64x8xf32> -> vector<64x8xf32>
    %add3A_364 = vector.broadcast %add3A_359 : vector<1x8xf32> to vector<64x8xf32>
    %add3A_365 = arith.addf %dot_general3A_363, %add3A_364 : vector<64x8xf32>
    %broadcast_in_dim3A_366 = vector.shape_cast %convert_element_type3A_87 : vector<8xf32> to vector<1x8xf32>
    %add3A_367 = vector.broadcast %broadcast_in_dim3A_366 : vector<1x8xf32> to vector<64x8xf32>
    %add3A_368 = arith.addf %add3A_365, %add3A_367 : vector<64x8xf32>
    %mul3A_369 = arith.mulf %add3A_368, %slice3A_360 : vector<64x8xf32>
    %reduce_sum3A_370 = arith.constant dense<0.000000e+00> : vector<64xf32>
    %reduce_sum3A_371 = vector.multi_reduction <add>, %mul3A_369, %reduce_sum3A_370 [1] : vector<64x8xf32> to vector<64xf32>
    %reduce_sum3A_372 = arith.constant dense<0.000000e+00> : vector<8xf32>
    %reduce_sum3A_373 = vector.multi_reduction <add>, %slice3A_360, %reduce_sum3A_372 [0] : vector<64x8xf32> to vector<8xf32>
    %broadcast_in_dim3A_374 = vector.shape_cast %reduce_sum3A_373 : vector<8xf32> to vector<1x8xf32>
    %add3A_375 = arith.addf %add3A_359, %broadcast_in_dim3A_374 : vector<1x8xf32>
    %slice3A_376 = vector.extract_strided_slice %convert_element_type3A_29 {offsets = [1152, 0], sizes = [64, 8], strides = [1, 1]} : vector<2048x8xf32> to vector<64x8xf32>
    %convert_element_type3A_377 = arith.truncf %slice3A_376 : vector<64x8xf32> to vector<64x8xbf16>
    %dot_general3A_378 = arith.constant dense<0.000000e+00> : vector<64x8xf32>
    %dot_general3A_379 = tpu.matmul %convert_element_type3A_84, %convert_element_type3A_377, %dot_general3A_378 {dimension_numbers = #tpu.dot_dimension_numbers<[1], [0], [0], [1], [0, 0, 1, 1], [], []>, transpose_lhs_hint = false} : vector<64x64xbf16>, vector<64x8xbf16>, vector<64x8xf32> -> vector<64x8xf32>
    %add3A_380 = vector.broadcast %add3A_375 : vector<1x8xf32> to vector<64x8xf32>
    %add3A_381 = arith.addf %dot_general3A_379, %add3A_380 : vector<64x8xf32>
    %broadcast_in_dim3A_382 = vector.shape_cast %convert_element_type3A_87 : vector<8xf32> to vector<1x8xf32>
    %add3A_383 = vector.broadcast %broadcast_in_dim3A_382 : vector<1x8xf32> to vector<64x8xf32>
    %add3A_384 = arith.addf %add3A_381, %add3A_383 : vector<64x8xf32>
    %mul3A_385 = arith.mulf %add3A_384, %slice3A_376 : vector<64x8xf32>
    %reduce_sum3A_386 = arith.constant dense<0.000000e+00> : vector<64xf32>
    %reduce_sum3A_387 = vector.multi_reduction <add>, %mul3A_385, %reduce_sum3A_386 [1] : vector<64x8xf32> to vector<64xf32>
    %reduce_sum3A_388 = arith.constant dense<0.000000e+00> : vector<8xf32>
    %reduce_sum3A_389 = vector.multi_reduction <add>, %slice3A_376, %reduce_sum3A_388 [0] : vector<64x8xf32> to vector<8xf32>
    %broadcast_in_dim3A_390 = vector.shape_cast %reduce_sum3A_389 : vector<8xf32> to vector<1x8xf32>
    %add3A_391 = arith.addf %add3A_375, %broadcast_in_dim3A_390 : vector<1x8xf32>
    %slice3A_392 = vector.extract_strided_slice %convert_element_type3A_29 {offsets = [1216, 0], sizes = [64, 8], strides = [1, 1]} : vector<2048x8xf32> to vector<64x8xf32>
    %convert_element_type3A_393 = arith.truncf %slice3A_392 : vector<64x8xf32> to vector<64x8xbf16>
    %dot_general3A_394 = arith.constant dense<0.000000e+00> : vector<64x8xf32>
    %dot_general3A_395 = tpu.matmul %convert_element_type3A_84, %convert_element_type3A_393, %dot_general3A_394 {dimension_numbers = #tpu.dot_dimension_numbers<[1], [0], [0], [1], [0, 0, 1, 1], [], []>, transpose_lhs_hint = false} : vector<64x64xbf16>, vector<64x8xbf16>, vector<64x8xf32> -> vector<64x8xf32>
    %add3A_396 = vector.broadcast %add3A_391 : vector<1x8xf32> to vector<64x8xf32>
    %add3A_397 = arith.addf %dot_general3A_395, %add3A_396 : vector<64x8xf32>
    %broadcast_in_dim3A_398 = vector.shape_cast %convert_element_type3A_87 : vector<8xf32> to vector<1x8xf32>
    %add3A_399 = vector.broadcast %broadcast_in_dim3A_398 : vector<1x8xf32> to vector<64x8xf32>
    %add3A_400 = arith.addf %add3A_397, %add3A_399 : vector<64x8xf32>
    %mul3A_401 = arith.mulf %add3A_400, %slice3A_392 : vector<64x8xf32>
    %reduce_sum3A_402 = arith.constant dense<0.000000e+00> : vector<64xf32>
    %reduce_sum3A_403 = vector.multi_reduction <add>, %mul3A_401, %reduce_sum3A_402 [1] : vector<64x8xf32> to vector<64xf32>
    %reduce_sum3A_404 = arith.constant dense<0.000000e+00> : vector<8xf32>
    %reduce_sum3A_405 = vector.multi_reduction <add>, %slice3A_392, %reduce_sum3A_404 [0] : vector<64x8xf32> to vector<8xf32>
    %broadcast_in_dim3A_406 = vector.shape_cast %reduce_sum3A_405 : vector<8xf32> to vector<1x8xf32>
    %add3A_407 = arith.addf %add3A_391, %broadcast_in_dim3A_406 : vector<1x8xf32>
    %slice3A_408 = vector.extract_strided_slice %convert_element_type3A_29 {offsets = [1280, 0], sizes = [64, 8], strides = [1, 1]} : vector<2048x8xf32> to vector<64x8xf32>
    %convert_element_type3A_409 = arith.truncf %slice3A_408 : vector<64x8xf32> to vector<64x8xbf16>
    %dot_general3A_410 = arith.constant dense<0.000000e+00> : vector<64x8xf32>
    %dot_general3A_411 = tpu.matmul %convert_element_type3A_84, %convert_element_type3A_409, %dot_general3A_410 {dimension_numbers = #tpu.dot_dimension_numbers<[1], [0], [0], [1], [0, 0, 1, 1], [], []>, transpose_lhs_hint = false} : vector<64x64xbf16>, vector<64x8xbf16>, vector<64x8xf32> -> vector<64x8xf32>
    %add3A_412 = vector.broadcast %add3A_407 : vector<1x8xf32> to vector<64x8xf32>
    %add3A_413 = arith.addf %dot_general3A_411, %add3A_412 : vector<64x8xf32>
    %broadcast_in_dim3A_414 = vector.shape_cast %convert_element_type3A_87 : vector<8xf32> to vector<1x8xf32>
    %add3A_415 = vector.broadcast %broadcast_in_dim3A_414 : vector<1x8xf32> to vector<64x8xf32>
    %add3A_416 = arith.addf %add3A_413, %add3A_415 : vector<64x8xf32>
    %mul3A_417 = arith.mulf %add3A_416, %slice3A_408 : vector<64x8xf32>
    %reduce_sum3A_418 = arith.constant dense<0.000000e+00> : vector<64xf32>
    %reduce_sum3A_419 = vector.multi_reduction <add>, %mul3A_417, %reduce_sum3A_418 [1] : vector<64x8xf32> to vector<64xf32>
    %reduce_sum3A_420 = arith.constant dense<0.000000e+00> : vector<8xf32>
    %reduce_sum3A_421 = vector.multi_reduction <add>, %slice3A_408, %reduce_sum3A_420 [0] : vector<64x8xf32> to vector<8xf32>
    %broadcast_in_dim3A_422 = vector.shape_cast %reduce_sum3A_421 : vector<8xf32> to vector<1x8xf32>
    %add3A_423 = arith.addf %add3A_407, %broadcast_in_dim3A_422 : vector<1x8xf32>
    %slice3A_424 = vector.extract_strided_slice %convert_element_type3A_29 {offsets = [1344, 0], sizes = [64, 8], strides = [1, 1]} : vector<2048x8xf32> to vector<64x8xf32>
    %convert_element_type3A_425 = arith.truncf %slice3A_424 : vector<64x8xf32> to vector<64x8xbf16>
    %dot_general3A_426 = arith.constant dense<0.000000e+00> : vector<64x8xf32>
    %dot_general3A_427 = tpu.matmul %convert_element_type3A_84, %convert_element_type3A_425, %dot_general3A_426 {dimension_numbers = #tpu.dot_dimension_numbers<[1], [0], [0], [1], [0, 0, 1, 1], [], []>, transpose_lhs_hint = false} : vector<64x64xbf16>, vector<64x8xbf16>, vector<64x8xf32> -> vector<64x8xf32>
    %add3A_428 = vector.broadcast %add3A_423 : vector<1x8xf32> to vector<64x8xf32>
    %add3A_429 = arith.addf %dot_general3A_427, %add3A_428 : vector<64x8xf32>
    %broadcast_in_dim3A_430 = vector.shape_cast %convert_element_type3A_87 : vector<8xf32> to vector<1x8xf32>
    %add3A_431 = vector.broadcast %broadcast_in_dim3A_430 : vector<1x8xf32> to vector<64x8xf32>
    %add3A_432 = arith.addf %add3A_429, %add3A_431 : vector<64x8xf32>
    %mul3A_433 = arith.mulf %add3A_432, %slice3A_424 : vector<64x8xf32>
    %reduce_sum3A_434 = arith.constant dense<0.000000e+00> : vector<64xf32>
    %reduce_sum3A_435 = vector.multi_reduction <add>, %mul3A_433, %reduce_sum3A_434 [1] : vector<64x8xf32> to vector<64xf32>
    %reduce_sum3A_436 = arith.constant dense<0.000000e+00> : vector<8xf32>
    %reduce_sum3A_437 = vector.multi_reduction <add>, %slice3A_424, %reduce_sum3A_436 [0] : vector<64x8xf32> to vector<8xf32>
    %broadcast_in_dim3A_438 = vector.shape_cast %reduce_sum3A_437 : vector<8xf32> to vector<1x8xf32>
    %add3A_439 = arith.addf %add3A_423, %broadcast_in_dim3A_438 : vector<1x8xf32>
    %slice3A_440 = vector.extract_strided_slice %convert_element_type3A_29 {offsets = [1408, 0], sizes = [64, 8], strides = [1, 1]} : vector<2048x8xf32> to vector<64x8xf32>
    %convert_element_type3A_441 = arith.truncf %slice3A_440 : vector<64x8xf32> to vector<64x8xbf16>
    %dot_general3A_442 = arith.constant dense<0.000000e+00> : vector<64x8xf32>
    %dot_general3A_443 = tpu.matmul %convert_element_type3A_84, %convert_element_type3A_441, %dot_general3A_442 {dimension_numbers = #tpu.dot_dimension_numbers<[1], [0], [0], [1], [0, 0, 1, 1], [], []>, transpose_lhs_hint = false} : vector<64x64xbf16>, vector<64x8xbf16>, vector<64x8xf32> -> vector<64x8xf32>
    %add3A_444 = vector.broadcast %add3A_439 : vector<1x8xf32> to vector<64x8xf32>
    %add3A_445 = arith.addf %dot_general3A_443, %add3A_444 : vector<64x8xf32>
    %broadcast_in_dim3A_446 = vector.shape_cast %convert_element_type3A_87 : vector<8xf32> to vector<1x8xf32>
    %add3A_447 = vector.broadcast %broadcast_in_dim3A_446 : vector<1x8xf32> to vector<64x8xf32>
    %add3A_448 = arith.addf %add3A_445, %add3A_447 : vector<64x8xf32>
    %mul3A_449 = arith.mulf %add3A_448, %slice3A_440 : vector<64x8xf32>
    %reduce_sum3A_450 = arith.constant dense<0.000000e+00> : vector<64xf32>
    %reduce_sum3A_451 = vector.multi_reduction <add>, %mul3A_449, %reduce_sum3A_450 [1] : vector<64x8xf32> to vector<64xf32>
    %reduce_sum3A_452 = arith.constant dense<0.000000e+00> : vector<8xf32>
    %reduce_sum3A_453 = vector.multi_reduction <add>, %slice3A_440, %reduce_sum3A_452 [0] : vector<64x8xf32> to vector<8xf32>
    %broadcast_in_dim3A_454 = vector.shape_cast %reduce_sum3A_453 : vector<8xf32> to vector<1x8xf32>
    %add3A_455 = arith.addf %add3A_439, %broadcast_in_dim3A_454 : vector<1x8xf32>
    %slice3A_456 = vector.extract_strided_slice %convert_element_type3A_29 {offsets = [1472, 0], sizes = [64, 8], strides = [1, 1]} : vector<2048x8xf32> to vector<64x8xf32>
    %convert_element_type3A_457 = arith.truncf %slice3A_456 : vector<64x8xf32> to vector<64x8xbf16>
    %dot_general3A_458 = arith.constant dense<0.000000e+00> : vector<64x8xf32>
    %dot_general3A_459 = tpu.matmul %convert_element_type3A_84, %convert_element_type3A_457, %dot_general3A_458 {dimension_numbers = #tpu.dot_dimension_numbers<[1], [0], [0], [1], [0, 0, 1, 1], [], []>, transpose_lhs_hint = false} : vector<64x64xbf16>, vector<64x8xbf16>, vector<64x8xf32> -> vector<64x8xf32>
    %add3A_460 = vector.broadcast %add3A_455 : vector<1x8xf32> to vector<64x8xf32>
    %add3A_461 = arith.addf %dot_general3A_459, %add3A_460 : vector<64x8xf32>
    %broadcast_in_dim3A_462 = vector.shape_cast %convert_element_type3A_87 : vector<8xf32> to vector<1x8xf32>
    %add3A_463 = vector.broadcast %broadcast_in_dim3A_462 : vector<1x8xf32> to vector<64x8xf32>
    %add3A_464 = arith.addf %add3A_461, %add3A_463 : vector<64x8xf32>
    %mul3A_465 = arith.mulf %add3A_464, %slice3A_456 : vector<64x8xf32>
    %reduce_sum3A_466 = arith.constant dense<0.000000e+00> : vector<64xf32>
    %reduce_sum3A_467 = vector.multi_reduction <add>, %mul3A_465, %reduce_sum3A_466 [1] : vector<64x8xf32> to vector<64xf32>
    %reduce_sum3A_468 = arith.constant dense<0.000000e+00> : vector<8xf32>
    %reduce_sum3A_469 = vector.multi_reduction <add>, %slice3A_456, %reduce_sum3A_468 [0] : vector<64x8xf32> to vector<8xf32>
    %broadcast_in_dim3A_470 = vector.shape_cast %reduce_sum3A_469 : vector<8xf32> to vector<1x8xf32>
    %add3A_471 = arith.addf %add3A_455, %broadcast_in_dim3A_470 : vector<1x8xf32>
    %slice3A_472 = vector.extract_strided_slice %convert_element_type3A_29 {offsets = [1536, 0], sizes = [64, 8], strides = [1, 1]} : vector<2048x8xf32> to vector<64x8xf32>
    %convert_element_type3A_473 = arith.truncf %slice3A_472 : vector<64x8xf32> to vector<64x8xbf16>
    %dot_general3A_474 = arith.constant dense<0.000000e+00> : vector<64x8xf32>
    %dot_general3A_475 = tpu.matmul %convert_element_type3A_84, %convert_element_type3A_473, %dot_general3A_474 {dimension_numbers = #tpu.dot_dimension_numbers<[1], [0], [0], [1], [0, 0, 1, 1], [], []>, transpose_lhs_hint = false} : vector<64x64xbf16>, vector<64x8xbf16>, vector<64x8xf32> -> vector<64x8xf32>
    %add3A_476 = vector.broadcast %add3A_471 : vector<1x8xf32> to vector<64x8xf32>
    %add3A_477 = arith.addf %dot_general3A_475, %add3A_476 : vector<64x8xf32>
    %broadcast_in_dim3A_478 = vector.shape_cast %convert_element_type3A_87 : vector<8xf32> to vector<1x8xf32>
    %add3A_479 = vector.broadcast %broadcast_in_dim3A_478 : vector<1x8xf32> to vector<64x8xf32>
    %add3A_480 = arith.addf %add3A_477, %add3A_479 : vector<64x8xf32>
    %mul3A_481 = arith.mulf %add3A_480, %slice3A_472 : vector<64x8xf32>
    %reduce_sum3A_482 = arith.constant dense<0.000000e+00> : vector<64xf32>
    %reduce_sum3A_483 = vector.multi_reduction <add>, %mul3A_481, %reduce_sum3A_482 [1] : vector<64x8xf32> to vector<64xf32>
    %reduce_sum3A_484 = arith.constant dense<0.000000e+00> : vector<8xf32>
    %reduce_sum3A_485 = vector.multi_reduction <add>, %slice3A_472, %reduce_sum3A_484 [0] : vector<64x8xf32> to vector<8xf32>
    %broadcast_in_dim3A_486 = vector.shape_cast %reduce_sum3A_485 : vector<8xf32> to vector<1x8xf32>
    %add3A_487 = arith.addf %add3A_471, %broadcast_in_dim3A_486 : vector<1x8xf32>
    %slice3A_488 = vector.extract_strided_slice %convert_element_type3A_29 {offsets = [1600, 0], sizes = [64, 8], strides = [1, 1]} : vector<2048x8xf32> to vector<64x8xf32>
    %convert_element_type3A_489 = arith.truncf %slice3A_488 : vector<64x8xf32> to vector<64x8xbf16>
    %dot_general3A_490 = arith.constant dense<0.000000e+00> : vector<64x8xf32>
    %dot_general3A_491 = tpu.matmul %convert_element_type3A_84, %convert_element_type3A_489, %dot_general3A_490 {dimension_numbers = #tpu.dot_dimension_numbers<[1], [0], [0], [1], [0, 0, 1, 1], [], []>, transpose_lhs_hint = false} : vector<64x64xbf16>, vector<64x8xbf16>, vector<64x8xf32> -> vector<64x8xf32>
    %add3A_492 = vector.broadcast %add3A_487 : vector<1x8xf32> to vector<64x8xf32>
    %add3A_493 = arith.addf %dot_general3A_491, %add3A_492 : vector<64x8xf32>
    %broadcast_in_dim3A_494 = vector.shape_cast %convert_element_type3A_87 : vector<8xf32> to vector<1x8xf32>
    %add3A_495 = vector.broadcast %broadcast_in_dim3A_494 : vector<1x8xf32> to vector<64x8xf32>
    %add3A_496 = arith.addf %add3A_493, %add3A_495 : vector<64x8xf32>
    %mul3A_497 = arith.mulf %add3A_496, %slice3A_488 : vector<64x8xf32>
    %reduce_sum3A_498 = arith.constant dense<0.000000e+00> : vector<64xf32>
    %reduce_sum3A_499 = vector.multi_reduction <add>, %mul3A_497, %reduce_sum3A_498 [1] : vector<64x8xf32> to vector<64xf32>
    %reduce_sum3A_500 = arith.constant dense<0.000000e+00> : vector<8xf32>
    %reduce_sum3A_501 = vector.multi_reduction <add>, %slice3A_488, %reduce_sum3A_500 [0] : vector<64x8xf32> to vector<8xf32>
    %broadcast_in_dim3A_502 = vector.shape_cast %reduce_sum3A_501 : vector<8xf32> to vector<1x8xf32>
    %add3A_503 = arith.addf %add3A_487, %broadcast_in_dim3A_502 : vector<1x8xf32>
    %slice3A_504 = vector.extract_strided_slice %convert_element_type3A_29 {offsets = [1664, 0], sizes = [64, 8], strides = [1, 1]} : vector<2048x8xf32> to vector<64x8xf32>
    %convert_element_type3A_505 = arith.truncf %slice3A_504 : vector<64x8xf32> to vector<64x8xbf16>
    %dot_general3A_506 = arith.constant dense<0.000000e+00> : vector<64x8xf32>
    %dot_general3A_507 = tpu.matmul %convert_element_type3A_84, %convert_element_type3A_505, %dot_general3A_506 {dimension_numbers = #tpu.dot_dimension_numbers<[1], [0], [0], [1], [0, 0, 1, 1], [], []>, transpose_lhs_hint = false} : vector<64x64xbf16>, vector<64x8xbf16>, vector<64x8xf32> -> vector<64x8xf32>
    %add3A_508 = vector.broadcast %add3A_503 : vector<1x8xf32> to vector<64x8xf32>
    %add3A_509 = arith.addf %dot_general3A_507, %add3A_508 : vector<64x8xf32>
    %broadcast_in_dim3A_510 = vector.shape_cast %convert_element_type3A_87 : vector<8xf32> to vector<1x8xf32>
    %add3A_511 = vector.broadcast %broadcast_in_dim3A_510 : vector<1x8xf32> to vector<64x8xf32>
    %add3A_512 = arith.addf %add3A_509, %add3A_511 : vector<64x8xf32>
    %mul3A_513 = arith.mulf %add3A_512, %slice3A_504 : vector<64x8xf32>
    %reduce_sum3A_514 = arith.constant dense<0.000000e+00> : vector<64xf32>
    %reduce_sum3A_515 = vector.multi_reduction <add>, %mul3A_513, %reduce_sum3A_514 [1] : vector<64x8xf32> to vector<64xf32>
    %reduce_sum3A_516 = arith.constant dense<0.000000e+00> : vector<8xf32>
    %reduce_sum3A_517 = vector.multi_reduction <add>, %slice3A_504, %reduce_sum3A_516 [0] : vector<64x8xf32> to vector<8xf32>
    %broadcast_in_dim3A_518 = vector.shape_cast %reduce_sum3A_517 : vector<8xf32> to vector<1x8xf32>
    %add3A_519 = arith.addf %add3A_503, %broadcast_in_dim3A_518 : vector<1x8xf32>
    %slice3A_520 = vector.extract_strided_slice %convert_element_type3A_29 {offsets = [1728, 0], sizes = [64, 8], strides = [1, 1]} : vector<2048x8xf32> to vector<64x8xf32>
    %convert_element_type3A_521 = arith.truncf %slice3A_520 : vector<64x8xf32> to vector<64x8xbf16>
    %dot_general3A_522 = arith.constant dense<0.000000e+00> : vector<64x8xf32>
    %dot_general3A_523 = tpu.matmul %convert_element_type3A_84, %convert_element_type3A_521, %dot_general3A_522 {dimension_numbers = #tpu.dot_dimension_numbers<[1], [0], [0], [1], [0, 0, 1, 1], [], []>, transpose_lhs_hint = false} : vector<64x64xbf16>, vector<64x8xbf16>, vector<64x8xf32> -> vector<64x8xf32>
    %add3A_524 = vector.broadcast %add3A_519 : vector<1x8xf32> to vector<64x8xf32>
    %add3A_525 = arith.addf %dot_general3A_523, %add3A_524 : vector<64x8xf32>
    %broadcast_in_dim3A_526 = vector.shape_cast %convert_element_type3A_87 : vector<8xf32> to vector<1x8xf32>
    %add3A_527 = vector.broadcast %broadcast_in_dim3A_526 : vector<1x8xf32> to vector<64x8xf32>
    %add3A_528 = arith.addf %add3A_525, %add3A_527 : vector<64x8xf32>
    %mul3A_529 = arith.mulf %add3A_528, %slice3A_520 : vector<64x8xf32>
    %reduce_sum3A_530 = arith.constant dense<0.000000e+00> : vector<64xf32>
    %reduce_sum3A_531 = vector.multi_reduction <add>, %mul3A_529, %reduce_sum3A_530 [1] : vector<64x8xf32> to vector<64xf32>
    %reduce_sum3A_532 = arith.constant dense<0.000000e+00> : vector<8xf32>
    %reduce_sum3A_533 = vector.multi_reduction <add>, %slice3A_520, %reduce_sum3A_532 [0] : vector<64x8xf32> to vector<8xf32>
    %broadcast_in_dim3A_534 = vector.shape_cast %reduce_sum3A_533 : vector<8xf32> to vector<1x8xf32>
    %add3A_535 = arith.addf %add3A_519, %broadcast_in_dim3A_534 : vector<1x8xf32>
    %slice3A_536 = vector.extract_strided_slice %convert_element_type3A_29 {offsets = [1792, 0], sizes = [64, 8], strides = [1, 1]} : vector<2048x8xf32> to vector<64x8xf32>
    %convert_element_type3A_537 = arith.truncf %slice3A_536 : vector<64x8xf32> to vector<64x8xbf16>
    %dot_general3A_538 = arith.constant dense<0.000000e+00> : vector<64x8xf32>
    %dot_general3A_539 = tpu.matmul %convert_element_type3A_84, %convert_element_type3A_537, %dot_general3A_538 {dimension_numbers = #tpu.dot_dimension_numbers<[1], [0], [0], [1], [0, 0, 1, 1], [], []>, transpose_lhs_hint = false} : vector<64x64xbf16>, vector<64x8xbf16>, vector<64x8xf32> -> vector<64x8xf32>
    %add3A_540 = vector.broadcast %add3A_535 : vector<1x8xf32> to vector<64x8xf32>
    %add3A_541 = arith.addf %dot_general3A_539, %add3A_540 : vector<64x8xf32>
    %broadcast_in_dim3A_542 = vector.shape_cast %convert_element_type3A_87 : vector<8xf32> to vector<1x8xf32>
    %add3A_543 = vector.broadcast %broadcast_in_dim3A_542 : vector<1x8xf32> to vector<64x8xf32>
    %add3A_544 = arith.addf %add3A_541, %add3A_543 : vector<64x8xf32>
    %mul3A_545 = arith.mulf %add3A_544, %slice3A_536 : vector<64x8xf32>
    %reduce_sum3A_546 = arith.constant dense<0.000000e+00> : vector<64xf32>
    %reduce_sum3A_547 = vector.multi_reduction <add>, %mul3A_545, %reduce_sum3A_546 [1] : vector<64x8xf32> to vector<64xf32>
    %reduce_sum3A_548 = arith.constant dense<0.000000e+00> : vector<8xf32>
    %reduce_sum3A_549 = vector.multi_reduction <add>, %slice3A_536, %reduce_sum3A_548 [0] : vector<64x8xf32> to vector<8xf32>
    %broadcast_in_dim3A_550 = vector.shape_cast %reduce_sum3A_549 : vector<8xf32> to vector<1x8xf32>
    %add3A_551 = arith.addf %add3A_535, %broadcast_in_dim3A_550 : vector<1x8xf32>
    %slice3A_552 = vector.extract_strided_slice %convert_element_type3A_29 {offsets = [1856, 0], sizes = [64, 8], strides = [1, 1]} : vector<2048x8xf32> to vector<64x8xf32>
    %convert_element_type3A_553 = arith.truncf %slice3A_552 : vector<64x8xf32> to vector<64x8xbf16>
    %dot_general3A_554 = arith.constant dense<0.000000e+00> : vector<64x8xf32>
    %dot_general3A_555 = tpu.matmul %convert_element_type3A_84, %convert_element_type3A_553, %dot_general3A_554 {dimension_numbers = #tpu.dot_dimension_numbers<[1], [0], [0], [1], [0, 0, 1, 1], [], []>, transpose_lhs_hint = false} : vector<64x64xbf16>, vector<64x8xbf16>, vector<64x8xf32> -> vector<64x8xf32>
    %add3A_556 = vector.broadcast %add3A_551 : vector<1x8xf32> to vector<64x8xf32>
    %add3A_557 = arith.addf %dot_general3A_555, %add3A_556 : vector<64x8xf32>
    %broadcast_in_dim3A_558 = vector.shape_cast %convert_element_type3A_87 : vector<8xf32> to vector<1x8xf32>
    %add3A_559 = vector.broadcast %broadcast_in_dim3A_558 : vector<1x8xf32> to vector<64x8xf32>
    %add3A_560 = arith.addf %add3A_557, %add3A_559 : vector<64x8xf32>
    %mul3A_561 = arith.mulf %add3A_560, %slice3A_552 : vector<64x8xf32>
    %reduce_sum3A_562 = arith.constant dense<0.000000e+00> : vector<64xf32>
    %reduce_sum3A_563 = vector.multi_reduction <add>, %mul3A_561, %reduce_sum3A_562 [1] : vector<64x8xf32> to vector<64xf32>
    %reduce_sum3A_564 = arith.constant dense<0.000000e+00> : vector<8xf32>
    %reduce_sum3A_565 = vector.multi_reduction <add>, %slice3A_552, %reduce_sum3A_564 [0] : vector<64x8xf32> to vector<8xf32>
    %broadcast_in_dim3A_566 = vector.shape_cast %reduce_sum3A_565 : vector<8xf32> to vector<1x8xf32>
    %add3A_567 = arith.addf %add3A_551, %broadcast_in_dim3A_566 : vector<1x8xf32>
    %slice3A_568 = vector.extract_strided_slice %convert_element_type3A_29 {offsets = [1920, 0], sizes = [64, 8], strides = [1, 1]} : vector<2048x8xf32> to vector<64x8xf32>
    %convert_element_type3A_569 = arith.truncf %slice3A_568 : vector<64x8xf32> to vector<64x8xbf16>
    %dot_general3A_570 = arith.constant dense<0.000000e+00> : vector<64x8xf32>
    %dot_general3A_571 = tpu.matmul %convert_element_type3A_84, %convert_element_type3A_569, %dot_general3A_570 {dimension_numbers = #tpu.dot_dimension_numbers<[1], [0], [0], [1], [0, 0, 1, 1], [], []>, transpose_lhs_hint = false} : vector<64x64xbf16>, vector<64x8xbf16>, vector<64x8xf32> -> vector<64x8xf32>
    %add3A_572 = vector.broadcast %add3A_567 : vector<1x8xf32> to vector<64x8xf32>
    %add3A_573 = arith.addf %dot_general3A_571, %add3A_572 : vector<64x8xf32>
    %broadcast_in_dim3A_574 = vector.shape_cast %convert_element_type3A_87 : vector<8xf32> to vector<1x8xf32>
    %add3A_575 = vector.broadcast %broadcast_in_dim3A_574 : vector<1x8xf32> to vector<64x8xf32>
    %add3A_576 = arith.addf %add3A_573, %add3A_575 : vector<64x8xf32>
    %mul3A_577 = arith.mulf %add3A_576, %slice3A_568 : vector<64x8xf32>
    %reduce_sum3A_578 = arith.constant dense<0.000000e+00> : vector<64xf32>
    %reduce_sum3A_579 = vector.multi_reduction <add>, %mul3A_577, %reduce_sum3A_578 [1] : vector<64x8xf32> to vector<64xf32>
    %reduce_sum3A_580 = arith.constant dense<0.000000e+00> : vector<8xf32>
    %reduce_sum3A_581 = vector.multi_reduction <add>, %slice3A_568, %reduce_sum3A_580 [0] : vector<64x8xf32> to vector<8xf32>
    %broadcast_in_dim3A_582 = vector.shape_cast %reduce_sum3A_581 : vector<8xf32> to vector<1x8xf32>
    %add3A_583 = arith.addf %add3A_567, %broadcast_in_dim3A_582 : vector<1x8xf32>
    %slice3A_584 = vector.extract_strided_slice %convert_element_type3A_29 {offsets = [1984, 0], sizes = [64, 8], strides = [1, 1]} : vector<2048x8xf32> to vector<64x8xf32>
    %convert_element_type3A_585 = arith.truncf %slice3A_584 : vector<64x8xf32> to vector<64x8xbf16>
    %dot_general3A_586 = arith.constant dense<0.000000e+00> : vector<64x8xf32>
    %dot_general3A_587 = tpu.matmul %convert_element_type3A_84, %convert_element_type3A_585, %dot_general3A_586 {dimension_numbers = #tpu.dot_dimension_numbers<[1], [0], [0], [1], [0, 0, 1, 1], [], []>, transpose_lhs_hint = false} : vector<64x64xbf16>, vector<64x8xbf16>, vector<64x8xf32> -> vector<64x8xf32>
    %add3A_588 = vector.broadcast %add3A_583 : vector<1x8xf32> to vector<64x8xf32>
    %add3A_589 = arith.addf %dot_general3A_587, %add3A_588 : vector<64x8xf32>
    %broadcast_in_dim3A_590 = vector.shape_cast %convert_element_type3A_87 : vector<8xf32> to vector<1x8xf32>
    %add3A_591 = vector.broadcast %broadcast_in_dim3A_590 : vector<1x8xf32> to vector<64x8xf32>
    %add3A_592 = arith.addf %add3A_589, %add3A_591 : vector<64x8xf32>
    %mul3A_593 = arith.mulf %add3A_592, %slice3A_584 : vector<64x8xf32>
    %reduce_sum3A_594 = arith.constant dense<0.000000e+00> : vector<64xf32>
    %reduce_sum3A_595 = vector.multi_reduction <add>, %mul3A_593, %reduce_sum3A_594 [1] : vector<64x8xf32> to vector<64xf32>
    %concatenate3A = tpu.concatenate %reduce_sum3A_99, %reduce_sum3A_115, %reduce_sum3A_131, %reduce_sum3A_147, %reduce_sum3A_163, %reduce_sum3A_179, %reduce_sum3A_195, %reduce_sum3A_211, %reduce_sum3A_227, %reduce_sum3A_243, %reduce_sum3A_259, %reduce_sum3A_275, %reduce_sum3A_291, %reduce_sum3A_307, %reduce_sum3A_323, %reduce_sum3A_339, %reduce_sum3A_355, %reduce_sum3A_371, %reduce_sum3A_387, %reduce_sum3A_403, %reduce_sum3A_419, %reduce_sum3A_435, %reduce_sum3A_451, %reduce_sum3A_467, %reduce_sum3A_483, %reduce_sum3A_499, %reduce_sum3A_515, %reduce_sum3A_531, %reduce_sum3A_547, %reduce_sum3A_563, %reduce_sum3A_579, %reduce_sum3A_595 in 0 : vector<64xf32>, vector<64xf32>, vector<64xf32>, vector<64xf32>, vector<64xf32>, vector<64xf32>, vector<64xf32>, vector<64xf32>, vector<64xf32>, vector<64xf32>, vector<64xf32>, vector<64xf32>, vector<64xf32>, vector<64xf32>, vector<64xf32>, vector<64xf32>, vector<64xf32>, vector<64xf32>, vector<64xf32>, vector<64xf32>, vector<64xf32>, vector<64xf32>, vector<64xf32>, vector<64xf32>, vector<64xf32>, vector<64xf32>, vector<64xf32>, vector<64xf32>, vector<64xf32>, vector<64xf32>, vector<64xf32>, vector<64xf32> -> vector<2048xf32>
    %round3A_596 = math.roundeven %concatenate3A : vector<2048xf32>
    %broadcast_in_dim3A_597 = vector.shape_cast %round3A_596 : vector<2048xf32> to vector<1x2048xf32>
    %convert_element_type3A_598 = arith.fptosi %broadcast_in_dim3A_597 : vector<1x2048xf32> to vector<1x2048xi32>
    %swap3A_599 = arith.constant 0 : index
    %swap3A_600 = arith.constant 0 : index
    %swap3A_601 = vector.load %arg2[%swap3A_599, %swap3A_600] : memref<1x2048xi32, #tpu.memory_space<vmem>>, vector<1x2048xi32>
    tpu.vector_store %arg2[%swap3A_599, %swap3A_600], %convert_element_type3A_598 {strides = array<i32>} : memref<1x2048xi32, #tpu.memory_space<vmem>>, vector<1x2048xi32>,
    %iota3A_602 = tpu.iota {dimensions = array<i32: 1>} : vector<1x2048xi32>
    %jit3A_603 = arith.constant 16 : i32
    %div3A_604 = vector.broadcast %jit3A_603 : i32 to vector<1x2048xi32>
    %div3A_605 = arith.divsi %iota3A_602, %div3A_604 : vector<1x2048xi32>
    %sign3A_606 = arith.constant 0 : i32
    %sign3A_607 = vector.broadcast %sign3A_606 : i32 to vector<1x2048xi32>
    %sign3A_608 = arith.cmpi sgt, %iota3A_602, %sign3A_607 : vector<1x2048xi32>
    %sign3A_609 = arith.extui %sign3A_608 : vector<1x2048xi1> to vector<1x2048xi32>
    %sign3A_610 = arith.constant 0 : i32
    %sign3A_611 = vector.broadcast %sign3A_610 : i32 to vector<1x2048xi32>
    %sign3A_612 = arith.cmpi slt, %iota3A_602, %sign3A_611 : vector<1x2048xi32>
    %sign3A_613 = arith.extui %sign3A_612 : vector<1x2048xi1> to vector<1x2048xi32>
    %sign3A_614 = arith.subi %sign3A_609, %sign3A_613 : vector<1x2048xi32>
    %sign3A_615 = arith.constant 0 : i32
    %sign3A_616 = arith.cmpi sgt, %jit3A_603, %sign3A_615 : i32
    %sign3A_617 = arith.extui %sign3A_616 : i1 to i32
    %sign3A_618 = arith.constant 0 : i32
    %sign3A_619 = arith.cmpi slt, %jit3A_603, %sign3A_618 : i32
    %sign3A_620 = arith.extui %sign3A_619 : i1 to i32
    %sign3A_621 = arith.subi %sign3A_617, %sign3A_620 : i32
    %ne3A_622 = vector.broadcast %sign3A_621 : i32 to vector<1x2048xi32>
    %ne3A_623 = arith.cmpi ne, %sign3A_614, %ne3A_622 : vector<1x2048xi32>
    %rem3A_624 = vector.broadcast %jit3A_603 : i32 to vector<1x2048xi32>
    %rem3A_625 = arith.remsi %iota3A_602, %rem3A_624 : vector<1x2048xi32>
    %ne3A_626 = arith.constant 0 : i32
    %ne3A_627 = vector.broadcast %ne3A_626 : i32 to vector<1x2048xi32>
    %ne3A_628 = arith.cmpi ne, %rem3A_625, %ne3A_627 : vector<1x2048xi32>
    %and3A_629 = arith.andi %ne3A_623, %ne3A_628 : vector<1x2048xi1>
    %sub3A_630 = arith.constant 1 : i32
    %sub3A_631 = vector.broadcast %sub3A_630 : i32 to vector<1x2048xi32>
    %sub3A_632 = arith.subi %div3A_605, %sub3A_631 : vector<1x2048xi32>
    %select_n3A_633 = arith.select %and3A_629, %sub3A_632, %div3A_605 : vector<1x2048xi1>, vector<1x2048xi32>
    %convert_element_type3A_634 = arith.sitofp %select_n3A_633 : vector<1x2048xi32> to vector<1x2048xf32>
    %jit3A_635 = arith.constant 16 : i32
    %eq3A_636 = arith.constant 0 : i32
    %eq3A_637 = arith.cmpi eq, %jit3A_635, %eq3A_636 : i32
    %jit3A_638 = arith.constant 1 : i32
    %select_n3A_639 = arith.select %eq3A_637, %jit3A_638, %jit3A_635 : i32
    %rem3A_640 = vector.broadcast %select_n3A_639 : i32 to vector<1x2048xi32>
    %rem3A_641 = arith.remsi %iota3A_602, %rem3A_640 : vector<1x2048xi32>
    %ne3A_642 = arith.constant 0 : i32
    %ne3A_643 = vector.broadcast %ne3A_642 : i32 to vector<1x2048xi32>
    %ne3A_644 = arith.cmpi ne, %rem3A_641, %ne3A_643 : vector<1x2048xi32>
    %lt3A_645 = arith.constant 0 : i32
    %lt3A_646 = vector.broadcast %lt3A_645 : i32 to vector<1x2048xi32>
    %lt3A_647 = arith.cmpi slt, %rem3A_641, %lt3A_646 : vector<1x2048xi32>
    %lt3A_648 = arith.constant 0 : i32
    %lt3A_649 = arith.cmpi slt, %select_n3A_639, %lt3A_648 : i32
    %ne3A_650 = vector.broadcast %lt3A_649 : i1 to vector<1x2048xi1>
    %ne3A_651 = vector.broadcast %ne3A_650 : vector<1x2048xi1> to vector<1x2048xi1>
    %ne3A_652 = arith.xori %lt3A_647, %ne3A_651 : vector<1x2048xi1>
    %and3A_653 = arith.andi %ne3A_652, %ne3A_644 : vector<1x2048xi1>
    %add3A_654 = vector.broadcast %select_n3A_639 : i32 to vector<1x2048xi32>
    %add3A_655 = arith.addi %rem3A_641, %add3A_654 : vector<1x2048xi32>
    %select_n3A_656 = arith.select %and3A_653, %add3A_655, %rem3A_641 : vector<1x2048xi1>, vector<1x2048xi32>
    %convert_element_type3A_657 = arith.sitofp %select_n3A_656 : vector<1x2048xi32> to vector<1x2048xf32>
    %broadcast_in_dim3A_658 = arith.constant 1.000000e+00 : f32
    %broadcast_in_dim3A_659 = vector.broadcast %broadcast_in_dim3A_658 : f32 to vector<1x2048xf32>
    %concatenate3A_660 = tpu.concatenate %convert_element_type3A_634, %convert_element_type3A_657, %broadcast_in_dim3A_659 in 0 : vector<1x2048xf32>, vector<1x2048xf32>, vector<1x2048xf32> -> vector<3x2048xf32>
    %convert_element_type3A_661 = arith.truncf %concatenate3A_660 : vector<3x2048xf32> to vector<3x2048xbf16>
    %iota3A_662 = tpu.iota {dimensions = array<i32: 1>} : vector<1x512xi32>
    %add3A_663 = arith.constant 0 : i32
    %add3A_664 = vector.broadcast %add3A_663 : i32 to vector<1x512xi32>
    %add3A_665 = arith.addi %add3A_664, %iota3A_662 : vector<1x512xi32>
    %convert_element_type3A_666 = arith.sitofp %add3A_665 : vector<1x512xi32> to vector<1x512xf32>
    %broadcast_in_dim3A_667 = vector.shape_cast %concatenate3A : vector<2048xf32> to vector<2048x1xf32>
    %eq3A_668 = vector.broadcast %broadcast_in_dim3A_667 : vector<2048x1xf32> to vector<2048x512xf32>
    %eq3A_669 = vector.broadcast %convert_element_type3A_666 : vector<1x512xf32> to vector<2048x512xf32>
    %eq3A_670 = arith.cmpf oeq, %eq3A_668, %eq3A_669 : vector<2048x512xf32>
    %convert_element_type3A_671 = arith.extui %eq3A_670 : vector<2048x512xi1> to vector<2048x512xi32>
    %convert_element_type3A_672 = arith.sitofp %convert_element_type3A_671 : vector<2048x512xi32> to vector<2048x512xf32>
    %convert_element_type3A_673 = arith.truncf %convert_element_type3A_672 : vector<2048x512xf32> to vector<2048x512xbf16>
    %dot_general3A_674 = arith.constant dense<0.000000e+00> : vector<3x512xf32>
    %dot_general3A_675 = tpu.matmul %convert_element_type3A_661, %convert_element_type3A_673, %dot_general3A_674 {dimension_numbers = #tpu.dot_dimension_numbers<[1], [0], [0], [1], [0, 0, 1, 1], [], []>, transpose_lhs_hint = false} : vector<3x2048xbf16>, vector<2048x512xbf16>, vector<3x512xf32> -> vector<3x512xf32>
    %slice3A_676 = vector.extract_strided_slice %dot_general3A_675 {offsets = [0, 0], sizes = [1, 512], strides = [1, 1]} : vector<3x512xf32> to vector<1x512xf32>
    %mul3A_677 = arith.constant 1.600000e+01 : f32
    %mul3A_678 = vector.broadcast %mul3A_677 : f32 to vector<1x512xf32>
    %mul3A_679 = arith.mulf %mul3A_678, %slice3A_676 : vector<1x512xf32>
    %slice3A_680 = vector.extract_strided_slice %dot_general3A_675 {offsets = [1, 0], sizes = [1, 512], strides = [1, 1]} : vector<3x512xf32> to vector<1x512xf32>
    %add3A_681 = arith.addf %mul3A_679, %slice3A_680 : vector<1x512xf32>
    %slice3A_682 = vector.extract_strided_slice %dot_general3A_675 {offsets = [2, 0], sizes = [1, 512], strides = [1, 1]} : vector<3x512xf32> to vector<1x512xf32>
    %sub3A_683 = arith.constant 1.000000e+00 : f32
    %sub3A_684 = vector.broadcast %sub3A_683 : f32 to vector<1x512xf32>
    %sub3A_685 = arith.subf %sub3A_684, %slice3A_682 : vector<1x512xf32>
    %jit3A_686 = arith.constant 8.000000e+00 : f32
    %rem3A_687 = vector.broadcast %jit3A_686 : f32 to vector<1x512xf32>
    %rem3A_688 = arith.remf %convert_element_type3A_666, %rem3A_687 : vector<1x512xf32>
    %ne3A_689 = arith.constant 0.000000e+00 : f32
    %ne3A_690 = vector.broadcast %ne3A_689 : f32 to vector<1x512xf32>
    %ne3A_691 = arith.cmpf one, %rem3A_688, %ne3A_690 : vector<1x512xf32>
    %lt3A_692 = arith.constant 0.000000e+00 : f32
    %lt3A_693 = vector.broadcast %lt3A_692 : f32 to vector<1x512xf32>
    %lt3A_694 = arith.cmpf olt, %rem3A_688, %lt3A_693 : vector<1x512xf32>
    %lt3A_695 = arith.constant 0.000000e+00 : f32
    %lt3A_696 = arith.cmpf olt, %jit3A_686, %lt3A_695 : f32
    %ne3A_697 = vector.broadcast %lt3A_696 : i1 to vector<1x512xi1>
    %ne3A_698 = vector.broadcast %ne3A_697 : vector<1x512xi1> to vector<1x512xi1>
    %ne3A_699 = arith.xori %lt3A_694, %ne3A_698 : vector<1x512xi1>
    %and3A_700 = arith.andi %ne3A_699, %ne3A_691 : vector<1x512xi1>
    %add3A_701 = vector.broadcast %jit3A_686 : f32 to vector<1x512xf32>
    %add3A_702 = arith.addf %rem3A_688, %add3A_701 : vector<1x512xf32>
    %select_n3A_703 = arith.select %and3A_700, %add3A_702, %rem3A_688 : vector<1x512xi1>, vector<1x512xf32>
    %add3A_704 = arith.constant 2.048000e+03 : f32
    %add3A_705 = vector.broadcast %add3A_704 : f32 to vector<1x512xf32>
    %add3A_706 = arith.addf %add3A_705, %select_n3A_703 : vector<1x512xf32>
    %mul3A_707 = arith.mulf %sub3A_685, %add3A_706 : vector<1x512xf32>
    %add3A_708 = arith.addf %add3A_681, %mul3A_707 : vector<1x512xf32>
    %iota3A_709 = tpu.iota {dimensions = array<i32: 1>} : vector<1x512xi32>
    %add3A_710 = arith.constant 512 : i32
    %add3A_711 = vector.broadcast %add3A_710 : i32 to vector<1x512xi32>
    %add3A_712 = arith.addi %add3A_711, %iota3A_709 : vector<1x512xi32>
    %convert_element_type3A_713 = arith.sitofp %add3A_712 : vector<1x512xi32> to vector<1x512xf32>
    %broadcast_in_dim3A_714 = vector.shape_cast %concatenate3A : vector<2048xf32> to vector<2048x1xf32>
    %eq3A_715 = vector.broadcast %broadcast_in_dim3A_714 : vector<2048x1xf32> to vector<2048x512xf32>
    %eq3A_716 = vector.broadcast %convert_element_type3A_713 : vector<1x512xf32> to vector<2048x512xf32>
    %eq3A_717 = arith.cmpf oeq, %eq3A_715, %eq3A_716 : vector<2048x512xf32>
    %convert_element_type3A_718 = arith.extui %eq3A_717 : vector<2048x512xi1> to vector<2048x512xi32>
    %convert_element_type3A_719 = arith.sitofp %convert_element_type3A_718 : vector<2048x512xi32> to vector<2048x512xf32>
    %convert_element_type3A_720 = arith.truncf %convert_element_type3A_719 : vector<2048x512xf32> to vector<2048x512xbf16>
    %dot_general3A_721 = arith.constant dense<0.000000e+00> : vector<3x512xf32>
    %dot_general3A_722 = tpu.matmul %convert_element_type3A_661, %convert_element_type3A_720, %dot_general3A_721 {dimension_numbers = #tpu.dot_dimension_numbers<[1], [0], [0], [1], [0, 0, 1, 1], [], []>, transpose_lhs_hint = false} : vector<3x2048xbf16>, vector<2048x512xbf16>, vector<3x512xf32> -> vector<3x512xf32>
    %slice3A_723 = vector.extract_strided_slice %dot_general3A_722 {offsets = [0, 0], sizes = [1, 512], strides = [1, 1]} : vector<3x512xf32> to vector<1x512xf32>
    %mul3A_724 = arith.constant 1.600000e+01 : f32
    %mul3A_725 = vector.broadcast %mul3A_724 : f32 to vector<1x512xf32>
    %mul3A_726 = arith.mulf %mul3A_725, %slice3A_723 : vector<1x512xf32>
    %slice3A_727 = vector.extract_strided_slice %dot_general3A_722 {offsets = [1, 0], sizes = [1, 512], strides = [1, 1]} : vector<3x512xf32> to vector<1x512xf32>
    %add3A_728 = arith.addf %mul3A_726, %slice3A_727 : vector<1x512xf32>
    %slice3A_729 = vector.extract_strided_slice %dot_general3A_722 {offsets = [2, 0], sizes = [1, 512], strides = [1, 1]} : vector<3x512xf32> to vector<1x512xf32>
    %sub3A_730 = arith.constant 1.000000e+00 : f32
    %sub3A_731 = vector.broadcast %sub3A_730 : f32 to vector<1x512xf32>
    %sub3A_732 = arith.subf %sub3A_731, %slice3A_729 : vector<1x512xf32>
    %jit3A_733 = arith.constant 8.000000e+00 : f32
    %rem3A_734 = vector.broadcast %jit3A_733 : f32 to vector<1x512xf32>
    %rem3A_735 = arith.remf %convert_element_type3A_713, %rem3A_734 : vector<1x512xf32>
    %ne3A_736 = arith.constant 0.000000e+00 : f32
    %ne3A_737 = vector.broadcast %ne3A_736 : f32 to vector<1x512xf32>
    %ne3A_738 = arith.cmpf one, %rem3A_735, %ne3A_737 : vector<1x512xf32>
    %lt3A_739 = arith.constant 0.000000e+00 : f32
    %lt3A_740 = vector.broadcast %lt3A_739 : f32 to vector<1x512xf32>
    %lt3A_741 = arith.cmpf olt, %rem3A_735, %lt3A_740 : vector<1x512xf32>
    %lt3A_742 = arith.constant 0.000000e+00 : f32
    %lt3A_743 = arith.cmpf olt, %jit3A_733, %lt3A_742 : f32
    %ne3A_744 = vector.broadcast %lt3A_743 : i1 to vector<1x512xi1>
    %ne3A_745 = vector.broadcast %ne3A_744 : vector<1x512xi1> to vector<1x512xi1>
    %ne3A_746 = arith.xori %lt3A_741, %ne3A_745 : vector<1x512xi1>
    %and3A_747 = arith.andi %ne3A_746, %ne3A_738 : vector<1x512xi1>
    %add3A_748 = vector.broadcast %jit3A_733 : f32 to vector<1x512xf32>
    %add3A_749 = arith.addf %rem3A_735, %add3A_748 : vector<1x512xf32>
    %select_n3A_750 = arith.select %and3A_747, %add3A_749, %rem3A_735 : vector<1x512xi1>, vector<1x512xf32>
    %add3A_751 = arith.constant 2.048000e+03 : f32
    %add3A_752 = vector.broadcast %add3A_751 : f32 to vector<1x512xf32>
    %add3A_753 = arith.addf %add3A_752, %select_n3A_750 : vector<1x512xf32>
    %mul3A_754 = arith.mulf %sub3A_732, %add3A_753 : vector<1x512xf32>
    %add3A_755 = arith.addf %add3A_728, %mul3A_754 : vector<1x512xf32>
    %iota3A_756 = tpu.iota {dimensions = array<i32: 1>} : vector<1x512xi32>
    %add3A_757 = arith.constant 1024 : i32
    %add3A_758 = vector.broadcast %add3A_757 : i32 to vector<1x512xi32>
    %add3A_759 = arith.addi %add3A_758, %iota3A_756 : vector<1x512xi32>
    %convert_element_type3A_760 = arith.sitofp %add3A_759 : vector<1x512xi32> to vector<1x512xf32>
    %broadcast_in_dim3A_761 = vector.shape_cast %concatenate3A : vector<2048xf32> to vector<2048x1xf32>
    %eq3A_762 = vector.broadcast %broadcast_in_dim3A_761 : vector<2048x1xf32> to vector<2048x512xf32>
    %eq3A_763 = vector.broadcast %convert_element_type3A_760 : vector<1x512xf32> to vector<2048x512xf32>
    %eq3A_764 = arith.cmpf oeq, %eq3A_762, %eq3A_763 : vector<2048x512xf32>
    %convert_element_type3A_765 = arith.extui %eq3A_764 : vector<2048x512xi1> to vector<2048x512xi32>
    %convert_element_type3A_766 = arith.sitofp %convert_element_type3A_765 : vector<2048x512xi32> to vector<2048x512xf32>
    %convert_element_type3A_767 = arith.truncf %convert_element_type3A_766 : vector<2048x512xf32> to vector<2048x512xbf16>
    %dot_general3A_768 = arith.constant dense<0.000000e+00> : vector<3x512xf32>
    %dot_general3A_769 = tpu.matmul %convert_element_type3A_661, %convert_element_type3A_767, %dot_general3A_768 {dimension_numbers = #tpu.dot_dimension_numbers<[1], [0], [0], [1], [0, 0, 1, 1], [], []>, transpose_lhs_hint = false} : vector<3x2048xbf16>, vector<2048x512xbf16>, vector<3x512xf32> -> vector<3x512xf32>
    %slice3A_770 = vector.extract_strided_slice %dot_general3A_769 {offsets = [0, 0], sizes = [1, 512], strides = [1, 1]} : vector<3x512xf32> to vector<1x512xf32>
    %mul3A_771 = arith.constant 1.600000e+01 : f32
    %mul3A_772 = vector.broadcast %mul3A_771 : f32 to vector<1x512xf32>
    %mul3A_773 = arith.mulf %mul3A_772, %slice3A_770 : vector<1x512xf32>
    %slice3A_774 = vector.extract_strided_slice %dot_general3A_769 {offsets = [1, 0], sizes = [1, 512], strides = [1, 1]} : vector<3x512xf32> to vector<1x512xf32>
    %add3A_775 = arith.addf %mul3A_773, %slice3A_774 : vector<1x512xf32>
    %slice3A_776 = vector.extract_strided_slice %dot_general3A_769 {offsets = [2, 0], sizes = [1, 512], strides = [1, 1]} : vector<3x512xf32> to vector<1x512xf32>
    %sub3A_777 = arith.constant 1.000000e+00 : f32
    %sub3A_778 = vector.broadcast %sub3A_777 : f32 to vector<1x512xf32>
    %sub3A_779 = arith.subf %sub3A_778, %slice3A_776 : vector<1x512xf32>
    %jit3A_780 = arith.constant 8.000000e+00 : f32
    %rem3A_781 = vector.broadcast %jit3A_780 : f32 to vector<1x512xf32>
    %rem3A_782 = arith.remf %convert_element_type3A_760, %rem3A_781 : vector<1x512xf32>
    %ne3A_783 = arith.constant 0.000000e+00 : f32
    %ne3A_784 = vector.broadcast %ne3A_783 : f32 to vector<1x512xf32>
    %ne3A_785 = arith.cmpf one, %rem3A_782, %ne3A_784 : vector<1x512xf32>
    %lt3A_786 = arith.constant 0.000000e+00 : f32
    %lt3A_787 = vector.broadcast %lt3A_786 : f32 to vector<1x512xf32>
    %lt3A_788 = arith.cmpf olt, %rem3A_782, %lt3A_787 : vector<1x512xf32>
    %lt3A_789 = arith.constant 0.000000e+00 : f32
    %lt3A_790 = arith.cmpf olt, %jit3A_780, %lt3A_789 : f32
    %ne3A_791 = vector.broadcast %lt3A_790 : i1 to vector<1x512xi1>
    %ne3A_792 = vector.broadcast %ne3A_791 : vector<1x512xi1> to vector<1x512xi1>
    %ne3A_793 = arith.xori %lt3A_788, %ne3A_792 : vector<1x512xi1>
    %and3A_794 = arith.andi %ne3A_793, %ne3A_785 : vector<1x512xi1>
    %add3A_795 = vector.broadcast %jit3A_780 : f32 to vector<1x512xf32>
    %add3A_796 = arith.addf %rem3A_782, %add3A_795 : vector<1x512xf32>
    %select_n3A_797 = arith.select %and3A_794, %add3A_796, %rem3A_782 : vector<1x512xi1>, vector<1x512xf32>
    %add3A_798 = arith.constant 2.048000e+03 : f32
    %add3A_799 = vector.broadcast %add3A_798 : f32 to vector<1x512xf32>
    %add3A_800 = arith.addf %add3A_799, %select_n3A_797 : vector<1x512xf32>
    %mul3A_801 = arith.mulf %sub3A_779, %add3A_800 : vector<1x512xf32>
    %add3A_802 = arith.addf %add3A_775, %mul3A_801 : vector<1x512xf32>
    %iota3A_803 = tpu.iota {dimensions = array<i32: 1>} : vector<1x512xi32>
    %add3A_804 = arith.constant 1536 : i32
    %add3A_805 = vector.broadcast %add3A_804 : i32 to vector<1x512xi32>
    %add3A_806 = arith.addi %add3A_805, %iota3A_803 : vector<1x512xi32>
    %convert_element_type3A_807 = arith.sitofp %add3A_806 : vector<1x512xi32> to vector<1x512xf32>
    %broadcast_in_dim3A_808 = vector.shape_cast %concatenate3A : vector<2048xf32> to vector<2048x1xf32>
    %eq3A_809 = vector.broadcast %broadcast_in_dim3A_808 : vector<2048x1xf32> to vector<2048x512xf32>
    %eq3A_810 = vector.broadcast %convert_element_type3A_807 : vector<1x512xf32> to vector<2048x512xf32>
    %eq3A_811 = arith.cmpf oeq, %eq3A_809, %eq3A_810 : vector<2048x512xf32>
    %convert_element_type3A_812 = arith.extui %eq3A_811 : vector<2048x512xi1> to vector<2048x512xi32>
    %convert_element_type3A_813 = arith.sitofp %convert_element_type3A_812 : vector<2048x512xi32> to vector<2048x512xf32>
    %convert_element_type3A_814 = arith.truncf %convert_element_type3A_813 : vector<2048x512xf32> to vector<2048x512xbf16>
    %dot_general3A_815 = arith.constant dense<0.000000e+00> : vector<3x512xf32>
    %dot_general3A_816 = tpu.matmul %convert_element_type3A_661, %convert_element_type3A_814, %dot_general3A_815 {dimension_numbers = #tpu.dot_dimension_numbers<[1], [0], [0], [1], [0, 0, 1, 1], [], []>, transpose_lhs_hint = false} : vector<3x2048xbf16>, vector<2048x512xbf16>, vector<3x512xf32> -> vector<3x512xf32>
    %slice3A_817 = vector.extract_strided_slice %dot_general3A_816 {offsets = [0, 0], sizes = [1, 512], strides = [1, 1]} : vector<3x512xf32> to vector<1x512xf32>
    %mul3A_818 = arith.constant 1.600000e+01 : f32
    %mul3A_819 = vector.broadcast %mul3A_818 : f32 to vector<1x512xf32>
    %mul3A_820 = arith.mulf %mul3A_819, %slice3A_817 : vector<1x512xf32>
    %slice3A_821 = vector.extract_strided_slice %dot_general3A_816 {offsets = [1, 0], sizes = [1, 512], strides = [1, 1]} : vector<3x512xf32> to vector<1x512xf32>
    %add3A_822 = arith.addf %mul3A_820, %slice3A_821 : vector<1x512xf32>
    %slice3A_823 = vector.extract_strided_slice %dot_general3A_816 {offsets = [2, 0], sizes = [1, 512], strides = [1, 1]} : vector<3x512xf32> to vector<1x512xf32>
    %sub3A_824 = arith.constant 1.000000e+00 : f32
    %sub3A_825 = vector.broadcast %sub3A_824 : f32 to vector<1x512xf32>
    %sub3A_826 = arith.subf %sub3A_825, %slice3A_823 : vector<1x512xf32>
    %jit3A_827 = arith.constant 8.000000e+00 : f32
    %rem3A_828 = vector.broadcast %jit3A_827 : f32 to vector<1x512xf32>
    %rem3A_829 = arith.remf %convert_element_type3A_807, %rem3A_828 : vector<1x512xf32>
    %ne3A_830 = arith.constant 0.000000e+00 : f32
    %ne3A_831 = vector.broadcast %ne3A_830 : f32 to vector<1x512xf32>
    %ne3A_832 = arith.cmpf one, %rem3A_829, %ne3A_831 : vector<1x512xf32>
    %lt3A_833 = arith.constant 0.000000e+00 : f32
    %lt3A_834 = vector.broadcast %lt3A_833 : f32 to vector<1x512xf32>
    %lt3A_835 = arith.cmpf olt, %rem3A_829, %lt3A_834 : vector<1x512xf32>
    %lt3A_836 = arith.constant 0.000000e+00 : f32
    %lt3A_837 = arith.cmpf olt, %jit3A_827, %lt3A_836 : f32
    %ne3A_838 = vector.broadcast %lt3A_837 : i1 to vector<1x512xi1>
    %ne3A_839 = vector.broadcast %ne3A_838 : vector<1x512xi1> to vector<1x512xi1>
    %ne3A_840 = arith.xori %lt3A_835, %ne3A_839 : vector<1x512xi1>
    %and3A_841 = arith.andi %ne3A_840, %ne3A_832 : vector<1x512xi1>
    %add3A_842 = vector.broadcast %jit3A_827 : f32 to vector<1x512xf32>
    %add3A_843 = arith.addf %rem3A_829, %add3A_842 : vector<1x512xf32>
    %select_n3A_844 = arith.select %and3A_841, %add3A_843, %rem3A_829 : vector<1x512xi1>, vector<1x512xf32>
    %add3A_845 = arith.constant 2.048000e+03 : f32
    %add3A_846 = vector.broadcast %add3A_845 : f32 to vector<1x512xf32>
    %add3A_847 = arith.addf %add3A_846, %select_n3A_844 : vector<1x512xf32>
    %mul3A_848 = arith.mulf %sub3A_826, %add3A_847 : vector<1x512xf32>
    %add3A_849 = arith.addf %add3A_822, %mul3A_848 : vector<1x512xf32>
    %iota3A_850 = tpu.iota {dimensions = array<i32: 1>} : vector<1x512xi32>
    %add3A_851 = arith.constant 2048 : i32
    %add3A_852 = vector.broadcast %add3A_851 : i32 to vector<1x512xi32>
    %add3A_853 = arith.addi %add3A_852, %iota3A_850 : vector<1x512xi32>
    %convert_element_type3A_854 = arith.sitofp %add3A_853 : vector<1x512xi32> to vector<1x512xf32>
    %broadcast_in_dim3A_855 = vector.shape_cast %concatenate3A : vector<2048xf32> to vector<2048x1xf32>
    %eq3A_856 = vector.broadcast %broadcast_in_dim3A_855 : vector<2048x1xf32> to vector<2048x512xf32>
    %eq3A_857 = vector.broadcast %convert_element_type3A_854 : vector<1x512xf32> to vector<2048x512xf32>
    %eq3A_858 = arith.cmpf oeq, %eq3A_856, %eq3A_857 : vector<2048x512xf32>
    %convert_element_type3A_859 = arith.extui %eq3A_858 : vector<2048x512xi1> to vector<2048x512xi32>
    %convert_element_type3A_860 = arith.sitofp %convert_element_type3A_859 : vector<2048x512xi32> to vector<2048x512xf32>
    %convert_element_type3A_861 = arith.truncf %convert_element_type3A_860 : vector<2048x512xf32> to vector<2048x512xbf16>
    %dot_general3A_862 = arith.constant dense<0.000000e+00> : vector<3x512xf32>
    %dot_general3A_863 = tpu.matmul %convert_element_type3A_661, %convert_element_type3A_861, %dot_general3A_862 {dimension_numbers = #tpu.dot_dimension_numbers<[1], [0], [0], [1], [0, 0, 1, 1], [], []>, transpose_lhs_hint = false} : vector<3x2048xbf16>, vector<2048x512xbf16>, vector<3x512xf32> -> vector<3x512xf32>
    %slice3A_864 = vector.extract_strided_slice %dot_general3A_863 {offsets = [0, 0], sizes = [1, 512], strides = [1, 1]} : vector<3x512xf32> to vector<1x512xf32>
    %mul3A_865 = arith.constant 1.600000e+01 : f32
    %mul3A_866 = vector.broadcast %mul3A_865 : f32 to vector<1x512xf32>
    %mul3A_867 = arith.mulf %mul3A_866, %slice3A_864 : vector<1x512xf32>
    %slice3A_868 = vector.extract_strided_slice %dot_general3A_863 {offsets = [1, 0], sizes = [1, 512], strides = [1, 1]} : vector<3x512xf32> to vector<1x512xf32>
    %add3A_869 = arith.addf %mul3A_867, %slice3A_868 : vector<1x512xf32>
    %slice3A_870 = vector.extract_strided_slice %dot_general3A_863 {offsets = [2, 0], sizes = [1, 512], strides = [1, 1]} : vector<3x512xf32> to vector<1x512xf32>
    %sub3A_871 = arith.constant 1.000000e+00 : f32
    %sub3A_872 = vector.broadcast %sub3A_871 : f32 to vector<1x512xf32>
    %sub3A_873 = arith.subf %sub3A_872, %slice3A_870 : vector<1x512xf32>
    %jit3A_874 = arith.constant 8.000000e+00 : f32
    %rem3A_875 = vector.broadcast %jit3A_874 : f32 to vector<1x512xf32>
    %rem3A_876 = arith.remf %convert_element_type3A_854, %rem3A_875 : vector<1x512xf32>
    %ne3A_877 = arith.constant 0.000000e+00 : f32
    %ne3A_878 = vector.broadcast %ne3A_877 : f32 to vector<1x512xf32>
    %ne3A_879 = arith.cmpf one, %rem3A_876, %ne3A_878 : vector<1x512xf32>
    %lt3A_880 = arith.constant 0.000000e+00 : f32
    %lt3A_881 = vector.broadcast %lt3A_880 : f32 to vector<1x512xf32>
    %lt3A_882 = arith.cmpf olt, %rem3A_876, %lt3A_881 : vector<1x512xf32>
    %lt3A_883 = arith.constant 0.000000e+00 : f32
    %lt3A_884 = arith.cmpf olt, %jit3A_874, %lt3A_883 : f32
    %ne3A_885 = vector.broadcast %lt3A_884 : i1 to vector<1x512xi1>
    %ne3A_886 = vector.broadcast %ne3A_885 : vector<1x512xi1> to vector<1x512xi1>
    %ne3A_887 = arith.xori %lt3A_882, %ne3A_886 : vector<1x512xi1>
    %and3A_888 = arith.andi %ne3A_887, %ne3A_879 : vector<1x512xi1>
    %add3A_889 = vector.broadcast %jit3A_874 : f32 to vector<1x512xf32>
    %add3A_890 = arith.addf %rem3A_876, %add3A_889 : vector<1x512xf32>
    %select_n3A_891 = arith.select %and3A_888, %add3A_890, %rem3A_876 : vector<1x512xi1>, vector<1x512xf32>
    %add3A_892 = arith.constant 2.048000e+03 : f32
    %add3A_893 = vector.broadcast %add3A_892 : f32 to vector<1x512xf32>
    %add3A_894 = arith.addf %add3A_893, %select_n3A_891 : vector<1x512xf32>
    %mul3A_895 = arith.mulf %sub3A_873, %add3A_894 : vector<1x512xf32>
    %add3A_896 = arith.addf %add3A_869, %mul3A_895 : vector<1x512xf32>
    %concatenate3A_897 = tpu.concatenate %add3A_708, %add3A_755, %add3A_802, %add3A_849, %add3A_896 in 1 : vector<1x512xf32>, vector<1x512xf32>, vector<1x512xf32>, vector<1x512xf32>, vector<1x512xf32> -> vector<1x2560xf32>
    %round3A_898 = math.roundeven %concatenate3A_897 : vector<1x2560xf32>
    %convert_element_type3A_899 = arith.fptosi %round3A_898 : vector<1x2560xf32> to vector<1x2560xi32>
    %swap3A_900 = arith.constant 0 : index
    %swap3A_901 = arith.constant 0 : index
    %swap3A_902 = vector.load %arg3[%swap3A_900, %swap3A_901] : memref<1x2560xi32, #tpu.memory_space<vmem>>, vector<1x2560xi32>
    tpu.vector_store %arg3[%swap3A_900, %swap3A_901], %convert_element_type3A_899 {strides = array<i32>} : memref<1x2560xi32, #tpu.memory_space<vmem>>, vector<1x2560xi32>,
    %iota3A_903 = tpu.iota {dimensions = array<i32: 1>} : vector<1x40xi32>
    %mul3A_904 = arith.constant 64 : i32
    %mul3A_905 = vector.broadcast %mul3A_904 : i32 to vector<1x40xi32>
    %mul3A_906 = arith.muli %iota3A_903, %mul3A_905 : vector<1x40xi32>
    %broadcast_in_dim3A_907 = vector.shape_cast %mul3A_906 : vector<1x40xi32> to vector<1x40x1xi32>
    %broadcast_in_dim3A_908 = vector.shape_cast %add3A_78 : vector<8xi32> to vector<1x1x8xi32>
    %ge3A = vector.broadcast %broadcast_in_dim3A_907 : vector<1x40x1xi32> to vector<1x40x8xi32>
    %ge3A_909 = vector.broadcast %broadcast_in_dim3A_908 : vector<1x1x8xi32> to vector<1x40x8xi32>
    %ge3A_910 = arith.cmpi sge, %ge3A, %ge3A_909 : vector<1x40x8xi32>
    %convert_element_type3A_911 = arith.extui %ge3A_910 : vector<1x40x8xi1> to vector<1x40x8xi32>
    %reduce_sum3A_912 = arith.constant dense<0> : vector<1x40xi32>
    %reduce_sum3A_913 = vector.multi_reduction <add>, %convert_element_type3A_911, %reduce_sum3A_912 [2] : vector<1x40x8xi32> to vector<1x40xi32>
    %min3A = arith.constant 7 : i32
    %min3A_914 = vector.broadcast %min3A : i32 to vector<1x40xi32>
    %min3A_915 = arith.minsi %reduce_sum3A_913, %min3A_914 : vector<1x40xi32>
    %swap3A_916 = arith.constant 0 : index
    %swap3A_917 = arith.constant 0 : index
    %swap3A_918 = vector.load %arg4[%swap3A_916, %swap3A_917] : memref<2x40xi32, #tpu.memory_space<vmem>>, vector<1x40xi32>
    tpu.vector_store %arg4[%swap3A_916, %swap3A_917], %min3A_915 {strides = array<i32>} : memref<2x40xi32, #tpu.memory_space<vmem>>, vector<1x40xi32>,
    %slice3A_919 = vector.extract_strided_slice %add3A_78 {offsets = [7], sizes = [1], strides = [1]} : vector<8xi32> to vector<1xi32>
    %squeeze3A = vector.extract %slice3A_919[0] : i32 from vector<1xi32>
    %lt3A_920 = vector.broadcast %squeeze3A : i32 to vector<1x40xi32>
    %lt3A_921 = arith.cmpi slt, %mul3A_906, %lt3A_920 : vector<1x40xi32>
    %convert_element_type3A_922 = arith.extui %lt3A_921 : vector<1x40xi1> to vector<1x40xi32>
    %swap3A_923 = arith.constant 1 : index
    %swap3A_924 = arith.constant 0 : index
    %swap3A_925 = vector.load %arg4[%swap3A_923, %swap3A_924] : memref<2x40xi32, #tpu.memory_space<vmem>>, vector<1x40xi32>
    tpu.vector_store %arg4[%swap3A_923, %swap3A_924], %convert_element_type3A_922 {strides = array<i32>} : memref<2x40xi32, #tpu.memory_space<vmem>>, vector<1x40xi32>,
    return
  }
}

module attributes {stable_mosaic.version = 14 : i64} {
  func.func @_shared_kernel(%arg0: i32, %arg1: memref<256x768xf32, #tpu.memory_space<vmem>>, %arg2: memref<768x768xf32, #tpu.memory_space<vmem>>, %arg3: memref<768x768xf32, #tpu.memory_space<vmem>>, %arg4: memref<768x768xf32, #tpu.memory_space<vmem>>, %arg5: memref<256x768xf32, #tpu.memory_space<vmem>>) attributes {dimension_semantics = [#tpu.dimension_semantics<arbitrary>], iteration_bounds = array<i64: 8>, scalar_prefetch = 0 : i64, scratch_operands = 0 : i64, tpu.core_type = #tpu.core_type<tc>, window_params = [{transform_indices = @transform_0, window_bounds = array<i64: 256, 768>}, {pipeline_mode = #tpu.pipeline_mode<synchronous>, transform_indices = @transform_1, window_bounds = array<i64: 768, 768>}, {pipeline_mode = #tpu.pipeline_mode<synchronous>, transform_indices = @transform_2, window_bounds = array<i64: 768, 768>}, {pipeline_mode = #tpu.pipeline_mode<synchronous>, transform_indices = @transform_3, window_bounds = array<i64: 768, 768>}, {transform_indices = @transform_4, window_bounds = array<i64: 256, 768>}]} {
    %get3A = arith.constant 0 : index
    %get3A_0 = arith.constant 0 : index
    %get3A_1 = vector.load %arg1[%get3A, %get3A_0] : memref<256x768xf32, #tpu.memory_space<vmem>>, vector<256x768xf32>
    %convert_element_type3A = arith.truncf %get3A_1 : vector<256x768xf32> to vector<256x768xbf16>
    %get3A_2 = arith.constant 0 : index
    %get3A_3 = arith.constant 0 : index
    %get3A_4 = vector.load %arg2[%get3A_2, %get3A_3] : memref<768x768xf32, #tpu.memory_space<vmem>>, vector<768x768xf32>
    %convert_element_type3A_5 = arith.truncf %get3A_4 : vector<768x768xf32> to vector<768x768xbf16>
    %dot_general3A = arith.constant dense<0.000000e+00> : vector<256x768xf32>
    %dot_general3A_6 = tpu.matmul %convert_element_type3A, %convert_element_type3A_5, %dot_general3A {dimension_numbers = #tpu.dot_dimension_numbers<[1], [0], [0], [1], [0, 0, 1, 1], [], []>, transpose_lhs_hint = false} : vector<256x768xbf16>, vector<768x768xbf16>, vector<256x768xf32> -> vector<256x768xf32>
    %get3A_7 = arith.constant 0 : index
    %get3A_8 = arith.constant 0 : index
    %get3A_9 = vector.load %arg3[%get3A_7, %get3A_8] : memref<768x768xf32, #tpu.memory_space<vmem>>, vector<768x768xf32>
    %convert_element_type3A_10 = arith.truncf %get3A_9 : vector<768x768xf32> to vector<768x768xbf16>
    %dot_general3A_11 = arith.constant dense<0.000000e+00> : vector<256x768xf32>
    %dot_general3A_12 = tpu.matmul %convert_element_type3A, %convert_element_type3A_10, %dot_general3A_11 {dimension_numbers = #tpu.dot_dimension_numbers<[1], [0], [0], [1], [0, 0, 1, 1], [], []>, transpose_lhs_hint = false} : vector<256x768xbf16>, vector<768x768xbf16>, vector<256x768xf32> -> vector<256x768xf32>
    %logistic3A = arith.negf %dot_general3A_6 : vector<256x768xf32>
    %logistic3A_13 = math.exp %logistic3A : vector<256x768xf32>
    %logistic3A_14 = arith.constant 1.000000e+00 : f32
    %logistic3A_15 = vector.broadcast %logistic3A_14 : f32 to vector<256x768xf32>
    %logistic3A_16 = arith.addf %logistic3A_15, %logistic3A_13 : vector<256x768xf32>
    %logistic3A_17 = arith.divf %logistic3A_15, %logistic3A_16 : vector<256x768xf32>
    %mul3A = arith.mulf %dot_general3A_6, %logistic3A_17 : vector<256x768xf32>
    %mul3A_18 = arith.mulf %mul3A, %dot_general3A_12 : vector<256x768xf32>
    %convert_element_type3A_19 = arith.truncf %mul3A_18 : vector<256x768xf32> to vector<256x768xbf16>
    %get3A_20 = arith.constant 0 : index
    %get3A_21 = arith.constant 0 : index
    %get3A_22 = vector.load %arg4[%get3A_20, %get3A_21] : memref<768x768xf32, #tpu.memory_space<vmem>>, vector<768x768xf32>
    %convert_element_type3A_23 = arith.truncf %get3A_22 : vector<768x768xf32> to vector<768x768xbf16>
    %dot_general3A_24 = arith.constant dense<0.000000e+00> : vector<256x768xf32>
    %dot_general3A_25 = tpu.matmul %convert_element_type3A_19, %convert_element_type3A_23, %dot_general3A_24 {dimension_numbers = #tpu.dot_dimension_numbers<[1], [0], [0], [1], [0, 0, 1, 1], [], []>, transpose_lhs_hint = false} : vector<256x768xbf16>, vector<768x768xbf16>, vector<256x768xf32> -> vector<256x768xf32>
    %swap3A = arith.constant 0 : index
    %swap3A_26 = arith.constant 0 : index
    %swap3A_27 = vector.load %arg5[%swap3A, %swap3A_26] : memref<256x768xf32, #tpu.memory_space<vmem>>, vector<256x768xf32>
    tpu.vector_store %arg5[%swap3A, %swap3A_26], %dot_general3A_25 {strides = array<i32>} : memref<256x768xf32, #tpu.memory_space<vmem>>, vector<256x768xf32>,
    return
  }
  func.func @transform_0(%arg0: i32) -> (i32, i32) {
    %c0_i32 = arith.constant 0 : i32
    %c0_i32_0 = arith.constant 0 : i32
    return %arg0, %c0_i32 : i32, i32
  }
  func.func @transform_1(%arg0: i32) -> (i32, i32) {
    %c0_i32 = arith.constant 0 : i32
    %c0_i32_0 = arith.constant 0 : i32
    %c0_i32_1 = arith.constant 0 : i32
    return %c0_i32, %c0_i32_0 : i32, i32
  }
  func.func @transform_2(%arg0: i32) -> (i32, i32) {
    %c0_i32 = arith.constant 0 : i32
    %c0_i32_0 = arith.constant 0 : i32
    %c0_i32_1 = arith.constant 0 : i32
    return %c0_i32, %c0_i32_0 : i32, i32
  }
  func.func @transform_3(%arg0: i32) -> (i32, i32) {
    %c0_i32 = arith.constant 0 : i32
    %c0_i32_0 = arith.constant 0 : i32
    %c0_i32_1 = arith.constant 0 : i32
    return %c0_i32, %c0_i32_0 : i32, i32
  }
  func.func @transform_4(%arg0: i32) -> (i32, i32) {
    %c0_i32 = arith.constant 0 : i32
    %c0_i32_0 = arith.constant 0 : i32
    return %arg0, %c0_i32 : i32, i32
  }
}

module attributes {stable_mosaic.version = 14 : i64} {
  func.func @_add_kernel(%arg0: i32, %arg1: memref<256x768xf32, #tpu.memory_space<vmem>>, %arg2: memref<256x384xi32, #tpu.memory_space<vmem>>, %arg3: memref<256x768xf32, #tpu.memory_space<vmem>>) attributes {dimension_semantics = [#tpu.dimension_semantics<arbitrary>], iteration_bounds = array<i64: 8>, scalar_prefetch = 0 : i64, scratch_operands = 0 : i64, tpu.core_type = #tpu.core_type<tc>, window_params = [{transform_indices = @transform_0, window_bounds = array<i64: 256, 768>}, {transform_indices = @transform_1, window_bounds = array<i64: 256, 384>}, {transform_indices = @transform_2, window_bounds = array<i64: 256, 768>}]} {
    %get3A = arith.constant 0 : index
    %get3A_0 = arith.constant 0 : index
    %get3A_1 = vector.load %arg1[%get3A, %get3A_0] : memref<256x768xf32, #tpu.memory_space<vmem>>, vector<256x768xf32>
    %get3A_2 = arith.constant 0 : index
    %get3A_3 = arith.constant 0 : index
    %get3A_4 = vector.load %arg2[%get3A_2, %get3A_3] : memref<256x384xi32, #tpu.memory_space<vmem>>, vector<256x384xi32>
    %shift_left3A = arith.constant 16 : i32
    %shift_left3A_5 = vector.broadcast %shift_left3A : i32 to vector<256x384xi32>
    %shift_left3A_6 = arith.shli %get3A_4, %shift_left3A_5 : vector<256x384xi32>
    %bitcast_convert_type3A = tpu.bitcast %shift_left3A_6 : vector<256x384xi32> -> vector<256x384xf32>
    %and3A = arith.constant -65536 : i32
    %and3A_7 = vector.broadcast %and3A : i32 to vector<256x384xi32>
    %and3A_8 = arith.andi %get3A_4, %and3A_7 : vector<256x384xi32>
    %bitcast_convert_type3A_9 = tpu.bitcast %and3A_8 : vector<256x384xi32> -> vector<256x384xf32>
    %concatenate3A = tpu.concatenate %bitcast_convert_type3A, %bitcast_convert_type3A_9 in 1 : vector<256x384xf32>, vector<256x384xf32> -> vector<256x768xf32>
    %add3A = arith.addf %get3A_1, %concatenate3A : vector<256x768xf32>
    %swap3A = arith.constant 0 : index
    %swap3A_10 = arith.constant 0 : index
    %swap3A_11 = vector.load %arg3[%swap3A, %swap3A_10] : memref<256x768xf32, #tpu.memory_space<vmem>>, vector<256x768xf32>
    tpu.vector_store %arg3[%swap3A, %swap3A_10], %add3A {strides = array<i32>} : memref<256x768xf32, #tpu.memory_space<vmem>>, vector<256x768xf32>,
    return
  }
  func.func @transform_0(%arg0: i32) -> (i32, i32) {
    %c0_i32 = arith.constant 0 : i32
    %c0_i32_0 = arith.constant 0 : i32
    return %arg0, %c0_i32 : i32, i32
  }
  func.func @transform_1(%arg0: i32) -> (i32, i32) {
    %c0_i32 = arith.constant 0 : i32
    %c0_i32_0 = arith.constant 0 : i32
    return %arg0, %c0_i32 : i32, i32
  }
  func.func @transform_2(%arg0: i32) -> (i32, i32) {
    %c0_i32 = arith.constant 0 : i32
    %c0_i32_0 = arith.constant 0 : i32
    return %arg0, %c0_i32 : i32, i32
  }
}

</mosaic_0001>

<sc_bundles>
// kernel: kernel.11.cloned.1.call-start
scs
__scs_entry_jumppad:
0x0: {  	(pc) =	sbr.rel $0x88, $3  }
0x1: {  	(tag) =	ssettag $0x0;
	lr =	simm.s32 $0x1  }
0x2: {  	[smem:$0x3F99] =	sst lr;
	_ =	strace $0xD0000000  }
0x3: {  	_ = 	snop  }
0x4: {  	_ = 	snop  }
0x5: {  	_ = 	snop  }
0x6: {  	_ = 	snop  }
0x7: {  	_ = 	snop  }
__scs_overlays_trampoline_lowered:
0x8: {  	[smem:$0x3FA8] =	sst s0  }
0x9: {  	[smem:$0x3FA9] =	sst s1  }
0xa: {  	[smem:$0x3FAA] =	sst s2  }
0xb: {  	[smem:$0x3FAB] =	sst s3  }
0xc: {  	[smem:$0x3FAC] =	sst s4  }
0xd: {  	[smem:$0x3FAD] =	sst s5  }
0xe: {  	[smem:$0x3FAE] =	sst s6  }
0xf: {  	[smem:$0x3FAF] =	sst s7  }
0x10: {  	[smem:$0x3FB0] =	sst s8  }
0x11: {  	[smem:$0x3FB1] =	sst s9;
	s0 =	simm.s32 @!p0 $0x0  }
0x12: {  	s1 =	sld [smem:$0x3F97];
	s0 =	simm.s32 @p0 $0x1  }
0x13: {  	[smem:$0x3FB2] =	sst s0;
	s0 =	simm.s32 @!p1 $0x0  }
0x14: {  	s2 =	sld [smem:$0x3F96];
	s0 =	simm.s32 @p1 $0x1  }
0x15: {  	[smem:$0x3FB3] =	sst s0;
	s0 =	simm.s32 @!p2 $0x0  }
0x16: {  	s3 =	sld [smem:$0x3FDB];
	s0 =	simm.s32 @p2 $0x1  }
0x17: {  	s4 =	simm.s32 $0x1BF5;
	[smem:$0x3FB5] =	sst s0  }
0x18: {  	s0 =	sld [smem:$0x3F98];
	_ =	swait.ge [sflag:s4], $0x0  }
0x19: {  	s7 =	sld [smem:$0x3F99]  }
0x1a: {  	s8 =	sadd.s32 $0xFFFFE003, lr  }
0x1b: {  	s9 =	sadd.s32 $0xFFFFFEF7, lr;
	s5 =	simm.s32 $0xFFFFFFFF;
	p2 =	slt.u32 s8, $0xFFFFF086  }
0x1c: {  	p1 =	slt.u32 s9, $0xF7A;
	s5 =	simm.s32 @!p2 $0x0  }
0x1d: {  	s5 =	simm.s32 @p1 $0x1;
	p0 =	seq.s32 s7, s2  }
0x1e: {  	s7 =	smul.u32 @!p0 $0xF7A, s2;
	p2 =	seq.s32 @!p0 s5, $0x0  }
0x1f: {  	s9 =	smul.u32 $0xF7A, s1;
	s8 =	simm.s32 @!p0 $0x1BF5;
	p2 =	por !p2, p0  }
0x20: {  	[sflag:s8] =	ssyncset.s32 @!p0 $0xFFFFF086;
	s6 =	sadd.s32 @!p0 s3, s7;
	s7 =	simm.s32 @!p0 $0x108  }
0x21: {  	s3 =	sadd.s32 s3, s9;
	s6 =	sadd.s32 @!p0 $0x88, s6;
	s7 =	simm.s32 @p2 $0x1082  }
0x22: {  	[simem:s7], [sflag:s8] =	dma.local @!p0 [hbm:s6], $0xF7A  }
0x23: {  	s9 =	sor.u32 $0xD0000000, s2;
	s6 =	simm.s32 $0x108;
	_ =	swait.ge @!p0 [sflag:s8], $0x0  }
0x24: {  	s3 =	sadd.s32 $0x88, s3;
	s6 =	simm.s32 @!p1 $0x1082;
	[sflag:s4] =	ssyncset.s32 $0xFFFFF086  }
0x25: {  	[simem:s6], [sflag:s4] =	dma.local [hbm:s3], $0xF7A  }
0x26: {  	[smem:$0x3F99] =	sst s1;
	(tag) =	ssettag s2;
	_ =	strace s9  }
0x27: {  	s1 =	sld [smem:$0x3FA9]  }
0x28: {  	s2 =	sld [smem:$0x3FAA]  }
0x29: {  	s4 =	sld [smem:$0x3FAC]  }
0x2a: {  	p0 =	seq.s32 s5, $0x0;
	s5 =	sld [smem:$0x3FAD]  }
0x2b: {  	s6 =	sld [smem:$0x3FAE]  }
0x2c: {  	s7 =	sld [smem:$0x3FAF]  }
0x2d: {  	s3 =	simm.s32 $0x108;
	s8 =	sld [smem:$0x3FB0]  }
0x2e: {  	s3 =	simm.s32 @!p0 $0x1082;
	s9 =	sld [smem:$0x3FB1]  }
0x2f: {  	lr =	sadd.s32 s0, s3;
	s0 =	sld [smem:$0x3FA8]  }
0x30: {  	s3 =	sld [smem:$0x3FAB]  }
0x31: {  	[smem:$0x3FB4] =	sst s10  }
0x32: {  	s10 =	sld [smem:$0x3FB2];
	_ =	sdelay $0x3  }
0x33: {  	p0 =	seq.s32 s10, $0x1;
	s10 =	sld [smem:$0x3FB4];
	_ =	sdelay $0x3  }
0x34: {  	[smem:$0x3FB4] =	sst s10  }
0x35: {  	s10 =	sld [smem:$0x3FB3];
	_ =	sdelay $0x3  }
0x36: {  	p1 =	seq.s32 s10, $0x1;
	s10 =	sld [smem:$0x3FB4];
	_ =	sdelay $0x3  }
0x37: {  	[smem:$0x3FB4] =	sst s10  }
0x38: {  	s10 =	sld [smem:$0x3FB5]  }
0x39: {  	_ = 	snop;
	(pc) =	sbr.ind lr, $3  }
0x3a: {  	_ = 	snop  }
0x3b: {  	_ = 	snop  }
0x3c: {  	p2 =	seq.s32 s10, $0x1;
	s10 =	sld [smem:$0x3FB4]  }
0x3d: {  	_ =	shalt  }
0x3e: {  	_ =	shalt  }
0x3f: {  	_ =	shalt  }
0x40: {  	_ =	shalt  }
0x41: {  	_ =	shalt  }
0x42: {  	_ =	shalt  }
0x43: {  	_ =	shalt  }
0x44: {  	_ =	shalt  }
0x45: {  	_ =	shalt  }
0x46: {  	_ =	shalt  }
0x47: {  	_ =	shalt  }
0x48: {  	_ =	shalt  }
0x49: {  	_ =	shalt  }
0x4a: {  	_ =	shalt  }
0x4b: {  	_ =	shalt  }
0x4c: {  	_ =	shalt  }
0x4d: {  	_ =	shalt  }
0x4e: {  	_ =	shalt  }
0x4f: {  	_ =	shalt  }
0x50: {  	_ =	shalt  }
0x51: {  	_ =	shalt  }
0x52: {  	_ =	shalt  }
0x53: {  	_ =	shalt  }
0x54: {  	_ =	shalt  }
0x55: {  	_ =	shalt  }
0x56: {  	_ =	shalt  }
0x57: {  	_ =	shalt  }
0x58: {  	_ =	shalt  }
0x59: {  	_ =	shalt  }
0x5a: {  	_ =	shalt  }
0x5b: {  	_ =	shalt  }
0x5c: {  	_ =	shalt  }
0x5d: {  	_ =	shalt  }
0x5e: {  	_ =	shalt  }
0x5f: {  	_ =	shalt  }
0x60: {  	_ =	shalt  }
0x61: {  	_ =	shalt  }
0x62: {  	_ =	shalt  }
0x63: {  	_ =	shalt  }
0x64: {  	_ =	shalt  }
0x65: {  	_ =	shalt  }
0x66: {  	_ =	shalt  }
0x67: {  	_ =	shalt  }
0x68: {  	_ =	shalt  }
0x69: {  	_ =	shalt  }
0x6a: {  	_ =	shalt  }
0x6b: {  	_ =	shalt  }
0x6c: {  	_ =	shalt  }
0x6d: {  	_ =	shalt  }
0x6e: {  	_ =	shalt  }
0x6f: {  	_ =	shalt  }
0x70: {  	_ =	shalt  }
0x71: {  	_ =	shalt  }
0x72: {  	_ =	shalt  }
0x73: {  	_ =	shalt  }
0x74: {  	_ =	shalt  }
0x75: {  	_ =	shalt  }
0x76: {  	_ =	shalt  }
0x77: {  	_ =	shalt  }
0x78: {  	_ =	shalt  }
0x79: {  	_ =	shalt  }
0x7a: {  	_ =	shalt  }
0x7b: {  	_ =	shalt  }
0x7c: {  	_ =	shalt  }
0x7d: {  	_ =	shalt  }
0x7e: {  	_ =	shalt  }
0x7f: {  	_ =	shalt  }
0x80: {  	_ =	shalt  }
0x81: {  	_ =	shalt  }
0x82: {  	_ =	shalt  }
0x83: {  	_ =	shalt  }
0x84: {  	_ =	shalt  }
0x85: {  	_ =	shalt  }
0x86: {  	_ =	shalt  }
0x87: {  	_ =	shalt  }
.Lfunc_end0:
.L_simem_size_0:
called_computation.1_lowered:
.L_overlay_start_0:
0x88: {  	s2 =	sld [smem:$0x3FD9]  }
0x89: {  	s3 =	sld [smem:$0x3FFE];
	_ =	sdelay $0x1  }
0x8a: {  	s1 =	srdreg.scid  }
0x8b: {  	s0 =	sand.u32 $0x1, s1  }
0x8c: {  	s17 =	sshll.u32 s0, $0xA;
	s2 =	sadd.s32 s3, s2  }
0x8d: {  	s2 =	sadd.s32 s2, s17  }
0x8e: {  	[smem:$0x3FC0] =	sst s2  }
0x8f: {  	_ = 	snop  }
0x90: {  	s2 =	sld [smem:$0x3FD0];
	(tm) =	ssettm $0x1  }
0x91: {  	s18 =	sld [smem:$0x3FFB];
	_ =	sdelay $0x3  }
0x92: {  	_ =	strace s18  }
0x93: {  	s3 =	sld [smem:$0x3FFC];
	_ =	sdelay $0x3  }
0x94: {  	_ =	strace s3  }
0x95: {  	s3 =	sld [smem:$0x3FFD];
	_ =	sdelay $0x3  }
0x96: {  	_ =	strace s3  }
0x97: {  	_ =	strace $0x8FFFFFFF  }
0x98: {  	s19 =	sld [smem:$0x3FDB];
	_ =	sdelay $0x1  }
0x99: {  	s4 =	simm.s32 $_scs_section_size  }
0x9a: {  	s5 =	simm.s32 $_size__tile_overlayer_lowered;
	s6 =	simm.s32 $_tile_overlayer_lowered  }
0x9b: {  	s22 =	simm.s32 $0x1BFF;
	s21 =	sshll.u32 s6, $0x1;
	s3 =	sadd.s32 s4, s19  }
0x9c: {  	s7 =	simm.s32 $0x0;
	s20 =	sshll.u32 s5, $0x1;
	s5 =	sadd.s32 s21, s3  }
0x9d: {  	[timem:s7], [sflag:s22] =	dma.local [hbm:s5], s20  }
0x9e: {  	_ =	swait.ge [sflag:s22], s20  }
0x9f: {  	s4 =	ssub.s32 $0x0, s20;
	[sflag:s22] =	ssyncset.done $0x0  }
0xa0: {  	[sflag:s22] =	ssyncadd.s32 s4;
	_ =	sdelay $0x1  }
0xa1: {  	s23 =	simm.s32 $0x1B8B  }
0xa2: {  	_ =	swait.ge [sflag:s23], $0x1  }
0xa3: {  	[sflag:s23] =	ssyncset.done $0x0  }
0xa4: {  	s25 =	simm.s32 $0x1B8E;
	s24 =	sld [smem:$0x3FFE];
	[sflag:s23] =	ssyncadd.s32 $0xFFFFFFFF  }
0xa5: {  	s26 =	simm.s32 $execute0_lowered;
	[smem:$0x3FD2] =	sst s25  }
0xa6: {  	s5 =	sshll.u32 s26, $0x1;
	_ =	strace $0x80000049;
	[dreg:$0x1] =	wrdreg $0xFFFFFFFF  }
0xa7: {  	s28 =	simm.s32 $_size_execute0_lowered;
	s3 =	sadd.s32 s3, s5;
	[dreg:$0x0] =	wrdreg $0x0  }
0xa8: {  	s5 =	sshll.u32 s28, $0x1;
	[dreg:$0x2] =	wrdreg s3  }
0xa9: {  	[dreg:$0x3] =	wrdreg s5  }
0xaa: {  	[dreg:$0x4] =	wrdreg $0xC0  }
0xab: {  	_ =	task [dreg:s7], $0x5FFFF  }
0xac: {  	[dreg:$0x1] =	wrdreg $0xFFFFFFFF  }
0xad: {  	[dreg:$0x0] =	wrdreg $0x60  }
0xae: {  	[dreg:$0x2] =	wrdreg s2  }
0xaf: {  	[dreg:$0x3] =	wrdreg s24  }
0xb0: {  	[dreg:$0x4] =	wrdreg $0x9  }
0xb1: {  	_ =	task.clear_ibuf [dreg:s7], $0x5FFFF;
	_ =	strace $0x90000049  }
0xb2: {  	s29 =	simm.s32 $0x9;
	_ =	strace $0x8000004B  }
0xb3: {  	_ =	swait.ge [sflag:s29], $0x1  }
0xb4: {  	[sflag:s29] =	ssyncadd.s32 $0xFFFFFFFF  }
0xb5: {  	_ =	strace $0x9000004B  }
0xb6: {  	_ =	sfence  }
0xb7: {  	s30 =	sld [smem:$0x0];
	_ =	sdelay $0x2  }
0xb8: {  	s31 =	sshll.u32 s1, $0xD;
	s1 =	sshrl.u32 s1, $0x2  }
0xb9: {  	s3 =	sand.u32 $0x4000, s31;
	s1 =	sadd.s32 s1, s30  }
0xba: {  	s0 =	sor.u32 s3, s0;
	s1 =	sshll.u32 s1, $0x11  }
0xbb: {  	s0 =	sor.u32 s1, s0  }
0xbc: {  	s0 =	sadd.s32 $0x8F2B, s0  }
0xbd: {  	[sflag:s0] =	ssyncadd.remote.s32 $0x1  }
0xbe: {  	_ =	sfence.sel $0xFFFF  }
0xbf: {  	[dreg:$0x0] =	wrdreg $0xFFFFFFFF;
	(pc) =	sbr.abs _section_cstart, $3  }
0xc0: {  	[dreg:$0x1] =	wrdreg $0xFFFFFFFF  }
0xc1: {  	_ =	task.clear_ibuf [dreg:s7], $0x2FFFF;
	_ =	strace $0x9FFFFFFF  }
0xc2: {  	(tm) =	ssettm $0x7FFFFFFF  }
0xc3: {  	_ =	shalt  }
tec
execute0_lowered:
.L_overlay_start_1:
0x0: {  	(tag) =	ssettag $0x1  }
0x1: {  	s1 =	srdreg.scid;
	s4 =	rddreg [dreg:$0x0]  }
0x2: {  	s0 =	stileid.u32;
	s7 =	rddreg [dreg:$0x1]  }
0x3: {  	s9 =	simm.s32 $0x3;
	s10 =	simm.s32 $0x400;
	s11 =	simm.s32 $0x1C00  }
0x4: {  	s12 =	simm.s32 $0x3400;
	s13 =	simm.s32 $0x4C00;
	s14 =	simm.s32 $0x6400  }
0x5: {  	s15 =	simm.s32 $0x1;
	s17 =	simm.s32 $0x1000;
	s18 =	simm.s32 $0x1800  }
0x6: {  	s19 =	simm.s32 $0x2400;
	s20 =	simm.s32 $0x2800;
	s21 =	simm.s32 $0x3000  }
0x7: {  	s22 =	simm.s32 $0x3C00;
	s23 =	simm.s32 $0x4000;
	s24 =	simm.s32 $0x4800  }
0x8: {  	s28 =	simm.s32 $0x6000;
	s1 =	sand.u32 $0x1, s1;
	s2 =	sshll.u32 s0, $0x1  }
0x9: {  	s29 =	simm.s32 $0x6C00;
	s30 =	simm.s32 $0x7000;
	s3 =	sor.u32 s1, s2  }
0xa: {  	s1 =	ssub.s32 $0x2, s1;
	s2 =	smul.u32 $0x50, s3;
	s3 =	sshll.u32 s3, $0x7  }
0xb: {  	s31 =	simm.s32 $0x7800;
	s25 =	sshrl.u32 s1, $0x1;
	s3 =	sadd.s32 s3, s7  }
0xc: {  	s1 =	ssub.s32 s1, s25;
	s25 =	simm.s32 $0x5400;
	s5 =	sshrl.u32 s2, $0x3  }
0xd: {  	s2 =	simm.s32 $0x0;
	s6 =	sadd.s32 $0x19E00, s3;
	s5 =	smul.u32 $0x180, s5  }
0xe: {  	s8 =	smax.u32 s1, $0x1;
	s1 =	simm.s32 $0x2;
	[smem:$0x7FF] =	sst s2  }
0xf: {  	_ =	strace $0x8000004A;
	[dreg:$0x3] =	wrdreg s6;
	s3 =	sadd.s32 s4, s5  }
0x10: {  	v2 =	vlaneseq.u32;
	s4 =	sadd.s32 $0x300, s3;
	s26 =	sadd.s32 $0x600, s3;
	s5 =	sadd.s32 $0x900, s3  }
0x11: {  	vm0 =	vmmov $0xffff;
	vm1 =	vmmov $0xff;
	v1 =	vshrl.u32 v2, $0x3;
	s6 =	sadd.s32 $0xC00, s3;
	[dreg:$0x4] =	wrdreg s4;
	s4 =	sadd.s32 $0x1600, s7  }
0x12: {  	v0 =	vand.u32 $0x7, v2;
	v2 =	vor.u32 $0x8, v2;
	v1 =	vmul.u32 $0x8, v1;
	[dreg:$0x5] =	wrdreg s26;
	s7 =	sadd.s32 $0x1700, s7;
	s26 =	simm.s32 $0x5800  }
.LBB2_1:
0x13: {  	s0 =	rddreg [dreg:$0x3]  }
0x14: {  	[tilespmem:s2], [sflag:$0x3] =	stream.linear.gather [hbm4b:s0+s2], $0x280, $0x38;
	[tilespmem:$0x7C00] =	vst v63  }
0x15: {  	_ =	swait.ge [sflag:s9], $0x280  }
0x16: {  	[sflag:s9] =	ssyncset.done $0x0  }
0x17: {  	[sflag:s9] =	ssyncadd.s32 $0xFFFFFD80  }
0x18: {  	[tilespmem:s10], [sflag:$0x1] =	stream.linear.gather [hbm4b:s3+s2], $0x1800, $0x38;
	[tilespmem:$0x7C00] =	vst v63  }
0x19: {  	s0 =	rddreg [dreg:$0x4]  }
0x1a: {  	[tilespmem:s11], [sflag:$0x1] =	stream.linear.gather [hbm4b:s0+s2], $0x1800, $0x38;
	[tilespmem:$0x7C00] =	vst v63  }
0x1b: {  	s16 =	rddreg [dreg:$0x5]  }
0x1c: {  	[tilespmem:s12], [sflag:$0x1] =	stream.linear.gather [hbm4b:s16+s2], $0x1800, $0x38;
	[tilespmem:$0x7C00] =	vst v63  }
0x1d: {  	_ = 	snop  }
0x1e: {  	[tilespmem:s13], [sflag:$0x1] =	stream.linear.gather [hbm4b:s5+s2], $0x1800, $0x38;
	[tilespmem:$0x7C00] =	vst v63  }
0x1f: {  	_ = 	snop  }
0x20: {  	[tilespmem:s14], [sflag:$0x1] =	stream.linear.gather [hbm4b:s6+s2], $0x1800, $0x38;
	[tilespmem:$0x7C00] =	vst v63  }
0x21: {  	_ =	swait.ge [sflag:s15], $0x1800  }
0x22: {  	[sflag:s15] =	ssyncset.done $0x0  }
0x23: {  	[sflag:s15] =	ssyncadd.s32 $0xFFFFE800  }
0x24: {  	v3 =	vld [tilespmem:$0x0];
	_ =	sdelay $0x4  }
0x25: {  	v4 =	vshrl.u32 v3, $0x3  }
0x26: {  	v4 =	vmul.u32 $0x18, v4  }
0x27: {  	v3 =	vand.u32 $0x7, v3  }
0x28: {  	v3 =	vor.u32 v3, v4  }
0x29: {  	v4 =	vperm.xlane v3, v0;
	_ =	sdelay $0x1  }
0x2a: {  	v4 =	vadd.s32 v1, v4;
	_ =	sdelay $0x1  }
0x2b: {  	v3 =	vperm.xlane v3, v2;
	_ =	sdelay $0x1  }
0x2c: {  	v3 =	vadd.s32 v1, v3  }
0x2d: {  	[hbm4b:s4+s2] =	stream.indirect_vreg.scatter [tilespmem:s10], [sflag:$0x2], $0x80, v4, vm0, $0xb8;
	[tilespmem:$0x7C00] =	vst v63  }
0x2e: {  	s16 =	simm.s32 $0xC00  }
0x2f: {  	[hbm4b:s7+s2] =	stream.indirect_vreg.scatter [tilespmem:s16], [sflag:$0x2], $0x80, v4, vm1, $0xb8;
	[tilespmem:$0x7C00] =	vst v63  }
0x30: {  	_ = 	snop  }
0x31: {  	[hbm4b:s4+s2] =	stream.indirect_vreg.scatter [tilespmem:s17], [sflag:$0x2], $0x80, v3, vm0, $0xb8;
	[tilespmem:$0x7C00] =	vst v63  }
0x32: {  	_ = 	snop  }
0x33: {  	[hbm4b:s7+s2] =	stream.indirect_vreg.scatter [tilespmem:s18], [sflag:$0x2], $0x80, v3, vm1, $0xb8;
	[tilespmem:$0x7C00] =	vst v63  }
0x34: {  	_ =	swait.ge [sflag:s15], $0x1800  }
0x35: {  	[sflag:s15] =	ssyncset.done $0x0  }
0x36: {  	[sflag:s15] =	ssyncadd.s32 $0xFFFFE800  }
0x37: {  	v3 =	vld [tilespmem:$0x80];
	_ =	sdelay $0x4  }
0x38: {  	v60 =	vshrl.u32 v3, $0x3  }
0x39: {  	v4 =	vmul.u32 $0x18, v60  }
0x3a: {  	v3 =	vand.u32 $0x7, v3  }
0x3b: {  	v3 =	vor.u32 v3, v4  }
0x3c: {  	v4 =	vperm.xlane v3, v0;
	_ =	sdelay $0x1  }
0x3d: {  	v4 =	vadd.s32 v1, v4;
	_ =	sdelay $0x1  }
0x3e: {  	v3 =	vperm.xlane v3, v2;
	_ =	sdelay $0x1  }
0x3f: {  	v3 =	vadd.s32 v1, v3  }
0x40: {  	[hbm4b:s4+s2] =	stream.indirect_vreg.scatter [tilespmem:s11], [sflag:$0x2], $0x80, v4, vm0, $0xb8;
	[tilespmem:$0x7C00] =	vst v63  }
0x41: {  	_ = 	snop  }
0x42: {  	[hbm4b:s7+s2] =	stream.indirect_vreg.scatter [tilespmem:s19], [sflag:$0x2], $0x80, v4, vm1, $0xb8;
	[tilespmem:$0x7C00] =	vst v63  }
0x43: {  	_ = 	snop  }
0x44: {  	[hbm4b:s4+s2] =	stream.indirect_vreg.scatter [tilespmem:s20], [sflag:$0x2], $0x80, v3, vm0, $0xb8;
	[tilespmem:$0x7C00] =	vst v63  }
0x45: {  	_ = 	snop  }
0x46: {  	[hbm4b:s7+s2] =	stream.indirect_vreg.scatter [tilespmem:s21], [sflag:$0x2], $0x80, v3, vm1, $0xb8;
	[tilespmem:$0x7C00] =	vst v63  }
0x47: {  	_ =	swait.ge [sflag:s15], $0x1800  }
0x48: {  	[sflag:s15] =	ssyncset.done $0x0  }
0x49: {  	[sflag:s15] =	ssyncadd.s32 $0xFFFFE800  }
0x4a: {  	v3 =	vld [tilespmem:$0x100];
	_ =	sdelay $0x4  }
0x4b: {  	v61 =	vshrl.u32 v3, $0x3  }
0x4c: {  	v4 =	vmul.u32 $0x18, v61  }
0x4d: {  	v3 =	vand.u32 $0x7, v3  }
0x4e: {  	v3 =	vor.u32 v3, v4  }
0x4f: {  	v4 =	vperm.xlane v3, v0;
	_ =	sdelay $0x1  }
0x50: {  	v4 =	vadd.s32 v1, v4;
	_ =	sdelay $0x1  }
0x51: {  	v3 =	vperm.xlane v3, v2;
	_ =	sdelay $0x1  }
0x52: {  	v3 =	vadd.s32 v1, v3  }
0x53: {  	[hbm4b:s4+s2] =	stream.indirect_vreg.scatter [tilespmem:s12], [sflag:$0x2], $0x80, v4, vm0, $0xb8;
	[tilespmem:$0x7C00] =	vst v63  }
0x54: {  	_ = 	snop  }
0x55: {  	[hbm4b:s7+s2] =	stream.indirect_vreg.scatter [tilespmem:s22], [sflag:$0x2], $0x80, v4, vm1, $0xb8;
	[tilespmem:$0x7C00] =	vst v63  }
0x56: {  	_ = 	snop  }
0x57: {  	[hbm4b:s4+s2] =	stream.indirect_vreg.scatter [tilespmem:s23], [sflag:$0x2], $0x80, v3, vm0, $0xb8;
	[tilespmem:$0x7C00] =	vst v63  }
0x58: {  	_ = 	snop  }
0x59: {  	[hbm4b:s7+s2] =	stream.indirect_vreg.scatter [tilespmem:s24], [sflag:$0x2], $0x80, v3, vm1, $0xb8;
	[tilespmem:$0x7C00] =	vst v63  }
0x5a: {  	_ =	swait.ge [sflag:s15], $0x1800  }
0x5b: {  	[sflag:s15] =	ssyncset.done $0x0  }
0x5c: {  	[sflag:s15] =	ssyncadd.s32 $0xFFFFE800  }
0x5d: {  	v3 =	vld [tilespmem:$0x180];
	_ =	sdelay $0x4  }
0x5e: {  	v62 =	vshrl.u32 v3, $0x3  }
0x5f: {  	v4 =	vmul.u32 $0x18, v62  }
0x60: {  	v3 =	vand.u32 $0x7, v3  }
0x61: {  	v3 =	vor.u32 v3, v4  }
0x62: {  	v4 =	vperm.xlane v3, v0;
	_ =	sdelay $0x1  }
0x63: {  	v4 =	vadd.s32 v1, v4;
	_ =	sdelay $0x1  }
0x64: {  	v3 =	vperm.xlane v3, v2;
	_ =	sdelay $0x1  }
0x65: {  	v3 =	vadd.s32 v1, v3  }
0x66: {  	[hbm4b:s4+s2] =	stream.indirect_vreg.scatter [tilespmem:s13], [sflag:$0x2], $0x80, v4, vm0, $0xb8;
	[tilespmem:$0x7C00] =	vst v63  }
0x67: {  	_ = 	snop  }
0x68: {  	[hbm4b:s7+s2] =	stream.indirect_vreg.scatter [tilespmem:s25], [sflag:$0x2], $0x80, v4, vm1, $0xb8;
	[tilespmem:$0x7C00] =	vst v63  }
0x69: {  	_ = 	snop  }
0x6a: {  	[hbm4b:s4+s2] =	stream.indirect_vreg.scatter [tilespmem:s26], [sflag:$0x2], $0x80, v3, vm0, $0xb8;
	[tilespmem:$0x7C00] =	vst v63  }
0x6b: {  	_ = 	snop  }
0x6c: {  	[hbm4b:s7+s2] =	stream.indirect_vreg.scatter [tilespmem:s28], [sflag:$0x2], $0x80, v3, vm1, $0xb8;
	[tilespmem:$0x7C00] =	vst v63  }
0x6d: {  	_ =	swait.ge [sflag:s15], $0x1800  }
0x6e: {  	[sflag:s15] =	ssyncset.done $0x0  }
0x6f: {  	[sflag:s15] =	ssyncadd.s32 $0xFFFFE800  }
0x70: {  	v3 =	vld [tilespmem:$0x200];
	_ =	sdelay $0x4  }
0x71: {  	v63 =	vshrl.u32 v3, $0x3  }
0x72: {  	v4 =	vmul.u32 $0x18, v63  }
0x73: {  	v3 =	vand.u32 $0x7, v3  }
0x74: {  	v3 =	vor.u32 v3, v4  }
0x75: {  	v4 =	vperm.xlane v3, v0;
	_ =	sdelay $0x1  }
0x76: {  	v4 =	vadd.s32 v1, v4;
	_ =	sdelay $0x1  }
0x77: {  	v3 =	vperm.xlane v3, v2;
	_ =	sdelay $0x1  }
0x78: {  	v3 =	vadd.s32 v1, v3  }
0x79: {  	[hbm4b:s4+s2] =	stream.indirect_vreg.scatter [tilespmem:s14], [sflag:$0x2], $0x80, v4, vm0, $0xb8;
	[tilespmem:$0x7C00] =	vst v63  }
0x7a: {  	_ = 	snop  }
0x7b: {  	[hbm4b:s7+s2] =	stream.indirect_vreg.scatter [tilespmem:s29], [sflag:$0x2], $0x80, v4, vm1, $0xb8;
	[tilespmem:$0x7C00] =	vst v63  }
0x7c: {  	_ = 	snop  }
0x7d: {  	[hbm4b:s4+s2] =	stream.indirect_vreg.scatter [tilespmem:s30], [sflag:$0x2], $0x80, v3, vm0, $0xb8;
	[tilespmem:$0x7C00] =	vst v63  }
0x7e: {  	_ = 	snop  }
0x7f: {  	[hbm4b:s7+s2] =	stream.indirect_vreg.scatter [tilespmem:s31], [sflag:$0x2], $0x80, v3, vm1, $0xb8;
	[tilespmem:$0x7C00] =	vst v63  }
0x80: {  	_ =	swait.ge [sflag:s1], $0x1800  }
0x81: {  	[sflag:s1] =	ssyncset.done $0x0  }
0x82: {  	[sflag:s1] =	ssyncadd.s32 $0xFFFFE800  }
0x83: {  	_ =	swait.ge [sflag:s1], $0x1800  }
0x84: {  	[sflag:s1] =	ssyncset.done $0x0  }
0x85: {  	[sflag:s1] =	ssyncadd.s32 $0xFFFFE800  }
0x86: {  	_ =	swait.ge [sflag:s1], $0x1800  }
0x87: {  	[sflag:s1] =	ssyncset.done $0x0  }
0x88: {  	[sflag:s1] =	ssyncadd.s32 $0xFFFFE800  }
0x89: {  	p0 =	sne.s32 s8, $0x1;
	_ =	swait.ge [sflag:s1], $0x1800  }
.Ltmp0:
0x8a: {  	[sflag:s1] =	ssyncset.done $0x0;
	(pc) =	sbr.rel @p0 .LBB2_1-.Ltmp0, $4  }
0x8b: {  	[sflag:s1] =	ssyncadd.s32 $0xFFFFE800  }
0x8c: {  	_ =	swait.ge [sflag:s1], $0x1800  }
0x8d: {  	[sflag:s1] =	ssyncset.done $0x0  }
0x8e: {  	s8 =	sadd.s32 $0xFFFFFFFF, s8;
	[sflag:s1] =	ssyncadd.s32 $0xFFFFE800  }
0x8f: {  	_ =	sfence.sel $0x180000  }
0x90: {  	[bflag:$0x0] =	sbarrier.arrive $0xFFFF  }
0x91: {  	_ =	strace $0x9000004A  }
0x92: {  	s0 =	stileid.u32;
	[bflag:$0x2] =	sbarrier.arrive $0xFFFF  }
0x93: {  	p0 =	sne.s32 s0, $0x0;
	s0 =	rddreg [dreg:$0x2]  }
0x94: {  	s0 =	sadd.s32 @!p0 $0x100000, s0  }
0x95: {  	[sflag:s0] =	ssyncadd.tile.s32 @!p0 $0x1;
	_ =	shalt  }
.Lfunc_end2:
_tile_overlayer_lowered:
.L_overlay_start_2:
0x96: {  	(tag) =	ssettag $0x2  }
0x97: {  	s0 =	rddreg [dreg:$0x0];
	s2 =	stileid.u32  }
0x98: {  	s1 =	rddreg [dreg:$0x1];
	p0 =	sne.s32 s2, $0x0  }
0x99: {  	s3 =	rddreg [dreg:$0x2];
	[bflag:$0x3] =	sbarrier.arrive $0xFFFF;
	s2 =	simm.s32 @!p0 $0x1C03  }
0x9a: {  	[timem:s3], [sflag:s2] =	dma.local @!p0 [hbm:s0], s1  }
0x9b: {  	s0 =	simm.s32 @!p0 $0x3  }
0x9c: {  	_ =	swait.ge @!p0 [sflag:s0], s1  }
0x9d: {  	s1 =	ssub.s32 @!p0 $0x0, s1;
	[sflag:s0] =	ssyncset.done @!p0 $0x0  }
0x9e: {  	[sflag:s0] =	ssyncadd.s32 @!p0 s1  }
0x9f: {  	[bflag:$0x3] =	sbarrier.arrive $0xFFFF  }
0xa0: {  	_ =	shalt  }

// kernel: kernel.8.cloned.1.call-start
scs
__scs_entry_jumppad:
0x0: {  	(pc) =	sbr.rel $0x88, $3  }
0x1: {  	(tag) =	ssettag $0x0;
	lr =	simm.s32 $0x1  }
0x2: {  	[smem:$0x3F99] =	sst lr;
	_ =	strace $0xD0000000  }
0x3: {  	_ = 	snop  }
0x4: {  	_ = 	snop  }
0x5: {  	_ = 	snop  }
0x6: {  	_ = 	snop  }
0x7: {  	_ = 	snop  }
__scs_overlays_trampoline_lowered:
0x8: {  	[smem:$0x3FA8] =	sst s0  }
0x9: {  	[smem:$0x3FA9] =	sst s1  }
0xa: {  	[smem:$0x3FAA] =	sst s2  }
0xb: {  	[smem:$0x3FAB] =	sst s3  }
0xc: {  	[smem:$0x3FAC] =	sst s4  }
0xd: {  	[smem:$0x3FAD] =	sst s5  }
0xe: {  	[smem:$0x3FAE] =	sst s6  }
0xf: {  	[smem:$0x3FAF] =	sst s7  }
0x10: {  	[smem:$0x3FB0] =	sst s8  }
0x11: {  	[smem:$0x3FB1] =	sst s9;
	s0 =	simm.s32 @!p0 $0x0  }
0x12: {  	s1 =	sld [smem:$0x3F97];
	s0 =	simm.s32 @p0 $0x1  }
0x13: {  	[smem:$0x3FB2] =	sst s0;
	s0 =	simm.s32 @!p1 $0x0  }
0x14: {  	s2 =	sld [smem:$0x3F96];
	s0 =	simm.s32 @p1 $0x1  }
0x15: {  	[smem:$0x3FB3] =	sst s0;
	s0 =	simm.s32 @!p2 $0x0  }
0x16: {  	s3 =	sld [smem:$0x3FDB];
	s0 =	simm.s32 @p2 $0x1  }
0x17: {  	s4 =	simm.s32 $0x1BF5;
	[smem:$0x3FB5] =	sst s0  }
0x18: {  	s0 =	sld [smem:$0x3F98];
	_ =	swait.ge [sflag:s4], $0x0  }
0x19: {  	s7 =	sld [smem:$0x3F99]  }
0x1a: {  	s8 =	sadd.s32 $0xFFFFE003, lr  }
0x1b: {  	s9 =	sadd.s32 $0xFFFFFEF7, lr;
	s5 =	simm.s32 $0xFFFFFFFF;
	p2 =	slt.u32 s8, $0xFFFFF086  }
0x1c: {  	p1 =	slt.u32 s9, $0xF7A;
	s5 =	simm.s32 @!p2 $0x0  }
0x1d: {  	s5 =	simm.s32 @p1 $0x1;
	p0 =	seq.s32 s7, s2  }
0x1e: {  	s7 =	smul.u32 @!p0 $0xF7A, s2;
	p2 =	seq.s32 @!p0 s5, $0x0  }
0x1f: {  	s9 =	smul.u32 $0xF7A, s1;
	s8 =	simm.s32 @!p0 $0x1BF5;
	p2 =	por !p2, p0  }
0x20: {  	[sflag:s8] =	ssyncset.s32 @!p0 $0xFFFFF086;
	s6 =	sadd.s32 @!p0 s3, s7;
	s7 =	simm.s32 @!p0 $0x108  }
0x21: {  	s3 =	sadd.s32 s3, s9;
	s6 =	sadd.s32 @!p0 $0x88, s6;
	s7 =	simm.s32 @p2 $0x1082  }
0x22: {  	[simem:s7], [sflag:s8] =	dma.local @!p0 [hbm:s6], $0xF7A  }
0x23: {  	s9 =	sor.u32 $0xD0000000, s2;
	s6 =	simm.s32 $0x108;
	_ =	swait.ge @!p0 [sflag:s8], $0x0  }
0x24: {  	s3 =	sadd.s32 $0x88, s3;
	s6 =	simm.s32 @!p1 $0x1082;
	[sflag:s4] =	ssyncset.s32 $0xFFFFF086  }
0x25: {  	[simem:s6], [sflag:s4] =	dma.local [hbm:s3], $0xF7A  }
0x26: {  	[smem:$0x3F99] =	sst s1;
	(tag) =	ssettag s2;
	_ =	strace s9  }
0x27: {  	s1 =	sld [smem:$0x3FA9]  }
0x28: {  	s2 =	sld [smem:$0x3FAA]  }
0x29: {  	s4 =	sld [smem:$0x3FAC]  }
0x2a: {  	p0 =	seq.s32 s5, $0x0;
	s5 =	sld [smem:$0x3FAD]  }
0x2b: {  	s6 =	sld [smem:$0x3FAE]  }
0x2c: {  	s7 =	sld [smem:$0x3FAF]  }
0x2d: {  	s3 =	simm.s32 $0x108;
	s8 =	sld [smem:$0x3FB0]  }
0x2e: {  	s3 =	simm.s32 @!p0 $0x1082;
	s9 =	sld [smem:$0x3FB1]  }
0x2f: {  	lr =	sadd.s32 s0, s3;
	s0 =	sld [smem:$0x3FA8]  }
0x30: {  	s3 =	sld [smem:$0x3FAB]  }
0x31: {  	[smem:$0x3FB4] =	sst s10  }
0x32: {  	s10 =	sld [smem:$0x3FB2];
	_ =	sdelay $0x3  }
0x33: {  	p0 =	seq.s32 s10, $0x1;
	s10 =	sld [smem:$0x3FB4];
	_ =	sdelay $0x3  }
0x34: {  	[smem:$0x3FB4] =	sst s10  }
0x35: {  	s10 =	sld [smem:$0x3FB3];
	_ =	sdelay $0x3  }
0x36: {  	p1 =	seq.s32 s10, $0x1;
	s10 =	sld [smem:$0x3FB4];
	_ =	sdelay $0x3  }
0x37: {  	[smem:$0x3FB4] =	sst s10  }
0x38: {  	s10 =	sld [smem:$0x3FB5]  }
0x39: {  	_ = 	snop;
	(pc) =	sbr.ind lr, $3  }
0x3a: {  	_ = 	snop  }
0x3b: {  	_ = 	snop  }
0x3c: {  	p2 =	seq.s32 s10, $0x1;
	s10 =	sld [smem:$0x3FB4]  }
0x3d: {  	_ =	shalt  }
0x3e: {  	_ =	shalt  }
0x3f: {  	_ =	shalt  }
0x40: {  	_ =	shalt  }
0x41: {  	_ =	shalt  }
0x42: {  	_ =	shalt  }
0x43: {  	_ =	shalt  }
0x44: {  	_ =	shalt  }
0x45: {  	_ =	shalt  }
0x46: {  	_ =	shalt  }
0x47: {  	_ =	shalt  }
0x48: {  	_ =	shalt  }
0x49: {  	_ =	shalt  }
0x4a: {  	_ =	shalt  }
0x4b: {  	_ =	shalt  }
0x4c: {  	_ =	shalt  }
0x4d: {  	_ =	shalt  }
0x4e: {  	_ =	shalt  }
0x4f: {  	_ =	shalt  }
0x50: {  	_ =	shalt  }
0x51: {  	_ =	shalt  }
0x52: {  	_ =	shalt  }
0x53: {  	_ =	shalt  }
0x54: {  	_ =	shalt  }
0x55: {  	_ =	shalt  }
0x56: {  	_ =	shalt  }
0x57: {  	_ =	shalt  }
0x58: {  	_ =	shalt  }
0x59: {  	_ =	shalt  }
0x5a: {  	_ =	shalt  }
0x5b: {  	_ =	shalt  }
0x5c: {  	_ =	shalt  }
0x5d: {  	_ =	shalt  }
0x5e: {  	_ =	shalt  }
0x5f: {  	_ =	shalt  }
0x60: {  	_ =	shalt  }
0x61: {  	_ =	shalt  }
0x62: {  	_ =	shalt  }
0x63: {  	_ =	shalt  }
0x64: {  	_ =	shalt  }
0x65: {  	_ =	shalt  }
0x66: {  	_ =	shalt  }
0x67: {  	_ =	shalt  }
0x68: {  	_ =	shalt  }
0x69: {  	_ =	shalt  }
0x6a: {  	_ =	shalt  }
0x6b: {  	_ =	shalt  }
0x6c: {  	_ =	shalt  }
0x6d: {  	_ =	shalt  }
0x6e: {  	_ =	shalt  }
0x6f: {  	_ =	shalt  }
0x70: {  	_ =	shalt  }
0x71: {  	_ =	shalt  }
0x72: {  	_ =	shalt  }
0x73: {  	_ =	shalt  }
0x74: {  	_ =	shalt  }
0x75: {  	_ =	shalt  }
0x76: {  	_ =	shalt  }
0x77: {  	_ =	shalt  }
0x78: {  	_ =	shalt  }
0x79: {  	_ =	shalt  }
0x7a: {  	_ =	shalt  }
0x7b: {  	_ =	shalt  }
0x7c: {  	_ =	shalt  }
0x7d: {  	_ =	shalt  }
0x7e: {  	_ =	shalt  }
0x7f: {  	_ =	shalt  }
0x80: {  	_ =	shalt  }
0x81: {  	_ =	shalt  }
0x82: {  	_ =	shalt  }
0x83: {  	_ =	shalt  }
0x84: {  	_ =	shalt  }
0x85: {  	_ =	shalt  }
0x86: {  	_ =	shalt  }
0x87: {  	_ =	shalt  }
.Lfunc_end0:
.L_simem_size_0:
called_computation_lowered:
.L_overlay_start_0:
0x88: {  	s2 =	sld [smem:$0x3FD9]  }
0x89: {  	s3 =	sld [smem:$0x3FFE];
	_ =	sdelay $0x1  }
0x8a: {  	s1 =	srdreg.scid  }
0x8b: {  	s0 =	sand.u32 $0x1, s1  }
0x8c: {  	s17 =	sshll.u32 s0, $0xA;
	s2 =	sadd.s32 s3, s2  }
0x8d: {  	s2 =	sadd.s32 s2, s17  }
0x8e: {  	[smem:$0x3FC0] =	sst s2  }
0x8f: {  	_ = 	snop  }
0x90: {  	s2 =	sld [smem:$0x3FD0];
	(tm) =	ssettm $0x1  }
0x91: {  	s18 =	sld [smem:$0x3FFB];
	_ =	sdelay $0x3  }
0x92: {  	_ =	strace s18  }
0x93: {  	s3 =	sld [smem:$0x3FFC];
	_ =	sdelay $0x3  }
0x94: {  	_ =	strace s3  }
0x95: {  	s3 =	sld [smem:$0x3FFD];
	_ =	sdelay $0x3  }
0x96: {  	_ =	strace s3  }
0x97: {  	_ =	strace $0x8FFFFFFF  }
0x98: {  	s19 =	sld [smem:$0x3FDB];
	_ =	sdelay $0x1  }
0x99: {  	s4 =	simm.s32 $_scs_section_size  }
0x9a: {  	s5 =	simm.s32 $_size__tile_overlayer_lowered;
	s6 =	simm.s32 $_tile_overlayer_lowered  }
0x9b: {  	s22 =	simm.s32 $0x1BFF;
	s21 =	sshll.u32 s6, $0x1;
	s3 =	sadd.s32 s4, s19  }
0x9c: {  	s7 =	simm.s32 $0x0;
	s20 =	sshll.u32 s5, $0x1;
	s5 =	sadd.s32 s21, s3  }
0x9d: {  	[timem:s7], [sflag:s22] =	dma.local [hbm:s5], s20  }
0x9e: {  	_ =	swait.ge [sflag:s22], s20  }
0x9f: {  	s4 =	ssub.s32 $0x0, s20;
	[sflag:s22] =	ssyncset.done $0x0  }
0xa0: {  	[sflag:s22] =	ssyncadd.s32 s4;
	_ =	sdelay $0x1  }
0xa1: {  	s23 =	simm.s32 $0x1B8B  }
0xa2: {  	_ =	swait.ge [sflag:s23], $0x1  }
0xa3: {  	[sflag:s23] =	ssyncset.done $0x0  }
0xa4: {  	s25 =	simm.s32 $0x1B8E;
	s24 =	sld [smem:$0x3FFE];
	[sflag:s23] =	ssyncadd.s32 $0xFFFFFFFF  }
0xa5: {  	s26 =	simm.s32 $execute0_lowered;
	[smem:$0x3FD2] =	sst s25  }
0xa6: {  	s5 =	sshll.u32 s26, $0x1;
	_ =	strace $0x80000046;
	[dreg:$0x1] =	wrdreg $0xFFFFFFFF  }
0xa7: {  	s28 =	simm.s32 $_size_execute0_lowered;
	s3 =	sadd.s32 s3, s5;
	[dreg:$0x0] =	wrdreg $0x0  }
0xa8: {  	s5 =	sshll.u32 s28, $0x1;
	[dreg:$0x2] =	wrdreg s3  }
0xa9: {  	[dreg:$0x3] =	wrdreg s5  }
0xaa: {  	[dreg:$0x4] =	wrdreg $0xC0  }
0xab: {  	_ =	task [dreg:s7], $0x5FFFF  }
0xac: {  	[dreg:$0x1] =	wrdreg $0xFFFFFFFF  }
0xad: {  	[dreg:$0x0] =	wrdreg $0x60  }
0xae: {  	[dreg:$0x2] =	wrdreg s24  }
0xaf: {  	[dreg:$0x3] =	wrdreg s2  }
0xb0: {  	[dreg:$0x4] =	wrdreg $0x9  }
0xb1: {  	_ =	task.clear_ibuf [dreg:s7], $0x5FFFF;
	_ =	strace $0x90000046  }
0xb2: {  	s29 =	simm.s32 $0x9;
	_ =	strace $0x80000048  }
0xb3: {  	_ =	swait.ge [sflag:s29], $0x1  }
0xb4: {  	[sflag:s29] =	ssyncadd.s32 $0xFFFFFFFF  }
0xb5: {  	_ =	strace $0x90000048  }
0xb6: {  	_ =	sfence  }
0xb7: {  	s30 =	sld [smem:$0x0];
	_ =	sdelay $0x2  }
0xb8: {  	s31 =	sshll.u32 s1, $0xD;
	s1 =	sshrl.u32 s1, $0x2  }
0xb9: {  	s3 =	sand.u32 $0x4000, s31;
	s1 =	sadd.s32 s1, s30  }
0xba: {  	s0 =	sor.u32 s3, s0;
	s1 =	sshll.u32 s1, $0x11  }
0xbb: {  	s0 =	sor.u32 s1, s0  }
0xbc: {  	s0 =	sadd.s32 $0x8F2B, s0  }
0xbd: {  	[sflag:s0] =	ssyncadd.remote.s32 $0x1  }
0xbe: {  	_ =	sfence.sel $0xFFFF  }
0xbf: {  	[dreg:$0x0] =	wrdreg $0xFFFFFFFF;
	(pc) =	sbr.abs _section_cstart, $3  }
0xc0: {  	[dreg:$0x1] =	wrdreg $0xFFFFFFFF  }
0xc1: {  	_ =	task.clear_ibuf [dreg:s7], $0x2FFFF;
	_ =	strace $0x9FFFFFFF  }
0xc2: {  	(tm) =	ssettm $0x7FFFFFFF  }
0xc3: {  	_ =	shalt  }
tec
execute0_lowered:
.L_overlay_start_1:
0x0: {  	(tag) =	ssettag $0x1  }
0x1: {  	s4 =	rddreg [dreg:$0x0]  }
0x2: {  	s2 =	rddreg [dreg:$0x1]  }
0x3: {  	s0 =	rddreg [dreg:$0x2];
	s3 =	simm.s32 $0x0;
	s5 =	srdreg.scid  }
0x4: {  	s1 =	stileid.u32;
	s12 =	simm.s32 $0x200;
	s13 =	simm.s32 $0x1A00  }
0x5: {  	s14 =	simm.s32 $0x3200;
	s15 =	simm.s32 $0x4A00;
	s16 =	simm.s32 $0x1  }
0x6: {  	s17 =	simm.s32 $0xA00;
	s18 =	simm.s32 $0xE00;
	s19 =	simm.s32 $0x1600  }
0x7: {  	s20 =	simm.s32 $0x2200;
	s21 =	simm.s32 $0x2600;
	s22 =	simm.s32 $0x2E00  }
0x8: {  	s23 =	simm.s32 $0x3A00;
	s24 =	simm.s32 $0x3E00;
	s25 =	simm.s32 $0x4600  }
0x9: {  	s26 =	simm.s32 $0x5200;
	s28 =	simm.s32 $0x5600;
	s29 =	simm.s32 $0x5E00  }
0xa: {  	s30 =	simm.s32 $0x2;
	s5 =	sand.u32 $0x1, s5;
	s6 =	sshll.u32 s1, $0x1  }
0xb: {  	[smem:$0x7FF] =	sst s3;
	s10 =	sadd.s32 $0x1600, s4;
	s6 =	sor.u32 s5, s6  }
0xc: {  	_ =	strace $0x80000047;
	s5 =	ssub.s32 $0x2, s5;
	s8 =	smul.u32 $0x6000, s6  }
0xd: {  	s7 =	sshll.u32 s6, $0x6;
	s9 =	sshrl.u32 s5, $0x1;
	s6 =	smul.u32 $0xC00, s6  }
0xe: {  	s7 =	sadd.s32 s7, s4;
	s11 =	ssub.s32 s5, s9;
	s9 =	sadd.s32 $0x100, s2  }
0xf: {  	v2 =	vlaneseq.u32;
	s8 =	sshrl.u32 s8, $0x3;
	s4 =	sadd.s32 $0x19600, s7;
	s5 =	sadd.s32 s10, s6  }
0x10: {  	vm0 =	vmmov $0xffff;
	vm1 =	vmmov $0xff;
	v1 =	vshrl.u32 v2, $0x3;
	s8 =	sadd.s32 s10, s8;
	s6 =	sadd.s32 $0x300, s5;
	s10 =	smax.u32 s11, $0x1  }
0x11: {  	v0 =	vand.u32 $0x7, v2;
	v2 =	vor.u32 $0x8, v2;
	v1 =	vmul.u32 $0x8, v1;
	s11 =	simm.s32 $0x3;
	s7 =	sadd.s32 $0x600, s8;
	s8 =	sadd.s32 $0x900, s8  }
.LBB2_1:
0x12: {  	[tilespmem:s3], [sflag:$0x3] =	stream.linear.gather [hbm4b:s4+s3], $0x200, $0x38;
	[tilespmem:$0x6200] =	vst v63  }
0x13: {  	_ =	swait.ge [sflag:s11], $0x200  }
0x14: {  	[sflag:s11] =	ssyncset.done $0x0  }
0x15: {  	[sflag:s11] =	ssyncadd.s32 $0xFFFFFE00  }
0x16: {  	[tilespmem:s12], [sflag:$0x1] =	stream.linear.gather [hbm4b:s5+s3], $0x1800, $0x38;
	[tilespmem:$0x6200] =	vst v63  }
0x17: {  	_ = 	snop  }
0x18: {  	[tilespmem:s13], [sflag:$0x1] =	stream.linear.gather [hbm4b:s6+s3], $0x1800, $0x38;
	[tilespmem:$0x6200] =	vst v63  }
0x19: {  	_ = 	snop  }
0x1a: {  	[tilespmem:s14], [sflag:$0x1] =	stream.linear.gather [hbm4b:s7+s3], $0x1800, $0x38;
	[tilespmem:$0x6200] =	vst v63  }
0x1b: {  	_ = 	snop  }
0x1c: {  	[tilespmem:s15], [sflag:$0x1] =	stream.linear.gather [hbm4b:s8+s3], $0x1800, $0x38;
	[tilespmem:$0x6200] =	vst v63  }
0x1d: {  	_ =	swait.ge [sflag:s16], $0x1800  }
0x1e: {  	[sflag:s16] =	ssyncset.done $0x0  }
0x1f: {  	[sflag:s16] =	ssyncadd.s32 $0xFFFFE800  }
0x20: {  	v3 =	vld [tilespmem:$0x0];
	_ =	sdelay $0x4  }
0x21: {  	v4 =	vshrl.u32 v3, $0x3  }
0x22: {  	v4 =	vmul.u32 $0x18, v4  }
0x23: {  	v3 =	vand.u32 $0x7, v3  }
0x24: {  	v3 =	vor.u32 v3, v4  }
0x25: {  	v4 =	vperm.xlane v3, v0;
	_ =	sdelay $0x1  }
0x26: {  	v4 =	vadd.s32 v1, v4;
	_ =	sdelay $0x1  }
0x27: {  	v3 =	vperm.xlane v3, v2;
	_ =	sdelay $0x1  }
0x28: {  	v3 =	vadd.s32 v1, v3  }
0x29: {  	[hbm4b:s2+s3] =	stream.indirect_vreg.scatter [tilespmem:s12], [sflag:$0x2], $0x80, v4, vm0, $0xb8;
	[tilespmem:$0x6200] =	vst v63  }
0x2a: {  	_ = 	snop  }
0x2b: {  	[hbm4b:s9+s3] =	stream.indirect_vreg.scatter [tilespmem:s17], [sflag:$0x2], $0x80, v4, vm1, $0xb8;
	[tilespmem:$0x6200] =	vst v63  }
0x2c: {  	_ = 	snop  }
0x2d: {  	[hbm4b:s2+s3] =	stream.indirect_vreg.scatter [tilespmem:s18], [sflag:$0x2], $0x80, v3, vm0, $0xb8;
	[tilespmem:$0x6200] =	vst v63  }
0x2e: {  	_ = 	snop  }
0x2f: {  	[hbm4b:s9+s3] =	stream.indirect_vreg.scatter [tilespmem:s19], [sflag:$0x2], $0x80, v3, vm1, $0xb8;
	[tilespmem:$0x6200] =	vst v63  }
0x30: {  	_ =	swait.ge [sflag:s16], $0x1800  }
0x31: {  	[sflag:s16] =	ssyncset.done $0x0  }
0x32: {  	[sflag:s16] =	ssyncadd.s32 $0xFFFFE800  }
0x33: {  	v3 =	vld [tilespmem:$0x80];
	_ =	sdelay $0x4  }
0x34: {  	v61 =	vshrl.u32 v3, $0x3  }
0x35: {  	v4 =	vmul.u32 $0x18, v61  }
0x36: {  	v3 =	vand.u32 $0x7, v3  }
0x37: {  	v3 =	vor.u32 v3, v4  }
0x38: {  	v4 =	vperm.xlane v3, v0;
	_ =	sdelay $0x1  }
0x39: {  	v4 =	vadd.s32 v1, v4;
	_ =	sdelay $0x1  }
0x3a: {  	v3 =	vperm.xlane v3, v2;
	_ =	sdelay $0x1  }
0x3b: {  	v3 =	vadd.s32 v1, v3  }
0x3c: {  	[hbm4b:s2+s3] =	stream.indirect_vreg.scatter [tilespmem:s13], [sflag:$0x2], $0x80, v4, vm0, $0xb8;
	[tilespmem:$0x6200] =	vst v63  }
0x3d: {  	_ = 	snop  }
0x3e: {  	[hbm4b:s9+s3] =	stream.indirect_vreg.scatter [tilespmem:s20], [sflag:$0x2], $0x80, v4, vm1, $0xb8;
	[tilespmem:$0x6200] =	vst v63  }
0x3f: {  	_ = 	snop  }
0x40: {  	[hbm4b:s2+s3] =	stream.indirect_vreg.scatter [tilespmem:s21], [sflag:$0x2], $0x80, v3, vm0, $0xb8;
	[tilespmem:$0x6200] =	vst v63  }
0x41: {  	_ = 	snop  }
0x42: {  	[hbm4b:s9+s3] =	stream.indirect_vreg.scatter [tilespmem:s22], [sflag:$0x2], $0x80, v3, vm1, $0xb8;
	[tilespmem:$0x6200] =	vst v63  }
0x43: {  	_ =	swait.ge [sflag:s16], $0x1800  }
0x44: {  	[sflag:s16] =	ssyncset.done $0x0  }
0x45: {  	[sflag:s16] =	ssyncadd.s32 $0xFFFFE800  }
0x46: {  	v3 =	vld [tilespmem:$0x100];
	_ =	sdelay $0x4  }
0x47: {  	v62 =	vshrl.u32 v3, $0x3  }
0x48: {  	v4 =	vmul.u32 $0x18, v62  }
0x49: {  	v3 =	vand.u32 $0x7, v3  }
0x4a: {  	v3 =	vor.u32 v3, v4  }
0x4b: {  	v4 =	vperm.xlane v3, v0;
	_ =	sdelay $0x1  }
0x4c: {  	v4 =	vadd.s32 v1, v4;
	_ =	sdelay $0x1  }
0x4d: {  	v3 =	vperm.xlane v3, v2;
	_ =	sdelay $0x1  }
0x4e: {  	v3 =	vadd.s32 v1, v3  }
0x4f: {  	[hbm4b:s2+s3] =	stream.indirect_vreg.scatter [tilespmem:s14], [sflag:$0x2], $0x80, v4, vm0, $0xb8;
	[tilespmem:$0x6200] =	vst v63  }
0x50: {  	_ = 	snop  }
0x51: {  	[hbm4b:s9+s3] =	stream.indirect_vreg.scatter [tilespmem:s23], [sflag:$0x2], $0x80, v4, vm1, $0xb8;
	[tilespmem:$0x6200] =	vst v63  }
0x52: {  	_ = 	snop  }
0x53: {  	[hbm4b:s2+s3] =	stream.indirect_vreg.scatter [tilespmem:s24], [sflag:$0x2], $0x80, v3, vm0, $0xb8;
	[tilespmem:$0x6200] =	vst v63  }
0x54: {  	_ = 	snop  }
0x55: {  	[hbm4b:s9+s3] =	stream.indirect_vreg.scatter [tilespmem:s25], [sflag:$0x2], $0x80, v3, vm1, $0xb8;
	[tilespmem:$0x6200] =	vst v63  }
0x56: {  	_ =	swait.ge [sflag:s16], $0x1800  }
0x57: {  	[sflag:s16] =	ssyncset.done $0x0  }
0x58: {  	[sflag:s16] =	ssyncadd.s32 $0xFFFFE800  }
0x59: {  	v3 =	vld [tilespmem:$0x180];
	_ =	sdelay $0x4  }
0x5a: {  	v63 =	vshrl.u32 v3, $0x3  }
0x5b: {  	v4 =	vmul.u32 $0x18, v63  }
0x5c: {  	v3 =	vand.u32 $0x7, v3  }
0x5d: {  	v3 =	vor.u32 v3, v4  }
0x5e: {  	v4 =	vperm.xlane v3, v0;
	_ =	sdelay $0x1  }
0x5f: {  	v4 =	vadd.s32 v1, v4;
	_ =	sdelay $0x1  }
0x60: {  	v3 =	vperm.xlane v3, v2;
	_ =	sdelay $0x1  }
0x61: {  	v3 =	vadd.s32 v1, v3  }
0x62: {  	[hbm4b:s2+s3] =	stream.indirect_vreg.scatter [tilespmem:s15], [sflag:$0x2], $0x80, v4, vm0, $0xb8;
	[tilespmem:$0x6200] =	vst v63  }
0x63: {  	_ = 	snop  }
0x64: {  	[hbm4b:s9+s3] =	stream.indirect_vreg.scatter [tilespmem:s26], [sflag:$0x2], $0x80, v4, vm1, $0xb8;
	[tilespmem:$0x6200] =	vst v63  }
0x65: {  	_ = 	snop  }
0x66: {  	[hbm4b:s2+s3] =	stream.indirect_vreg.scatter [tilespmem:s28], [sflag:$0x2], $0x80, v3, vm0, $0xb8;
	[tilespmem:$0x6200] =	vst v63  }
0x67: {  	_ = 	snop  }
0x68: {  	[hbm4b:s9+s3] =	stream.indirect_vreg.scatter [tilespmem:s29], [sflag:$0x2], $0x80, v3, vm1, $0xb8;
	[tilespmem:$0x6200] =	vst v63  }
0x69: {  	_ =	swait.ge [sflag:s30], $0x1800  }
0x6a: {  	[sflag:s30] =	ssyncset.done $0x0  }
0x6b: {  	[sflag:s30] =	ssyncadd.s32 $0xFFFFE800  }
0x6c: {  	_ =	swait.ge [sflag:s30], $0x1800  }
0x6d: {  	[sflag:s30] =	ssyncset.done $0x0  }
0x6e: {  	[sflag:s30] =	ssyncadd.s32 $0xFFFFE800  }
0x6f: {  	p0 =	sne.s32 s10, $0x1;
	_ =	swait.ge [sflag:s30], $0x1800  }
.Ltmp0:
0x70: {  	[sflag:s30] =	ssyncset.done $0x0;
	(pc) =	sbr.rel @p0 .LBB2_1-.Ltmp0, $4  }
0x71: {  	[sflag:s30] =	ssyncadd.s32 $0xFFFFE800  }
0x72: {  	_ =	swait.ge [sflag:s30], $0x1800  }
0x73: {  	[sflag:s30] =	ssyncset.done $0x0  }
0x74: {  	s10 =	sadd.s32 $0xFFFFFFFF, s10;
	[sflag:s30] =	ssyncadd.s32 $0xFFFFE800  }
0x75: {  	_ =	sfence.sel $0x180000  }
0x76: {  	[bflag:$0x0] =	sbarrier.arrive $0xFFFF  }
0x77: {  	p0 =	sne.s32 s1, $0x0;
	_ =	strace $0x90000047  }
0x78: {  	s0 =	sadd.s32 @!p0 $0x100000, s0;
	[bflag:$0x2] =	sbarrier.arrive $0xFFFF  }
0x79: {  	[sflag:s0] =	ssyncadd.tile.s32 @!p0 $0x1;
	_ =	shalt  }
.Lfunc_end2:
_tile_overlayer_lowered:
.L_overlay_start_2:
0x7a: {  	(tag) =	ssettag $0x2  }
0x7b: {  	s0 =	rddreg [dreg:$0x0];
	s2 =	stileid.u32  }
0x7c: {  	s1 =	rddreg [dreg:$0x1];
	p0 =	sne.s32 s2, $0x0  }
0x7d: {  	s3 =	rddreg [dreg:$0x2];
	[bflag:$0x3] =	sbarrier.arrive $0xFFFF;
	s2 =	simm.s32 @!p0 $0x1C03  }
0x7e: {  	[timem:s3], [sflag:s2] =	dma.local @!p0 [hbm:s0], s1  }
0x7f: {  	s0 =	simm.s32 @!p0 $0x3  }
0x80: {  	_ =	swait.ge @!p0 [sflag:s0], s1  }
0x81: {  	s1 =	ssub.s32 @!p0 $0x0, s1;
	[sflag:s0] =	ssyncset.done @!p0 $0x0  }
0x82: {  	[sflag:s0] =	ssyncadd.s32 @!p0 s1  }
0x83: {  	[bflag:$0x3] =	sbarrier.arrive $0xFFFF  }
0x84: {  	_ =	shalt  }

</sc_bundles>
